<compile_context>
chip_gen: v7x
topology: tpu7x:2x2x1
jax: 0.10.2.dev20260603
libtpu: 0.0.44.dev20260713+nightly
codegen_flags: <defaults>
</compile_context>

<pallas_src>
import jax
import jax.numpy as jnp
from jax import lax
from jax.experimental import pallas as pl
from jax.experimental.pallas import tpu as pltpu
from jax.experimental.pallas import tpu_sc as plsc

N = 10000
E = 320000
DF = 128
DI = 32
D0 = DF + DI
DH = 224
HALF = DH // 2
NG = 64
NC = 2
NS = 16
TAB = 10240
ROWS_PT = TAB // NS
LAST_PT = N - (NS - 1) * ROWS_PT
W = 80
NROW = E // W
DEPTH = 2
DEPTH1 = 2
RB = 1000
GRID = N // RB
RBC = 1000
GRIDC = N // RBC
F32 = jnp.float32

_sc_mesh = plsc.VectorSubcoreMesh(core_axis_name="c", subcore_axis_name="s")



def _t0_body(x_ref, b_ref, s_ref, o_ref):
    oh = (b_ref[...] == lax.broadcasted_iota(jnp.int32, (1, NG), 1)).astype(F32)
    rep = jnp.dot(oh, s_ref[...], preferred_element_type=F32)
    o_ref[...] = jnp.concatenate([x_ref[...], rep], axis=1)


_t0_call = pl.pallas_call(
    _t0_body,
    grid=(GRID,),
    in_specs=[
        pl.BlockSpec((RB, DF), lambda i: (i, 0)),
        pl.BlockSpec((RB, 1), lambda i: (i, 0)),
        pl.BlockSpec((NG, DI), lambda i: (0, 0)),
    ],
    out_specs=pl.BlockSpec((RB, D0), lambda i: (i, 0)),
    out_shape=jax.ShapeDtypeStruct((N, D0), F32),
)



def _sc_deg_body(edges_hbm, deg_hbm, deg_sh, ones_v, zd_v, idst_v, sem):
    c = lax.axis_index("c")
    s = lax.axis_index("s")
    wid = c * NS + s
    zeros16 = jnp.zeros((16,), F32)
    ones16 = jnp.ones((16,), F32)

    @pl.loop(0, W)
    def _(i):
        ones_v[i] = ones16
        zd_v[i] = zeros16

    rbase = s * ROWS_PT
    @pl.loop(0, ROWS_PT // W)
    def _(k):
        pltpu.sync_copy(zd_v, deg_sh.at[pl.ds(rbase + k * W, W)])

    nch = NROW // (NC * NS)
    pltpu.sync_copy(edges_hbm.at[pl.ds(NROW + wid * nch, nch)], idst_v)
    plsc.subcore_barrier()

    @pl.loop(0, nch, step=5)
    def _(ch):
        for k in range(5):
            pltpu.async_copy(ones_v, deg_sh.at[idst_v.at[ch + k]], sem,
                             add=True)
        for k in range(5):
            pltpu.make_async_copy(ones_v, deg_sh.at[idst_v.at[ch + k]],
                                  sem).wait()

    plsc.subcore_barrier()

    obase = c * N + rbase

    @pl.when(s < NS - 1)
    def _():
        pltpu.sync_copy(deg_sh.at[pl.ds(rbase, ROWS_PT)],
                        deg_hbm.at[pl.ds(obase, ROWS_PT)])

    @pl.when(s == NS - 1)
    def _():
        pltpu.sync_copy(deg_sh.at[pl.ds(rbase, LAST_PT)],
                        deg_hbm.at[pl.ds(obase, LAST_PT)])


_deg_call = pl.kernel(
    _sc_deg_body,
    out_type=jax.ShapeDtypeStruct((NC * N, 16), F32),
    mesh=_sc_mesh,
    scratch_types=[
        pltpu.VMEM_SHARED((TAB, 16), F32),
        pltpu.VMEM((W, 16), F32),
        pltpu.VMEM((W, 16), F32),
        pltpu.VMEM((NROW // (NC * NS), W), jnp.int32),
        pltpu.SemaphoreType.DMA,
    ],
    compiler_params=pltpu.CompilerParams(use_tc_tiling_on_sc=False),
)



def _edge_pipeline(tbl_hbm, edges_hbm, tab_sh,
                   isrc_v, idst_v, rows_bufs, sems, semi,
                   tile_row_base, n_chunks):
    src_hbm = dst_hbm = edges_hbm
    dst_off = NROW
    depth = len(rows_bufs)
    n_blocks = n_chunks // depth
    tail = n_chunks % depth

    def start(idx_row, rows_v, sem):
        return pltpu.async_copy(tbl_hbm.at[isrc_v.at[idx_row]], rows_v, sem)

    def wait(idx_row, rows_v, sem):
        pltpu.make_async_copy(tbl_hbm.at[isrc_v.at[idx_row]], rows_v,
                              sem).wait()

    def scatter(idx_row, rows_v):
        pltpu.sync_copy(rows_v, tab_sh.at[idst_v.at[idx_row]], add=True)

    def idx_load(blk, half, sync, rows=depth):
        nb = tile_row_base + blk * depth
        if sync:
            pltpu.sync_copy(src_hbm.at[pl.ds(nb, rows)],
                            isrc_v.at[pl.ds(half, rows)])
            pltpu.sync_copy(dst_hbm.at[pl.ds(nb + dst_off, rows)],
                            idst_v.at[pl.ds(half, rows)])
        else:
            pltpu.async_copy(src_hbm.at[pl.ds(nb, rows)],
                             isrc_v.at[pl.ds(half, rows)], semi)
            pltpu.async_copy(dst_hbm.at[pl.ds(nb + dst_off, rows)],
                             idst_v.at[pl.ds(half, rows)], semi)

    def idx_wait(blk, half):
        nb = tile_row_base + blk * depth
        pltpu.make_async_copy(src_hbm.at[pl.ds(nb, depth)],
                              isrc_v.at[pl.ds(half, depth)], semi).wait()
        pltpu.make_async_copy(dst_hbm.at[pl.ds(nb + dst_off, depth)],
                              idst_v.at[pl.ds(half, depth)], semi).wait()

    idx_load(0, 0, True)
    start(0, rows_bufs[0], sems[0])
    if n_blocks > 1:
        idx_load(1, depth, False)

    @pl.loop(0, n_blocks)
    def _(blk):
        half = lax.rem(blk, 2) * depth
        nhalf = depth - half
        for j in range(depth - 1):
            start(half + j + 1, rows_bufs[j + 1], sems[j + 1])
        wait(half, rows_bufs[0], sems[0])
        scatter(half, rows_bufs[0])

        @pl.when(blk < n_blocks - 1)
        def _():
            idx_wait(blk + 1, nhalf)
            start(nhalf, rows_bufs[0], sems[0])

        for j in range(1, depth):
            wait(half + j, rows_bufs[j], sems[j])
            scatter(half + j, rows_bufs[j])

        @pl.when(blk < n_blocks - 2)
        def _():
            idx_load(blk + 2, half, False)

    if tail:
        last = tile_row_base + n_blocks * depth
        pltpu.sync_copy(src_hbm.at[pl.ds(last, tail)],
                        isrc_v.at[pl.ds(0, tail)])
        pltpu.sync_copy(dst_hbm.at[pl.ds(last + dst_off, tail)],
                        idst_v.at[pl.ds(0, tail)])
        for j in range(tail):
            start(j, rows_bufs[0], sems[0]).wait()
            scatter(j, rows_bufs[0])


def _zero_fill(rows_v, tab_sh, s, width):
    zeros16 = jnp.zeros((16,), F32)

    @pl.loop(0, W)
    def _(i):
        @pl.loop(0, width // 16)
        def _(j):
            rows_v[i, pl.ds(j * 16, 16)] = zeros16

    rbase = s * ROWS_PT
    @pl.loop(0, ROWS_PT // W)
    def _(k):
        pltpu.sync_copy(rows_v, tab_sh.at[pl.ds(rbase + k * W, W)])


def _write_out(tab_sh, out_hbm, c, s):
    rbase = s * ROWS_PT
    obase = c * N + rbase

    @pl.when(s < NS - 1)
    def _():
        pltpu.sync_copy(tab_sh.at[pl.ds(rbase, ROWS_PT)],
                        out_hbm.at[pl.ds(obase, ROWS_PT)])

    @pl.when(s == NS - 1)
    def _():
        pltpu.sync_copy(tab_sh.at[pl.ds(rbase, LAST_PT)],
                        out_hbm.at[pl.ds(obase, LAST_PT)])


def _sc_l0_body(t0_hbm, edges_hbm, agg_hbm,
                tab_sh, isrc_v, idst_v, *bufs_sems):
    bufs = list(bufs_sems[:DEPTH])
    sems = list(bufs_sems[DEPTH:2 * DEPTH])
    semi = bufs_sems[2 * DEPTH]
    c = lax.axis_index("c")
    s = lax.axis_index("s")
    wid = c * NS + s
    _zero_fill(bufs[0], tab_sh, s, D0)
    plsc.subcore_barrier()
    _edge_pipeline(t0_hbm, edges_hbm, tab_sh,
                   isrc_v, idst_v, bufs, sems,
                   semi, wid * (NROW // (NC * NS)), NROW // (NC * NS))
    plsc.subcore_barrier()
    _write_out(tab_sh, agg_hbm, c, s)


_l0_call = pl.kernel(
    _sc_l0_body,
    out_type=jax.ShapeDtypeStruct((NC * N, D0), F32),
    mesh=_sc_mesh,
    scratch_types=(
        [pltpu.VMEM_SHARED((TAB, D0), F32),
         pltpu.VMEM((2 * DEPTH, W), jnp.int32),
         pltpu.VMEM((2 * DEPTH, W), jnp.int32)]
        + [pltpu.VMEM((W, D0), F32)] * DEPTH
        + [pltpu.SemaphoreType.DMA] * (DEPTH + 1)
    ),
    compiler_params=pltpu.CompilerParams(use_tc_tiling_on_sc=False),
)



def _mid_body(t0_ref, aggA_ref, aggB_ref, degA_ref, degB_ref,
              wl0_ref, bl0_ref, wr0_ref, wl1_ref, wr1_ref,
              h1_ref, p1_ref, r1_ref):
    deg = jnp.maximum(degA_ref[:, 0:1] + degB_ref[:, 0:1], 1.0)
    mean = (aggA_ref[...] + aggB_ref[...]) / deg
    t0 = t0_ref[...]
    h1 = (jnp.dot(mean, wl0_ref[...], preferred_element_type=F32)
          + bl0_ref[...]
          + jnp.dot(t0, wr0_ref[...], preferred_element_type=F32))
    h1_ref[...] = h1
    rep = t0[:, DF:]
    p1 = (jnp.dot(h1, wl1_ref[0:DH, :], preferred_element_type=F32)
          + jnp.dot(rep, wl1_ref[DH:, :], preferred_element_type=F32))
    p1_ref[0] = p1[:, :HALF]
    p1_ref[1] = p1[:, HALF:]
    r1_ref[...] = (jnp.dot(h1, wr1_ref[0:DH, :], preferred_element_type=F32)
                   + jnp.dot(rep, wr1_ref[DH:, :], preferred_element_type=F32))


_mid_call = pl.pallas_call(
    _mid_body,
    grid=(GRID,),
    in_specs=[
        pl.BlockSpec((RB, D0), lambda i: (i, 0)),
        pl.BlockSpec((RB, D0), lambda i: (i, 0)),
        pl.BlockSpec((RB, D0), lambda i: (i + GRID, 0)),
        pl.BlockSpec((RB, 16), lambda i: (i, 0)),
        pl.BlockSpec((RB, 16), lambda i: (i + GRID, 0)),
        pl.BlockSpec((D0, DH), lambda i: (0, 0)),
        pl.BlockSpec((1, DH), lambda i: (0, 0)),
        pl.BlockSpec((D0, DH), lambda i: (0, 0)),
        pl.BlockSpec((DH + DI, DH), lambda i: (0, 0)),
        pl.BlockSpec((DH + DI, DH), lambda i: (0, 0)),
    ],
    out_specs=[
        pl.BlockSpec((RB, DH), lambda i: (i, 0)),
        pl.BlockSpec((2, RB, HALF), lambda i: (0, i, 0)),
        pl.BlockSpec((RB, DH), lambda i: (i, 0)),
    ],
    out_shape=[
        jax.ShapeDtypeStruct((N, DH), F32),
        jax.ShapeDtypeStruct((2, N, HALF), F32),
        jax.ShapeDtypeStruct((N, DH), F32),
    ],
)



def _sc_l1_body(p1a_hbm, p1b_hbm, edges_hbm, out_hbm,
                tab_sh, isrc_v, idst_v, *bufs_sems):
    bufs = list(bufs_sems[:DEPTH1])
    sems = list(bufs_sems[DEPTH1:2 * DEPTH1])
    semi = bufs_sems[2 * DEPTH1]
    c = lax.axis_index("c")
    s = lax.axis_index("s")
    _zero_fill(bufs[0], tab_sh, s, HALF)
    plsc.subcore_barrier()

    trb = s * (NROW // NS)
    nch = NROW // NS

    @pl.when(c == 0)
    def _():
        _edge_pipeline(p1a_hbm, edges_hbm, tab_sh,
                       isrc_v, idst_v, bufs, sems, semi, trb, nch)

    @pl.when(c == 1)
    def _():
        _edge_pipeline(p1b_hbm, edges_hbm, tab_sh,
                       isrc_v, idst_v, bufs, sems, semi, trb, nch)

    plsc.subcore_barrier()
    _write_out(tab_sh, out_hbm, c, s)


_l1_call = pl.kernel(
    _sc_l1_body,
    out_type=jax.ShapeDtypeStruct((NC * N, HALF), F32),
    mesh=_sc_mesh,
    scratch_types=(
        [pltpu.VMEM_SHARED((TAB, HALF), F32),
         pltpu.VMEM((2 * DEPTH1, W), jnp.int32),
         pltpu.VMEM((2 * DEPTH1, W), jnp.int32)]
        + [pltpu.VMEM((W, HALF), F32)] * DEPTH1
        + [pltpu.SemaphoreType.DMA] * (DEPTH1 + 1)
    ),
    compiler_params=pltpu.CompilerParams(use_tc_tiling_on_sc=False),
)



def _segmax_block(bs_ref, batch_ref, val_fn, acc_ref, i, width):
    @pl.when(i == 0)
    def _():
        acc_ref[...] = jnp.full((NG, width), -jnp.inf, F32)

    bmin = bs_ref[i * RBC]
    bmax = bs_ref[i * RBC + RBC - 1]
    gi = lax.broadcasted_iota(jnp.int32, (NG, 1), 0)

    def body(g, carry):
        m = jnp.where(batch_ref[...] == g, val_fn(), -jnp.inf)
        m = jnp.max(m, axis=0, keepdims=True)
        acc_ref[...] = jnp.where(gi == g, jnp.maximum(acc_ref[...], m),
                                 acc_ref[...])
        return carry

    lax.fori_loop(bmin, bmax + 1, body, 0)


def _pool1_body(bs_ref, batch_ref, h1_ref, o_ref, acc_ref):
    i = pl.program_id(0)
    _segmax_block(bs_ref, batch_ref, lambda: h1_ref[...], acc_ref, i, DH)

    @pl.when(i == pl.num_programs(0) - 1)
    def _():
        o_ref[...] = acc_ref[...]


_pool1_call = pl.pallas_call(
    _pool1_body,
    grid_spec=pltpu.PrefetchScalarGridSpec(
        num_scalar_prefetch=1,
        grid=(GRIDC,),
        in_specs=[
            pl.BlockSpec((RBC, 1), lambda i, b: (i, 0)),
            pl.BlockSpec((RBC, DH), lambda i, b: (i, 0)),
        ],
        out_specs=pl.BlockSpec((NG, DH), lambda i, b: (0, 0)),
        scratch_shapes=[pltpu.VMEM((NG, DH), F32)],
    ),
    out_shape=jax.ShapeDtypeStruct((NG, DH), F32),
)


def _out_body(bs_ref, batch_ref, a1A_ref, a1B_ref, degA_ref,
              degB_ref, r1_ref, bl1_ref, p1_ref, f1w_ref, f1b_ref,
              f2w_ref, f2b_ref, o_ref, acc_ref, hv_ref):
    i = pl.program_id(0)
    deg = jnp.maximum(degA_ref[:, 0:1] + degB_ref[:, 0:1], 1.0)
    hv_ref[...] = (jnp.concatenate([a1A_ref[...], a1B_ref[...]], axis=1)
                   / deg + bl1_ref[...] + r1_ref[...])
    _segmax_block(bs_ref, batch_ref, lambda: hv_ref[...], acc_ref, i, DH)

    @pl.when(i == pl.num_programs(0) - 1)
    def _():
        z = jnp.maximum(
            jnp.dot(p1_ref[...], f1w_ref[0:DH, :],
                    preferred_element_type=F32)
            + jnp.dot(acc_ref[...], f1w_ref[DH:, :],
                      preferred_element_type=F32)
            + f1b_ref[...], 0.0)
        o_ref[...] = (jnp.dot(z, f2w_ref[...], preferred_element_type=F32)
                      + f2b_ref[...])


_out_call = pl.pallas_call(
    _out_body,
    grid_spec=pltpu.PrefetchScalarGridSpec(
        num_scalar_prefetch=1,
        grid=(GRIDC,),
        in_specs=[
            pl.BlockSpec((RBC, 1), lambda i, b: (i, 0)),
            pl.BlockSpec((RBC, HALF), lambda i, b: (i, 0)),
            pl.BlockSpec((RBC, HALF), lambda i, b: (i + GRIDC, 0)),
            pl.BlockSpec((RBC, 16), lambda i, b: (i, 0)),
            pl.BlockSpec((RBC, 16), lambda i, b: (i + GRIDC, 0)),
            pl.BlockSpec((RBC, DH), lambda i, b: (i, 0)),
            pl.BlockSpec((1, DH), lambda i, b: (0, 0)),
            pl.BlockSpec((NG, DH), lambda i, b: (0, 0)),
            pl.BlockSpec((2 * DH, 256), lambda i, b: (0, 0)),
            pl.BlockSpec((1, 256), lambda i, b: (0, 0)),
            pl.BlockSpec((256, 10), lambda i, b: (0, 0)),
            pl.BlockSpec((1, 10), lambda i, b: (0, 0)),
        ],
        out_specs=pl.BlockSpec((NG, 10), lambda i, b: (0, 0)),
        scratch_shapes=[
            pltpu.VMEM((NG, DH), F32),
            pltpu.VMEM((RBC, DH), F32),
        ],
    ),
    out_shape=jax.ShapeDtypeStruct((NG, 10), F32),
)


@jax.jit
def _run(x, edge_index, batch, eigen_values, W_l0, b_l0, W_r0,
         W_l1, b_l1, W_r1, fc1_w, fc1_b, fc2_w, fc2_b):
    edges = edge_index.reshape(2 * NROW, W)
    batch2 = batch.reshape(N, 1)
    deg = _deg_call(edges)
    t0 = _t0_call(x, batch2, eigen_values)
    agg0 = _l0_call(t0, edges)
    h1, p1, r1 = _mid_call(t0, agg0, agg0, deg, deg,
                           W_l0, b_l0.reshape(1, DH), W_r0, W_l1, W_r1)
    pooled1 = _pool1_call(batch, batch2, h1)
    agg1 = _l1_call(p1[0], p1[1], edges)
    return _out_call(batch, batch2, agg1, agg1, deg, deg, r1,
                     b_l1.reshape(1, DH), pooled1, fc1_w,
                     fc1_b.reshape(1, 256), fc2_w, fc2_b.reshape(1, 10))


def kernel(x, edge_index, batch, eigen_values, W_l0, b_l0, W_r0,
           W_l1, b_l1, W_r1, fc1_w, fc1_b, fc2_w, fc2_b):
    return _run(x, edge_index, batch, eigen_values, W_l0, b_l0, W_r0,
                W_l1, b_l1, W_r1, fc1_w, fc1_b, fc2_w, fc2_b)

# --- scband reference (transcript-rebuilt; emitter-appended) ---
"""Pipeline reference for scband-graph-sage-sii-16630113370113 (READ-ONLY COPY).

The authoritative reference and input builder live on the scoring server;
editing this copy changes nothing except your own understanding.
"""

import jax, jax.numpy as jnp
import numpy as np

N_NODES = 10000
N_EDGES = 320000
D_FEAT = 128
INFO_DIM = 32
DIM_EMB = 256
OUT_HID = DIM_EMB - INFO_DIM  # 224
NUM_LAYERS = 2
NUM_GRAPHS = 64
DIM_TARGET = 10


def setup_inputs(seed: int = 0) -> dict:
    key = jax.random.key(seed)
    ks = jax.random.split(key, 16)
    x = jax.random.normal(ks[0], (N_NODES, D_FEAT), dtype=jnp.float32)
    edge_index = jax.random.randint(ks[1], (2, N_EDGES), 0, N_NODES, dtype=jnp.int32)
    batch = jnp.sort(jax.random.randint(ks[2], (N_NODES,), 0, NUM_GRAPHS, dtype=jnp.int32))
    eigen_values = jax.random.normal(ks[3], (NUM_GRAPHS, INFO_DIM), dtype=jnp.float32)
    # SAGEConv params: lin_l (neighbor agg, with bias), lin_r (root, no bias)
    in0 = D_FEAT + INFO_DIM  # 160
    in1 = DIM_EMB            # 256 (prev output 224 + info_dim 32)
    W_l0 = jax.random.normal(ks[4], (in0, OUT_HID), dtype=jnp.float32) * 0.05
    b_l0 = jnp.zeros((OUT_HID,), dtype=jnp.float32)
    W_r0 = jax.random.normal(ks[5], (in0, OUT_HID), dtype=jnp.float32) * 0.05
    W_l1 = jax.random.normal(ks[6], (in1, OUT_HID), dtype=jnp.float32) * 0.05
    b_l1 = jnp.zeros((OUT_HID,), dtype=jnp.float32)
    W_r1 = jax.random.normal(ks[7], (in1, OUT_HID), dtype=jnp.float32) * 0.05
    fc1_w = jax.random.normal(ks[8], (NUM_LAYERS * OUT_HID, DIM_EMB), dtype=jnp.float32) * 0.05
    fc1_b = jnp.zeros((DIM_EMB,), dtype=jnp.float32)
    fc2_w = jax.random.normal(ks[9], (DIM_EMB, DIM_TARGET), dtype=jnp.float32) * 0.05
    fc2_b = jnp.zeros((DIM_TARGET,), dtype=jnp.float32)
    return {"x": x, "edge_index": edge_index, "batch": batch, "eigen_values": eigen_values,
            "W_l0": W_l0, "b_l0": b_l0, "W_r0": W_r0,
            "W_l1": W_l1, "b_l1": b_l1, "W_r1": W_r1,
            "fc1_w": fc1_w, "fc1_b": fc1_b, "fc2_w": fc2_w, "fc2_b": fc2_b}


def _sage_conv(h, edge_index, W_l, b_l, W_r):
    # PyG SAGEConv with mean aggregation: lin_l(mean_{j in N(i)} x_j) + lin_r(x_i)
    src = edge_index[0]
    dst = edge_index[1]
    msg = jnp.take(h, src, axis=0)
    agg = jax.ops.segment_sum(msg, dst, num_segments=N_NODES)
    deg = jax.ops.segment_sum(jnp.ones((msg.shape[0],), dtype=h.dtype), dst, num_segments=N_NODES)
    mean = agg / jnp.maximum(deg, 1.0)[:, None]
    return mean @ W_l + b_l + h @ W_r


def reference(x, edge_index, batch, eigen_values,
              W_l0, b_l0, W_r0, W_l1, b_l1, W_r1,
              fc1_w, fc1_b, fc2_w, fc2_b):
    # struc_info == 'EigenValue': values already length info_dim -> identity processing
    struc_info = eigen_values
    repeated = jnp.take(struc_info, batch, axis=0)  # torch.index_select(struc, 0, batch)
    h = x
    x_all = []
    for (W_l, b_l, W_r) in ((W_l0, b_l0, W_r0), (W_l1, b_l1, W_r1)):
        inp = jnp.concatenate([h, repeated], axis=1)
        h = _sage_conv(inp, edge_index, W_l, b_l, W_r)
        x_all.append(h)
    hcat = jnp.concatenate(x_all, axis=1)
    pooled = jax.ops.segment_max(hcat, batch, num_segments=NUM_GRAPHS)
    z = jax.nn.relu(pooled @ fc1_w + fc1_b)
    out = z @ fc2_w + fc2_b
    return out

if __name__ == "__main__":
    import jax
    _d = setup_inputs()
    print(jax.jit(kernel)(*tuple(_d.values())))

</pallas_src>

<mosaic_0001>
#map = affine_map<(d0, d1) -> (0, 0)>
module attributes {stable_mosaic.version = 14 : i64} {
  func.func @_sc_deg_body(%arg0: i32, %arg1: i32, %arg2: memref<8000x80xi32, #tpu.memory_space<hbm>>, %arg3: memref<20000x16xf32, #tpu.memory_space<hbm>>, %arg4: memref<10240x16xf32, #tpu.memory_space<vmem_shared>>, %arg5: memref<80x16xf32, #tpu.memory_space<vmem>>, %arg6: memref<80x16xf32, #tpu.memory_space<vmem>>, %arg7: memref<125x80xi32, #tpu.memory_space<vmem>>, %arg8: memref<!tpu.dma_semaphore, #tpu.memory_space<semaphore_mem>>) attributes {dimension_semantics = [#tpu.dimension_semantics<core_parallel>, #tpu.dimension_semantics<subcore_parallel>], iteration_bounds = array<i64: 2, 16>, scalar_prefetch = 0 : i64, scratch_operands = 5 : i64, tpu.core_type = #tpu.core_type<sc_vector_subcore>, window_params = [{transform_indices = #map}, {transform_indices = #map}]} {
    %mul3A = arith.constant 16 : i32
    %mul3A_0 = arith.muli %arg0, %mul3A : i32
    %add3A = arith.addi %mul3A_0, %arg1 : i32
    %broadcast_in_dim3A = arith.constant 0.000000e+00 : f32
    %broadcast_in_dim3A_1 = vector.broadcast %broadcast_in_dim3A : f32 to vector<16xf32>
    %broadcast_in_dim3A_2 = arith.constant 1.000000e+00 : f32
    %broadcast_in_dim3A_3 = vector.broadcast %broadcast_in_dim3A_2 : f32 to vector<16xf32>
    %scan3A = arith.constant 0 : i32
    %scan3A_4 = arith.constant 80 : i32
    %scan3A_5 = arith.addi %scan3A, %scan3A_4 : i32
    %scan3A_6 = arith.constant 1 : i32
    scf.for %scan3A_34 = %scan3A to %scan3A_5 step %scan3A_6  : i32 {
      %mul3A_35 = arith.constant 1 : i32
      %mul3A_36 = arith.muli %scan3A_34, %mul3A_35 : i32
      %add3A_37 = arith.constant 0 : i32
      %add3A_38 = arith.addi %add3A_37, %mul3A_36 : i32
      %swap3A = arith.index_cast %add3A_38 : i32 to index
      %swap3A_39 = arith.constant 0 : index
      %swap3A_40 = tpu.vector_load %arg5[%swap3A, %swap3A_39] {strides = array<i32>} : memref<80x16xf32, #tpu.memory_space<vmem>>, vector<1x16xf32>,
      %swap3A_41 = vector.shape_cast %swap3A_40 : vector<1x16xf32> to vector<16xf32>
      %swap3A_42 = vector.shape_cast %broadcast_in_dim3A_3 : vector<16xf32> to vector<1x16xf32>
      tpu.vector_store %arg5[%swap3A, %swap3A_39], %swap3A_42 {strides = array<i32>} : memref<80x16xf32, #tpu.memory_space<vmem>>, vector<1x16xf32>,
      %swap3A_43 = arith.index_cast %add3A_38 : i32 to index
      %swap3A_44 = arith.constant 0 : index
      %swap3A_45 = tpu.vector_load %arg6[%swap3A_43, %swap3A_44] {strides = array<i32>} : memref<80x16xf32, #tpu.memory_space<vmem>>, vector<1x16xf32>,
      %swap3A_46 = vector.shape_cast %swap3A_45 : vector<1x16xf32> to vector<16xf32>
      %swap3A_47 = vector.shape_cast %broadcast_in_dim3A_1 : vector<16xf32> to vector<1x16xf32>
      tpu.vector_store %arg6[%swap3A_43, %swap3A_44], %swap3A_47 {strides = array<i32>} : memref<80x16xf32, #tpu.memory_space<vmem>>, vector<1x16xf32>,
    }
    %scan3A_7 = arith.constant 80 : i32
    %mul3A_8 = arith.constant 640 : i32
    %mul3A_9 = arith.muli %arg1, %mul3A_8 : i32
    %scan3A_10 = arith.constant 0 : i32
    %scan3A_11 = arith.constant 8 : i32
    %scan3A_12 = arith.addi %scan3A_10, %scan3A_11 : i32
    %scan3A_13 = arith.constant 1 : i32
    scf.for %scan3A_34 = %scan3A_10 to %scan3A_12 step %scan3A_13  : i32 {
      %mul3A_35 = arith.constant 1 : i32
      %mul3A_36 = arith.muli %scan3A_34, %mul3A_35 : i32
      %add3A_37 = arith.constant 0 : i32
      %add3A_38 = arith.addi %add3A_37, %mul3A_36 : i32
      %mul3A_39 = arith.constant 80 : i32
      %mul3A_40 = arith.muli %add3A_38, %mul3A_39 : i32
      %add3A_41 = arith.addi %mul3A_9, %mul3A_40 : i32
      "tpu.region"() ({
        %run_scoped3A = tpu.sem_alloc : memref<!tpu.dma_semaphore, #tpu.memory_space<semaphore_mem>>
        %dma_start3A = arith.constant 0 : i32
        %dma_start3A_42 = tpu.memref_slice %arg4[%add3A_41, %dma_start3A] : memref<10240x16xf32, #tpu.memory_space<vmem_shared>> -> memref<80x16xf32, #tpu.memory_space<vmem_shared>>
        %dma_start3A_43 = arith.constant 0 : i32
        %dma_start3A_44 = tpu.memref_slice %arg4[%add3A_41, %dma_start3A_43] : memref<10240x16xf32, #tpu.memory_space<vmem_shared>> -> memref<80x16xf32, #tpu.memory_space<vmem_shared>>
        tpu.enqueue_dma source(%arg6 : memref<80x16xf32, #tpu.memory_space<vmem>>) target(%dma_start3A_44 : memref<80x16xf32, #tpu.memory_space<vmem_shared>>) target_semaphore(%run_scoped3A : memref<!tpu.dma_semaphore, #tpu.memory_space<semaphore_mem>>)
        %dma_wait3A = arith.constant 0 : i32
        %dma_wait3A_45 = tpu.memref_slice %arg4[%add3A_41, %dma_wait3A] : memref<10240x16xf32, #tpu.memory_space<vmem_shared>> -> memref<80x16xf32, #tpu.memory_space<vmem_shared>>
        %dma_wait3A_46 = arith.constant 0 : i32
        %dma_wait3A_47 = tpu.memref_slice %arg4[%add3A_41, %dma_wait3A_46] : memref<10240x16xf32, #tpu.memory_space<vmem_shared>> -> memref<80x16xf32, #tpu.memory_space<vmem_shared>>
        tpu.wait_dma2 semaphore(%run_scoped3A : memref<!tpu.dma_semaphore, #tpu.memory_space<semaphore_mem>>) src(%arg6 : memref<80x16xf32, #tpu.memory_space<vmem>>) dst(%dma_wait3A_47 : memref<80x16xf32, #tpu.memory_space<vmem_shared>>)
        tpu.yield
      }) : () -> ()
    }
    %scan3A_14 = arith.constant 8 : i32
    %mul3A_15 = arith.constant 125 : i32
    %mul3A_16 = arith.muli %add3A, %mul3A_15 : i32
    %add3A_17 = arith.constant 4000 : i32
    %add3A_18 = arith.addi %add3A_17, %mul3A_16 : i32
    "tpu.region"() ({
      %run_scoped3A = tpu.sem_alloc : memref<!tpu.dma_semaphore, #tpu.memory_space<semaphore_mem>>
      %dma_start3A = arith.constant 0 : i32
      %dma_start3A_34 = tpu.memref_slice %arg2[%add3A_18, %dma_start3A] : memref<8000x80xi32, #tpu.memory_space<hbm>> -> memref<125x80xi32, #tpu.memory_space<hbm>>
      %dma_start3A_35 = arith.constant 0 : i32
      %dma_start3A_36 = tpu.memref_slice %arg2[%add3A_18, %dma_start3A_35] : memref<8000x80xi32, #tpu.memory_space<hbm>> -> memref<125x80xi32, #tpu.memory_space<hbm>>
      tpu.enqueue_dma source(%dma_start3A_36 : memref<125x80xi32, #tpu.memory_space<hbm>>) target(%arg7 : memref<125x80xi32, #tpu.memory_space<vmem>>) target_semaphore(%run_scoped3A : memref<!tpu.dma_semaphore, #tpu.memory_space<semaphore_mem>>)
      %dma_wait3A = arith.constant 0 : i32
      %dma_wait3A_37 = tpu.memref_slice %arg2[%add3A_18, %dma_wait3A] : memref<8000x80xi32, #tpu.memory_space<hbm>> -> memref<125x80xi32, #tpu.memory_space<hbm>>
      %dma_wait3A_38 = arith.constant 0 : i32
      %dma_wait3A_39 = tpu.memref_slice %arg2[%add3A_18, %dma_wait3A_38] : memref<8000x80xi32, #tpu.memory_space<hbm>> -> memref<125x80xi32, #tpu.memory_space<hbm>>
      tpu.wait_dma2 semaphore(%run_scoped3A : memref<!tpu.dma_semaphore, #tpu.memory_space<semaphore_mem>>) src(%dma_wait3A_39 : memref<125x80xi32, #tpu.memory_space<hbm>>) dst(%arg7 : memref<125x80xi32, #tpu.memory_space<vmem>>)
      tpu.yield
    }) : () -> ()
    %barrier3A = arith.constant 0 : index
    tpu.barrier barrier_id(%barrier3A)
    %scan3A_19 = arith.constant 0 : i32
    %scan3A_20 = arith.constant 25 : i32
    %scan3A_21 = arith.addi %scan3A_19, %scan3A_20 : i32
    %scan3A_22 = arith.constant 1 : i32
    scf.for %scan3A_34 = %scan3A_19 to %scan3A_21 step %scan3A_22  : i32 {
      %mul3A_35 = arith.constant 5 : i32
      %mul3A_36 = arith.muli %scan3A_34, %mul3A_35 : i32
      %add3A_37 = arith.constant 0 : i32
      %add3A_38 = arith.addi %add3A_37, %mul3A_36 : i32
      %add3A_39 = arith.constant 0 : i32
      %add3A_40 = arith.addi %add3A_38, %add3A_39 : i32
      %dma_start3A = arith.constant 0 : i32
      %dma_start3A_41 = tpu.memref_slice %arg7[%add3A_40, %dma_start3A] : memref<125x80xi32, #tpu.memory_space<vmem>> -> memref<1x80xi32, #tpu.memory_space<vmem>>
      %dma_start3A_42 = tpu.memref_squeeze %dma_start3A_41 : memref<1x80xi32, #tpu.memory_space<vmem>> -> memref<80xi32, #tpu.memory_space<vmem>>
      %dma_start3A_43 = arith.constant 0 : i32
      %dma_start3A_44 = arith.constant 0 : i32
      %dma_start3A_45 = tpu.memref_slice %arg4[%dma_start3A_43, %dma_start3A_44] : memref<10240x16xf32, #tpu.memory_space<vmem_shared>> -> memref<10240x16xf32, #tpu.memory_space<vmem_shared>>
      tpu.enqueue_indirect_dma source(%arg5 : memref<80x16xf32, #tpu.memory_space<vmem>>) target(%dma_start3A_45 : memref<10240x16xf32, #tpu.memory_space<vmem_shared>>) offsets(%dma_start3A_42 : memref<80xi32, #tpu.memory_space<vmem>>) semaphore(%arg8 : memref<!tpu.dma_semaphore, #tpu.memory_space<semaphore_mem>>) {add = true}
      %add3A_46 = arith.constant 1 : i32
      %add3A_47 = arith.addi %add3A_38, %add3A_46 : i32
      %dma_start3A_48 = arith.constant 0 : i32
      %dma_start3A_49 = tpu.memref_slice %arg7[%add3A_47, %dma_start3A_48] : memref<125x80xi32, #tpu.memory_space<vmem>> -> memref<1x80xi32, #tpu.memory_space<vmem>>
      %dma_start3A_50 = tpu.memref_squeeze %dma_start3A_49 : memref<1x80xi32, #tpu.memory_space<vmem>> -> memref<80xi32, #tpu.memory_space<vmem>>
      %dma_start3A_51 = arith.constant 0 : i32
      %dma_start3A_52 = arith.constant 0 : i32
      %dma_start3A_53 = tpu.memref_slice %arg4[%dma_start3A_51, %dma_start3A_52] : memref<10240x16xf32, #tpu.memory_space<vmem_shared>> -> memref<10240x16xf32, #tpu.memory_space<vmem_shared>>
      tpu.enqueue_indirect_dma source(%arg5 : memref<80x16xf32, #tpu.memory_space<vmem>>) target(%dma_start3A_53 : memref<10240x16xf32, #tpu.memory_space<vmem_shared>>) offsets(%dma_start3A_50 : memref<80xi32, #tpu.memory_space<vmem>>) semaphore(%arg8 : memref<!tpu.dma_semaphore, #tpu.memory_space<semaphore_mem>>) {add = true}
      %add3A_54 = arith.constant 2 : i32
      %add3A_55 = arith.addi %add3A_38, %add3A_54 : i32
      %dma_start3A_56 = arith.constant 0 : i32
      %dma_start3A_57 = tpu.memref_slice %arg7[%add3A_55, %dma_start3A_56] : memref<125x80xi32, #tpu.memory_space<vmem>> -> memref<1x80xi32, #tpu.memory_space<vmem>>
      %dma_start3A_58 = tpu.memref_squeeze %dma_start3A_57 : memref<1x80xi32, #tpu.memory_space<vmem>> -> memref<80xi32, #tpu.memory_space<vmem>>
      %dma_start3A_59 = arith.constant 0 : i32
      %dma_start3A_60 = arith.constant 0 : i32
      %dma_start3A_61 = tpu.memref_slice %arg4[%dma_start3A_59, %dma_start3A_60] : memref<10240x16xf32, #tpu.memory_space<vmem_shared>> -> memref<10240x16xf32, #tpu.memory_space<vmem_shared>>
      tpu.enqueue_indirect_dma source(%arg5 : memref<80x16xf32, #tpu.memory_space<vmem>>) target(%dma_start3A_61 : memref<10240x16xf32, #tpu.memory_space<vmem_shared>>) offsets(%dma_start3A_58 : memref<80xi32, #tpu.memory_space<vmem>>) semaphore(%arg8 : memref<!tpu.dma_semaphore, #tpu.memory_space<semaphore_mem>>) {add = true}
      %add3A_62 = arith.constant 3 : i32
      %add3A_63 = arith.addi %add3A_38, %add3A_62 : i32
      %dma_start3A_64 = arith.constant 0 : i32
      %dma_start3A_65 = tpu.memref_slice %arg7[%add3A_63, %dma_start3A_64] : memref<125x80xi32, #tpu.memory_space<vmem>> -> memref<1x80xi32, #tpu.memory_space<vmem>>
      %dma_start3A_66 = tpu.memref_squeeze %dma_start3A_65 : memref<1x80xi32, #tpu.memory_space<vmem>> -> memref<80xi32, #tpu.memory_space<vmem>>
      %dma_start3A_67 = arith.constant 0 : i32
      %dma_start3A_68 = arith.constant 0 : i32
      %dma_start3A_69 = tpu.memref_slice %arg4[%dma_start3A_67, %dma_start3A_68] : memref<10240x16xf32, #tpu.memory_space<vmem_shared>> -> memref<10240x16xf32, #tpu.memory_space<vmem_shared>>
      tpu.enqueue_indirect_dma source(%arg5 : memref<80x16xf32, #tpu.memory_space<vmem>>) target(%dma_start3A_69 : memref<10240x16xf32, #tpu.memory_space<vmem_shared>>) offsets(%dma_start3A_66 : memref<80xi32, #tpu.memory_space<vmem>>) semaphore(%arg8 : memref<!tpu.dma_semaphore, #tpu.memory_space<semaphore_mem>>) {add = true}
      %add3A_70 = arith.constant 4 : i32
      %add3A_71 = arith.addi %add3A_38, %add3A_70 : i32
      %dma_start3A_72 = arith.constant 0 : i32
      %dma_start3A_73 = tpu.memref_slice %arg7[%add3A_71, %dma_start3A_72] : memref<125x80xi32, #tpu.memory_space<vmem>> -> memref<1x80xi32, #tpu.memory_space<vmem>>
      %dma_start3A_74 = tpu.memref_squeeze %dma_start3A_73 : memref<1x80xi32, #tpu.memory_space<vmem>> -> memref<80xi32, #tpu.memory_space<vmem>>
      %dma_start3A_75 = arith.constant 0 : i32
      %dma_start3A_76 = arith.constant 0 : i32
      %dma_start3A_77 = tpu.memref_slice %arg4[%dma_start3A_75, %dma_start3A_76] : memref<10240x16xf32, #tpu.memory_space<vmem_shared>> -> memref<10240x16xf32, #tpu.memory_space<vmem_shared>>
      tpu.enqueue_indirect_dma source(%arg5 : memref<80x16xf32, #tpu.memory_space<vmem>>) target(%dma_start3A_77 : memref<10240x16xf32, #tpu.memory_space<vmem_shared>>) offsets(%dma_start3A_74 : memref<80xi32, #tpu.memory_space<vmem>>) semaphore(%arg8 : memref<!tpu.dma_semaphore, #tpu.memory_space<semaphore_mem>>) {add = true}
      %add3A_78 = arith.constant 0 : i32
      %add3A_79 = arith.addi %add3A_38, %add3A_78 : i32
      %dma_wait3A = arith.constant 0 : i32
      %dma_wait3A_80 = tpu.memref_slice %arg7[%add3A_79, %dma_wait3A] : memref<125x80xi32, #tpu.memory_space<vmem>> -> memref<1x80xi32, #tpu.memory_space<vmem>>
      %dma_wait3A_81 = tpu.memref_squeeze %dma_wait3A_80 : memref<1x80xi32, #tpu.memory_space<vmem>> -> memref<80xi32, #tpu.memory_space<vmem>>
      %dma_wait3A_82 = arith.constant 0 : i32
      %dma_wait3A_83 = arith.constant 0 : i32
      %dma_wait3A_84 = tpu.memref_slice %arg4[%dma_wait3A_82, %dma_wait3A_83] : memref<10240x16xf32, #tpu.memory_space<vmem_shared>> -> memref<10240x16xf32, #tpu.memory_space<vmem_shared>>
      tpu.wait_indirect_dma semaphore(%arg8 : memref<!tpu.dma_semaphore, #tpu.memory_space<semaphore_mem>>) src(%arg5 : memref<80x16xf32, #tpu.memory_space<vmem>>) dst(%dma_wait3A_84 : memref<10240x16xf32, #tpu.memory_space<vmem_shared>>)
      %add3A_85 = arith.constant 1 : i32
      %add3A_86 = arith.addi %add3A_38, %add3A_85 : i32
      %dma_wait3A_87 = arith.constant 0 : i32
      %dma_wait3A_88 = tpu.memref_slice %arg7[%add3A_86, %dma_wait3A_87] : memref<125x80xi32, #tpu.memory_space<vmem>> -> memref<1x80xi32, #tpu.memory_space<vmem>>
      %dma_wait3A_89 = tpu.memref_squeeze %dma_wait3A_88 : memref<1x80xi32, #tpu.memory_space<vmem>> -> memref<80xi32, #tpu.memory_space<vmem>>
      %dma_wait3A_90 = arith.constant 0 : i32
      %dma_wait3A_91 = arith.constant 0 : i32
      %dma_wait3A_92 = tpu.memref_slice %arg4[%dma_wait3A_90, %dma_wait3A_91] : memref<10240x16xf32, #tpu.memory_space<vmem_shared>> -> memref<10240x16xf32, #tpu.memory_space<vmem_shared>>
      tpu.wait_indirect_dma semaphore(%arg8 : memref<!tpu.dma_semaphore, #tpu.memory_space<semaphore_mem>>) src(%arg5 : memref<80x16xf32, #tpu.memory_space<vmem>>) dst(%dma_wait3A_92 : memref<10240x16xf32, #tpu.memory_space<vmem_shared>>)
      %add3A_93 = arith.constant 2 : i32
      %add3A_94 = arith.addi %add3A_38, %add3A_93 : i32
      %dma_wait3A_95 = arith.constant 0 : i32
      %dma_wait3A_96 = tpu.memref_slice %arg7[%add3A_94, %dma_wait3A_95] : memref<125x80xi32, #tpu.memory_space<vmem>> -> memref<1x80xi32, #tpu.memory_space<vmem>>
      %dma_wait3A_97 = tpu.memref_squeeze %dma_wait3A_96 : memref<1x80xi32, #tpu.memory_space<vmem>> -> memref<80xi32, #tpu.memory_space<vmem>>
      %dma_wait3A_98 = arith.constant 0 : i32
      %dma_wait3A_99 = arith.constant 0 : i32
      %dma_wait3A_100 = tpu.memref_slice %arg4[%dma_wait3A_98, %dma_wait3A_99] : memref<10240x16xf32, #tpu.memory_space<vmem_shared>> -> memref<10240x16xf32, #tpu.memory_space<vmem_shared>>
      tpu.wait_indirect_dma semaphore(%arg8 : memref<!tpu.dma_semaphore, #tpu.memory_space<semaphore_mem>>) src(%arg5 : memref<80x16xf32, #tpu.memory_space<vmem>>) dst(%dma_wait3A_100 : memref<10240x16xf32, #tpu.memory_space<vmem_shared>>)
      %add3A_101 = arith.constant 3 : i32
      %add3A_102 = arith.addi %add3A_38, %add3A_101 : i32
      %dma_wait3A_103 = arith.constant 0 : i32
      %dma_wait3A_104 = tpu.memref_slice %arg7[%add3A_102, %dma_wait3A_103] : memref<125x80xi32, #tpu.memory_space<vmem>> -> memref<1x80xi32, #tpu.memory_space<vmem>>
      %dma_wait3A_105 = tpu.memref_squeeze %dma_wait3A_104 : memref<1x80xi32, #tpu.memory_space<vmem>> -> memref<80xi32, #tpu.memory_space<vmem>>
      %dma_wait3A_106 = arith.constant 0 : i32
      %dma_wait3A_107 = arith.constant 0 : i32
      %dma_wait3A_108 = tpu.memref_slice %arg4[%dma_wait3A_106, %dma_wait3A_107] : memref<10240x16xf32, #tpu.memory_space<vmem_shared>> -> memref<10240x16xf32, #tpu.memory_space<vmem_shared>>
      tpu.wait_indirect_dma semaphore(%arg8 : memref<!tpu.dma_semaphore, #tpu.memory_space<semaphore_mem>>) src(%arg5 : memref<80x16xf32, #tpu.memory_space<vmem>>) dst(%dma_wait3A_108 : memref<10240x16xf32, #tpu.memory_space<vmem_shared>>)
      %add3A_109 = arith.constant 4 : i32
      %add3A_110 = arith.addi %add3A_38, %add3A_109 : i32
      %dma_wait3A_111 = arith.constant 0 : i32
      %dma_wait3A_112 = tpu.memref_slice %arg7[%add3A_110, %dma_wait3A_111] : memref<125x80xi32, #tpu.memory_space<vmem>> -> memref<1x80xi32, #tpu.memory_space<vmem>>
      %dma_wait3A_113 = tpu.memref_squeeze %dma_wait3A_112 : memref<1x80xi32, #tpu.memory_space<vmem>> -> memref<80xi32, #tpu.memory_space<vmem>>
      %dma_wait3A_114 = arith.constant 0 : i32
      %dma_wait3A_115 = arith.constant 0 : i32
      %dma_wait3A_116 = tpu.memref_slice %arg4[%dma_wait3A_114, %dma_wait3A_115] : memref<10240x16xf32, #tpu.memory_space<vmem_shared>> -> memref<10240x16xf32, #tpu.memory_space<vmem_shared>>
      tpu.wait_indirect_dma semaphore(%arg8 : memref<!tpu.dma_semaphore, #tpu.memory_space<semaphore_mem>>) src(%arg5 : memref<80x16xf32, #tpu.memory_space<vmem>>) dst(%dma_wait3A_116 : memref<10240x16xf32, #tpu.memory_space<vmem_shared>>)
    }
    %scan3A_23 = arith.constant 25 : i32
    %barrier3A_24 = arith.constant 0 : index
    tpu.barrier barrier_id(%barrier3A_24)
    %mul3A_25 = arith.constant 10000 : i32
    %mul3A_26 = arith.muli %arg0, %mul3A_25 : i32
    %add3A_27 = arith.addi %mul3A_26, %mul3A_9 : i32
    %lt3A = arith.constant 15 : i32
    %lt3A_28 = arith.cmpi slt, %arg1, %lt3A : i32
    %convert_element_type3A = arith.extui %lt3A_28 : i1 to i32
    %cond3A = arith.constant 0 : i32
    %cond3A_29 = arith.cmpi ne, %convert_element_type3A, %cond3A : i32
    scf.if %cond3A_29 {
      "tpu.region"() ({
        %run_scoped3A = tpu.sem_alloc : memref<!tpu.dma_semaphore, #tpu.memory_space<semaphore_mem>>
        %dma_start3A = arith.constant 0 : i32
        %dma_start3A_34 = tpu.memref_slice %arg3[%add3A_27, %dma_start3A] : memref<20000x16xf32, #tpu.memory_space<hbm>> -> memref<640x16xf32, #tpu.memory_space<hbm>>
        %dma_start3A_35 = arith.constant 0 : i32
        %dma_start3A_36 = tpu.memref_slice %arg4[%mul3A_9, %dma_start3A_35] : memref<10240x16xf32, #tpu.memory_space<vmem_shared>> -> memref<640x16xf32, #tpu.memory_space<vmem_shared>>
        tpu.enqueue_dma source(%dma_start3A_36 : memref<640x16xf32, #tpu.memory_space<vmem_shared>>) target(%dma_start3A_34 : memref<640x16xf32, #tpu.memory_space<hbm>>) target_semaphore(%run_scoped3A : memref<!tpu.dma_semaphore, #tpu.memory_space<semaphore_mem>>)
        %dma_wait3A = arith.constant 0 : i32
        %dma_wait3A_37 = tpu.memref_slice %arg3[%add3A_27, %dma_wait3A] : memref<20000x16xf32, #tpu.memory_space<hbm>> -> memref<640x16xf32, #tpu.memory_space<hbm>>
        %dma_wait3A_38 = arith.constant 0 : i32
        %dma_wait3A_39 = tpu.memref_slice %arg4[%mul3A_9, %dma_wait3A_38] : memref<10240x16xf32, #tpu.memory_space<vmem_shared>> -> memref<640x16xf32, #tpu.memory_space<vmem_shared>>
        tpu.wait_dma2 semaphore(%run_scoped3A : memref<!tpu.dma_semaphore, #tpu.memory_space<semaphore_mem>>) src(%dma_wait3A_39 : memref<640x16xf32, #tpu.memory_space<vmem_shared>>) dst(%dma_wait3A_37 : memref<640x16xf32, #tpu.memory_space<hbm>>)
        tpu.yield
      }) : () -> ()
    } else {
    }
    %eq3A = arith.constant 15 : i32
    %eq3A_30 = arith.cmpi eq, %arg1, %eq3A : i32
    %convert_element_type3A_31 = arith.extui %eq3A_30 : i1 to i32
    %cond3A_32 = arith.constant 0 : i32
    %cond3A_33 = arith.cmpi ne, %convert_element_type3A_31, %cond3A_32 : i32
    scf.if %cond3A_33 {
      "tpu.region"() ({
        %run_scoped3A = tpu.sem_alloc : memref<!tpu.dma_semaphore, #tpu.memory_space<semaphore_mem>>
        %dma_start3A = arith.constant 0 : i32
        %dma_start3A_34 = tpu.memref_slice %arg3[%add3A_27, %dma_start3A] : memref<20000x16xf32, #tpu.memory_space<hbm>> -> memref<400x16xf32, #tpu.memory_space<hbm>>
        %dma_start3A_35 = arith.constant 0 : i32
        %dma_start3A_36 = tpu.memref_slice %arg4[%mul3A_9, %dma_start3A_35] : memref<10240x16xf32, #tpu.memory_space<vmem_shared>> -> memref<400x16xf32, #tpu.memory_space<vmem_shared>>
        tpu.enqueue_dma source(%dma_start3A_36 : memref<400x16xf32, #tpu.memory_space<vmem_shared>>) target(%dma_start3A_34 : memref<400x16xf32, #tpu.memory_space<hbm>>) target_semaphore(%run_scoped3A : memref<!tpu.dma_semaphore, #tpu.memory_space<semaphore_mem>>)
        %dma_wait3A = arith.constant 0 : i32
        %dma_wait3A_37 = tpu.memref_slice %arg3[%add3A_27, %dma_wait3A] : memref<20000x16xf32, #tpu.memory_space<hbm>> -> memref<400x16xf32, #tpu.memory_space<hbm>>
        %dma_wait3A_38 = arith.constant 0 : i32
        %dma_wait3A_39 = tpu.memref_slice %arg4[%mul3A_9, %dma_wait3A_38] : memref<10240x16xf32, #tpu.memory_space<vmem_shared>> -> memref<400x16xf32, #tpu.memory_space<vmem_shared>>
        tpu.wait_dma2 semaphore(%run_scoped3A : memref<!tpu.dma_semaphore, #tpu.memory_space<semaphore_mem>>) src(%dma_wait3A_39 : memref<400x16xf32, #tpu.memory_space<vmem_shared>>) dst(%dma_wait3A_37 : memref<400x16xf32, #tpu.memory_space<hbm>>)
        tpu.yield
      }) : () -> ()
    } else {
    }
    return
  }
}

#map = affine_map<(d0, d1) -> (0, 0)>
module attributes {stable_mosaic.version = 14 : i64} {
  func.func @_sc_l1_body(%arg0: i32, %arg1: i32, %arg2: memref<10000x112xf32, #tpu.memory_space<hbm>>, %arg3: memref<10000x112xf32, #tpu.memory_space<hbm>>, %arg4: memref<8000x80xi32, #tpu.memory_space<hbm>>, %arg5: memref<20000x112xf32, #tpu.memory_space<hbm>>, %arg6: memref<10240x112xf32, #tpu.memory_space<vmem_shared>>, %arg7: memref<4x80xi32, #tpu.memory_space<vmem>>, %arg8: memref<4x80xi32, #tpu.memory_space<vmem>>, %arg9: memref<80x112xf32, #tpu.memory_space<vmem>>, %arg10: memref<80x112xf32, #tpu.memory_space<vmem>>, %arg11: memref<!tpu.dma_semaphore, #tpu.memory_space<semaphore_mem>>, %arg12: memref<!tpu.dma_semaphore, #tpu.memory_space<semaphore_mem>>, %arg13: memref<!tpu.dma_semaphore, #tpu.memory_space<semaphore_mem>>) attributes {dimension_semantics = [#tpu.dimension_semantics<core_parallel>, #tpu.dimension_semantics<subcore_parallel>], iteration_bounds = array<i64: 2, 16>, scalar_prefetch = 0 : i64, scratch_operands = 8 : i64, tpu.core_type = #tpu.core_type<sc_vector_subcore>, window_params = [{transform_indices = #map}, {transform_indices = #map}, {transform_indices = #map}, {transform_indices = #map}]} {
    %broadcast_in_dim3A = arith.constant 0.000000e+00 : f32
    %broadcast_in_dim3A_0 = vector.broadcast %broadcast_in_dim3A : f32 to vector<16xf32>
    %scan3A = arith.constant 0 : i32
    %scan3A_1 = arith.constant 80 : i32
    %scan3A_2 = arith.addi %scan3A, %scan3A_1 : i32
    %scan3A_3 = arith.constant 1 : i32
    scf.for %scan3A_34 = %scan3A to %scan3A_2 step %scan3A_3  : i32 {
      %mul3A_35 = arith.constant 1 : i32
      %mul3A_36 = arith.muli %scan3A_34, %mul3A_35 : i32
      %add3A_37 = arith.constant 0 : i32
      %add3A_38 = arith.addi %add3A_37, %mul3A_36 : i32
      %scan3A_39 = arith.constant 0 : i32
      %scan3A_40 = arith.constant 7 : i32
      %scan3A_41 = arith.addi %scan3A_39, %scan3A_40 : i32
      %scan3A_42 = arith.constant 1 : i32
      scf.for %scan3A_44 = %scan3A_39 to %scan3A_41 step %scan3A_42  : i32 {
        %mul3A_45 = arith.constant 1 : i32
        %mul3A_46 = arith.muli %scan3A_44, %mul3A_45 : i32
        %add3A_47 = arith.constant 0 : i32
        %add3A_48 = arith.addi %add3A_47, %mul3A_46 : i32
        %mul3A_49 = arith.constant 16 : i32
        %mul3A_50 = arith.muli %add3A_48, %mul3A_49 : i32
        %swap3A = arith.index_cast %add3A_38 : i32 to index
        %swap3A_51 = arith.index_cast %mul3A_50 : i32 to index
        %swap3A_52 = tpu.vector_load %arg9[%swap3A, %swap3A_51] {strides = array<i32>} : memref<80x112xf32, #tpu.memory_space<vmem>>, vector<1x16xf32>,
        %swap3A_53 = vector.shape_cast %swap3A_52 : vector<1x16xf32> to vector<16xf32>
        %swap3A_54 = vector.shape_cast %broadcast_in_dim3A_0 : vector<16xf32> to vector<1x16xf32>
        tpu.vector_store %arg9[%swap3A, %swap3A_51], %swap3A_54 {strides = array<i32>} : memref<80x112xf32, #tpu.memory_space<vmem>>, vector<1x16xf32>,
      }
      %scan3A_43 = arith.constant 7 : i32
    }
    %scan3A_4 = arith.constant 80 : i32
    %mul3A = arith.constant 640 : i32
    %mul3A_5 = arith.muli %arg1, %mul3A : i32
    %scan3A_6 = arith.constant 0 : i32
    %scan3A_7 = arith.constant 8 : i32
    %scan3A_8 = arith.addi %scan3A_6, %scan3A_7 : i32
    %scan3A_9 = arith.constant 1 : i32
    scf.for %scan3A_34 = %scan3A_6 to %scan3A_8 step %scan3A_9  : i32 {
      %mul3A_35 = arith.constant 1 : i32
      %mul3A_36 = arith.muli %scan3A_34, %mul3A_35 : i32
      %add3A_37 = arith.constant 0 : i32
      %add3A_38 = arith.addi %add3A_37, %mul3A_36 : i32
      %mul3A_39 = arith.constant 80 : i32
      %mul3A_40 = arith.muli %add3A_38, %mul3A_39 : i32
      %add3A_41 = arith.addi %mul3A_5, %mul3A_40 : i32
      "tpu.region"() ({
        %run_scoped3A = tpu.sem_alloc : memref<!tpu.dma_semaphore, #tpu.memory_space<semaphore_mem>>
        %dma_start3A = arith.constant 0 : i32
        %dma_start3A_42 = tpu.memref_slice %arg6[%add3A_41, %dma_start3A] : memref<10240x112xf32, #tpu.memory_space<vmem_shared>> -> memref<80x112xf32, #tpu.memory_space<vmem_shared>>
        %dma_start3A_43 = arith.constant 0 : i32
        %dma_start3A_44 = tpu.memref_slice %arg6[%add3A_41, %dma_start3A_43] : memref<10240x112xf32, #tpu.memory_space<vmem_shared>> -> memref<80x112xf32, #tpu.memory_space<vmem_shared>>
        tpu.enqueue_dma source(%arg9 : memref<80x112xf32, #tpu.memory_space<vmem>>) target(%dma_start3A_44 : memref<80x112xf32, #tpu.memory_space<vmem_shared>>) target_semaphore(%run_scoped3A : memref<!tpu.dma_semaphore, #tpu.memory_space<semaphore_mem>>)
        %dma_wait3A = arith.constant 0 : i32
        %dma_wait3A_45 = tpu.memref_slice %arg6[%add3A_41, %dma_wait3A] : memref<10240x112xf32, #tpu.memory_space<vmem_shared>> -> memref<80x112xf32, #tpu.memory_space<vmem_shared>>
        %dma_wait3A_46 = arith.constant 0 : i32
        %dma_wait3A_47 = tpu.memref_slice %arg6[%add3A_41, %dma_wait3A_46] : memref<10240x112xf32, #tpu.memory_space<vmem_shared>> -> memref<80x112xf32, #tpu.memory_space<vmem_shared>>
        tpu.wait_dma2 semaphore(%run_scoped3A : memref<!tpu.dma_semaphore, #tpu.memory_space<semaphore_mem>>) src(%arg9 : memref<80x112xf32, #tpu.memory_space<vmem>>) dst(%dma_wait3A_47 : memref<80x112xf32, #tpu.memory_space<vmem_shared>>)
        tpu.yield
      }) : () -> ()
    }
    %scan3A_10 = arith.constant 8 : i32
    %barrier3A = arith.constant 0 : index
    tpu.barrier barrier_id(%barrier3A)
    %mul3A_11 = arith.constant 250 : i32
    %mul3A_12 = arith.muli %arg1, %mul3A_11 : i32
    %eq3A = arith.constant 0 : i32
    %eq3A_13 = arith.cmpi eq, %arg0, %eq3A : i32
    %convert_element_type3A = arith.extui %eq3A_13 : i1 to i32
    %cond3A = arith.constant 0 : i32
    %cond3A_14 = arith.cmpi ne, %convert_element_type3A, %cond3A : i32
    scf.if %cond3A_14 {
      %add3A_34 = arith.constant 0 : i32
      %add3A_35 = arith.addi %mul3A_12, %add3A_34 : i32
      "tpu.region"() ({
        %run_scoped3A = tpu.sem_alloc : memref<!tpu.dma_semaphore, #tpu.memory_space<semaphore_mem>>
        %dma_start3A_73 = arith.constant 0 : i32
        %dma_start3A_74 = arith.constant 0 : i32
        %dma_start3A_75 = tpu.memref_slice %arg7[%dma_start3A_73, %dma_start3A_74] : memref<4x80xi32, #tpu.memory_space<vmem>> -> memref<2x80xi32, #tpu.memory_space<vmem>>
        %dma_start3A_76 = arith.constant 0 : i32
        %dma_start3A_77 = tpu.memref_slice %arg4[%add3A_35, %dma_start3A_76] : memref<8000x80xi32, #tpu.memory_space<hbm>> -> memref<2x80xi32, #tpu.memory_space<hbm>>
        %dma_start3A_78 = arith.constant 0 : i32
        %dma_start3A_79 = arith.constant 0 : i32
        %dma_start3A_80 = tpu.memref_slice %arg7[%dma_start3A_78, %dma_start3A_79] : memref<4x80xi32, #tpu.memory_space<vmem>> -> memref<2x80xi32, #tpu.memory_space<vmem>>
        %dma_start3A_81 = arith.constant 0 : i32
        %dma_start3A_82 = tpu.memref_slice %arg4[%add3A_35, %dma_start3A_81] : memref<8000x80xi32, #tpu.memory_space<hbm>> -> memref<2x80xi32, #tpu.memory_space<hbm>>
        tpu.enqueue_dma source(%dma_start3A_82 : memref<2x80xi32, #tpu.memory_space<hbm>>) target(%dma_start3A_80 : memref<2x80xi32, #tpu.memory_space<vmem>>) target_semaphore(%run_scoped3A : memref<!tpu.dma_semaphore, #tpu.memory_space<semaphore_mem>>)
        %dma_wait3A = arith.constant 0 : i32
        %dma_wait3A_83 = arith.constant 0 : i32
        %dma_wait3A_84 = tpu.memref_slice %arg7[%dma_wait3A, %dma_wait3A_83] : memref<4x80xi32, #tpu.memory_space<vmem>> -> memref<2x80xi32, #tpu.memory_space<vmem>>
        %dma_wait3A_85 = arith.constant 0 : i32
        %dma_wait3A_86 = tpu.memref_slice %arg4[%add3A_35, %dma_wait3A_85] : memref<8000x80xi32, #tpu.memory_space<hbm>> -> memref<2x80xi32, #tpu.memory_space<hbm>>
        %dma_wait3A_87 = arith.constant 0 : i32
        %dma_wait3A_88 = arith.constant 0 : i32
        %dma_wait3A_89 = tpu.memref_slice %arg7[%dma_wait3A_87, %dma_wait3A_88] : memref<4x80xi32, #tpu.memory_space<vmem>> -> memref<2x80xi32, #tpu.memory_space<vmem>>
        %dma_wait3A_90 = arith.constant 0 : i32
        %dma_wait3A_91 = tpu.memref_slice %arg4[%add3A_35, %dma_wait3A_90] : memref<8000x80xi32, #tpu.memory_space<hbm>> -> memref<2x80xi32, #tpu.memory_space<hbm>>
        tpu.wait_dma2 semaphore(%run_scoped3A : memref<!tpu.dma_semaphore, #tpu.memory_space<semaphore_mem>>) src(%dma_wait3A_91 : memref<2x80xi32, #tpu.memory_space<hbm>>) dst(%dma_wait3A_89 : memref<2x80xi32, #tpu.memory_space<vmem>>)
        tpu.yield
      }) : () -> ()
      %add3A_36 = arith.constant 4000 : i32
      %add3A_37 = arith.addi %add3A_35, %add3A_36 : i32
      "tpu.region"() ({
        %run_scoped3A = tpu.sem_alloc : memref<!tpu.dma_semaphore, #tpu.memory_space<semaphore_mem>>
        %dma_start3A_73 = arith.constant 0 : i32
        %dma_start3A_74 = arith.constant 0 : i32
        %dma_start3A_75 = tpu.memref_slice %arg8[%dma_start3A_73, %dma_start3A_74] : memref<4x80xi32, #tpu.memory_space<vmem>> -> memref<2x80xi32, #tpu.memory_space<vmem>>
        %dma_start3A_76 = arith.constant 0 : i32
        %dma_start3A_77 = tpu.memref_slice %arg4[%add3A_37, %dma_start3A_76] : memref<8000x80xi32, #tpu.memory_space<hbm>> -> memref<2x80xi32, #tpu.memory_space<hbm>>
        %dma_start3A_78 = arith.constant 0 : i32
        %dma_start3A_79 = arith.constant 0 : i32
        %dma_start3A_80 = tpu.memref_slice %arg8[%dma_start3A_78, %dma_start3A_79] : memref<4x80xi32, #tpu.memory_space<vmem>> -> memref<2x80xi32, #tpu.memory_space<vmem>>
        %dma_start3A_81 = arith.constant 0 : i32
        %dma_start3A_82 = tpu.memref_slice %arg4[%add3A_37, %dma_start3A_81] : memref<8000x80xi32, #tpu.memory_space<hbm>> -> memref<2x80xi32, #tpu.memory_space<hbm>>
        tpu.enqueue_dma source(%dma_start3A_82 : memref<2x80xi32, #tpu.memory_space<hbm>>) target(%dma_start3A_80 : memref<2x80xi32, #tpu.memory_space<vmem>>) target_semaphore(%run_scoped3A : memref<!tpu.dma_semaphore, #tpu.memory_space<semaphore_mem>>)
        %dma_wait3A = arith.constant 0 : i32
        %dma_wait3A_83 = arith.constant 0 : i32
        %dma_wait3A_84 = tpu.memref_slice %arg8[%dma_wait3A, %dma_wait3A_83] : memref<4x80xi32, #tpu.memory_space<vmem>> -> memref<2x80xi32, #tpu.memory_space<vmem>>
        %dma_wait3A_85 = arith.constant 0 : i32
        %dma_wait3A_86 = tpu.memref_slice %arg4[%add3A_37, %dma_wait3A_85] : memref<8000x80xi32, #tpu.memory_space<hbm>> -> memref<2x80xi32, #tpu.memory_space<hbm>>
        %dma_wait3A_87 = arith.constant 0 : i32
        %dma_wait3A_88 = arith.constant 0 : i32
        %dma_wait3A_89 = tpu.memref_slice %arg8[%dma_wait3A_87, %dma_wait3A_88] : memref<4x80xi32, #tpu.memory_space<vmem>> -> memref<2x80xi32, #tpu.memory_space<vmem>>
        %dma_wait3A_90 = arith.constant 0 : i32
        %dma_wait3A_91 = tpu.memref_slice %arg4[%add3A_37, %dma_wait3A_90] : memref<8000x80xi32, #tpu.memory_space<hbm>> -> memref<2x80xi32, #tpu.memory_space<hbm>>
        tpu.wait_dma2 semaphore(%run_scoped3A : memref<!tpu.dma_semaphore, #tpu.memory_space<semaphore_mem>>) src(%dma_wait3A_91 : memref<2x80xi32, #tpu.memory_space<hbm>>) dst(%dma_wait3A_89 : memref<2x80xi32, #tpu.memory_space<vmem>>)
        tpu.yield
      }) : () -> ()
      %dma_start3A = arith.constant 0 : i32
      %dma_start3A_38 = arith.constant 0 : i32
      %dma_start3A_39 = tpu.memref_slice %arg7[%dma_start3A, %dma_start3A_38] : memref<4x80xi32, #tpu.memory_space<vmem>> -> memref<1x80xi32, #tpu.memory_space<vmem>>
      %dma_start3A_40 = tpu.memref_squeeze %dma_start3A_39 : memref<1x80xi32, #tpu.memory_space<vmem>> -> memref<80xi32, #tpu.memory_space<vmem>>
      %dma_start3A_41 = arith.constant 0 : i32
      %dma_start3A_42 = arith.constant 0 : i32
      %dma_start3A_43 = tpu.memref_slice %arg2[%dma_start3A_41, %dma_start3A_42] : memref<10000x112xf32, #tpu.memory_space<hbm>> -> memref<10000x112xf32, #tpu.memory_space<hbm>>
      tpu.enqueue_indirect_dma source(%dma_start3A_43 : memref<10000x112xf32, #tpu.memory_space<hbm>>) target(%arg9 : memref<80x112xf32, #tpu.memory_space<vmem>>) offsets(%dma_start3A_40 : memref<80xi32, #tpu.memory_space<vmem>>) semaphore(%arg11 : memref<!tpu.dma_semaphore, #tpu.memory_space<semaphore_mem>>)
      %add3A_44 = arith.constant 2 : i32
      %add3A_45 = arith.addi %mul3A_12, %add3A_44 : i32
      %dma_start3A_46 = arith.constant 2 : i32
      %dma_start3A_47 = arith.constant 0 : i32
      %dma_start3A_48 = tpu.memref_slice %arg7[%dma_start3A_46, %dma_start3A_47] : memref<4x80xi32, #tpu.memory_space<vmem>> -> memref<2x80xi32, #tpu.memory_space<vmem>>
      %dma_start3A_49 = arith.constant 0 : i32
      %dma_start3A_50 = tpu.memref_slice %arg4[%add3A_45, %dma_start3A_49] : memref<8000x80xi32, #tpu.memory_space<hbm>> -> memref<2x80xi32, #tpu.memory_space<hbm>>
      %dma_start3A_51 = arith.constant 2 : i32
      %dma_start3A_52 = arith.constant 0 : i32
      %dma_start3A_53 = tpu.memref_slice %arg7[%dma_start3A_51, %dma_start3A_52] : memref<4x80xi32, #tpu.memory_space<vmem>> -> memref<2x80xi32, #tpu.memory_space<vmem>>
      %dma_start3A_54 = arith.constant 0 : i32
      %dma_start3A_55 = tpu.memref_slice %arg4[%add3A_45, %dma_start3A_54] : memref<8000x80xi32, #tpu.memory_space<hbm>> -> memref<2x80xi32, #tpu.memory_space<hbm>>
      tpu.enqueue_dma source(%dma_start3A_55 : memref<2x80xi32, #tpu.memory_space<hbm>>) target(%dma_start3A_53 : memref<2x80xi32, #tpu.memory_space<vmem>>) target_semaphore(%arg13 : memref<!tpu.dma_semaphore, #tpu.memory_space<semaphore_mem>>)
      %add3A_56 = arith.constant 4000 : i32
      %add3A_57 = arith.addi %add3A_45, %add3A_56 : i32
      %dma_start3A_58 = arith.constant 2 : i32
      %dma_start3A_59 = arith.constant 0 : i32
      %dma_start3A_60 = tpu.memref_slice %arg8[%dma_start3A_58, %dma_start3A_59] : memref<4x80xi32, #tpu.memory_space<vmem>> -> memref<2x80xi32, #tpu.memory_space<vmem>>
      %dma_start3A_61 = arith.constant 0 : i32
      %dma_start3A_62 = tpu.memref_slice %arg4[%add3A_57, %dma_start3A_61] : memref<8000x80xi32, #tpu.memory_space<hbm>> -> memref<2x80xi32, #tpu.memory_space<hbm>>
      %dma_start3A_63 = arith.constant 2 : i32
      %dma_start3A_64 = arith.constant 0 : i32
      %dma_start3A_65 = tpu.memref_slice %arg8[%dma_start3A_63, %dma_start3A_64] : memref<4x80xi32, #tpu.memory_space<vmem>> -> memref<2x80xi32, #tpu.memory_space<vmem>>
      %dma_start3A_66 = arith.constant 0 : i32
      %dma_start3A_67 = tpu.memref_slice %arg4[%add3A_57, %dma_start3A_66] : memref<8000x80xi32, #tpu.memory_space<hbm>> -> memref<2x80xi32, #tpu.memory_space<hbm>>
      tpu.enqueue_dma source(%dma_start3A_67 : memref<2x80xi32, #tpu.memory_space<hbm>>) target(%dma_start3A_65 : memref<2x80xi32, #tpu.memory_space<vmem>>) target_semaphore(%arg13 : memref<!tpu.dma_semaphore, #tpu.memory_space<semaphore_mem>>)
      %scan3A_68 = arith.constant 0 : i32
      %scan3A_69 = arith.constant 125 : i32
      %scan3A_70 = arith.addi %scan3A_68, %scan3A_69 : i32
      %scan3A_71 = arith.constant 1 : i32
      scf.for %scan3A_73 = %scan3A_68 to %scan3A_70 step %scan3A_71  : i32 {
        %mul3A_74 = arith.constant 1 : i32
        %mul3A_75 = arith.muli %scan3A_73, %mul3A_74 : i32
        %add3A_76 = arith.constant 0 : i32
        %add3A_77 = arith.addi %add3A_76, %mul3A_75 : i32
        %rem3A = arith.constant 2 : i32
        %rem3A_78 = arith.remsi %add3A_77, %rem3A : i32
        %mul3A_79 = arith.constant 2 : i32
        %mul3A_80 = arith.muli %rem3A_78, %mul3A_79 : i32
        %sub3A = arith.constant 2 : i32
        %sub3A_81 = arith.subi %sub3A, %mul3A_80 : i32
        %add3A_82 = arith.constant 0 : i32
        %add3A_83 = arith.addi %mul3A_80, %add3A_82 : i32
        %add3A_84 = arith.constant 1 : i32
        %add3A_85 = arith.addi %add3A_83, %add3A_84 : i32
        %dma_start3A_86 = arith.constant 0 : i32
        %dma_start3A_87 = tpu.memref_slice %arg7[%add3A_85, %dma_start3A_86] : memref<4x80xi32, #tpu.memory_space<vmem>> -> memref<1x80xi32, #tpu.memory_space<vmem>>
        %dma_start3A_88 = tpu.memref_squeeze %dma_start3A_87 : memref<1x80xi32, #tpu.memory_space<vmem>> -> memref<80xi32, #tpu.memory_space<vmem>>
        %dma_start3A_89 = arith.constant 0 : i32
        %dma_start3A_90 = arith.constant 0 : i32
        %dma_start3A_91 = tpu.memref_slice %arg2[%dma_start3A_89, %dma_start3A_90] : memref<10000x112xf32, #tpu.memory_space<hbm>> -> memref<10000x112xf32, #tpu.memory_space<hbm>>
        tpu.enqueue_indirect_dma source(%dma_start3A_91 : memref<10000x112xf32, #tpu.memory_space<hbm>>) target(%arg10 : memref<80x112xf32, #tpu.memory_space<vmem>>) offsets(%dma_start3A_88 : memref<80xi32, #tpu.memory_space<vmem>>) semaphore(%arg12 : memref<!tpu.dma_semaphore, #tpu.memory_space<semaphore_mem>>)
        %dma_wait3A = arith.constant 0 : i32
        %dma_wait3A_92 = tpu.memref_slice %arg7[%mul3A_80, %dma_wait3A] : memref<4x80xi32, #tpu.memory_space<vmem>> -> memref<1x80xi32, #tpu.memory_space<vmem>>
        %dma_wait3A_93 = tpu.memref_squeeze %dma_wait3A_92 : memref<1x80xi32, #tpu.memory_space<vmem>> -> memref<80xi32, #tpu.memory_space<vmem>>
        %dma_wait3A_94 = arith.constant 0 : i32
        %dma_wait3A_95 = arith.constant 0 : i32
        %dma_wait3A_96 = tpu.memref_slice %arg2[%dma_wait3A_94, %dma_wait3A_95] : memref<10000x112xf32, #tpu.memory_space<hbm>> -> memref<10000x112xf32, #tpu.memory_space<hbm>>
        tpu.wait_indirect_dma semaphore(%arg11 : memref<!tpu.dma_semaphore, #tpu.memory_space<semaphore_mem>>) src(%dma_wait3A_96 : memref<10000x112xf32, #tpu.memory_space<hbm>>) dst(%arg9 : memref<80x112xf32, #tpu.memory_space<vmem>>)
        "tpu.region"() ({
          %run_scoped3A = tpu.sem_alloc : memref<!tpu.dma_semaphore, #tpu.memory_space<semaphore_mem>>
          %dma_start3A_117 = arith.constant 0 : i32
          %dma_start3A_118 = tpu.memref_slice %arg8[%mul3A_80, %dma_start3A_117] : memref<4x80xi32, #tpu.memory_space<vmem>> -> memref<1x80xi32, #tpu.memory_space<vmem>>
          %dma_start3A_119 = tpu.memref_squeeze %dma_start3A_118 : memref<1x80xi32, #tpu.memory_space<vmem>> -> memref<80xi32, #tpu.memory_space<vmem>>
          %dma_start3A_120 = arith.constant 0 : i32
          %dma_start3A_121 = arith.constant 0 : i32
          %dma_start3A_122 = tpu.memref_slice %arg6[%dma_start3A_120, %dma_start3A_121] : memref<10240x112xf32, #tpu.memory_space<vmem_shared>> -> memref<10240x112xf32, #tpu.memory_space<vmem_shared>>
          tpu.enqueue_indirect_dma source(%arg9 : memref<80x112xf32, #tpu.memory_space<vmem>>) target(%dma_start3A_122 : memref<10240x112xf32, #tpu.memory_space<vmem_shared>>) offsets(%dma_start3A_119 : memref<80xi32, #tpu.memory_space<vmem>>) semaphore(%run_scoped3A : memref<!tpu.dma_semaphore, #tpu.memory_space<semaphore_mem>>) {add = true}
          %dma_wait3A_123 = arith.constant 0 : i32
          %dma_wait3A_124 = tpu.memref_slice %arg8[%mul3A_80, %dma_wait3A_123] : memref<4x80xi32, #tpu.memory_space<vmem>> -> memref<1x80xi32, #tpu.memory_space<vmem>>
          %dma_wait3A_125 = tpu.memref_squeeze %dma_wait3A_124 : memref<1x80xi32, #tpu.memory_space<vmem>> -> memref<80xi32, #tpu.memory_space<vmem>>
          %dma_wait3A_126 = arith.constant 0 : i32
          %dma_wait3A_127 = arith.constant 0 : i32
          %dma_wait3A_128 = tpu.memref_slice %arg6[%dma_wait3A_126, %dma_wait3A_127] : memref<10240x112xf32, #tpu.memory_space<vmem_shared>> -> memref<10240x112xf32, #tpu.memory_space<vmem_shared>>
          tpu.wait_indirect_dma semaphore(%run_scoped3A : memref<!tpu.dma_semaphore, #tpu.memory_space<semaphore_mem>>) src(%arg9 : memref<80x112xf32, #tpu.memory_space<vmem>>) dst(%dma_wait3A_128 : memref<10240x112xf32, #tpu.memory_space<vmem_shared>>)
          tpu.yield
        }) : () -> ()
        %lt3A_97 = arith.constant 124 : i32
        %lt3A_98 = arith.cmpi slt, %add3A_77, %lt3A_97 : i32
        %convert_element_type3A_99 = arith.extui %lt3A_98 : i1 to i32
        %cond3A_100 = arith.constant 0 : i32
        %cond3A_101 = arith.cmpi ne, %convert_element_type3A_99, %cond3A_100 : i32
        scf.if %cond3A_101 {
          %add3A_117 = arith.constant 1 : i32
          %add3A_118 = arith.addi %add3A_77, %add3A_117 : i32
          %mul3A_119 = arith.constant 2 : i32
          %mul3A_120 = arith.muli %add3A_118, %mul3A_119 : i32
          %add3A_121 = arith.addi %mul3A_12, %mul3A_120 : i32
          %dma_wait3A_122 = arith.constant 0 : i32
          %dma_wait3A_123 = tpu.memref_slice %arg7[%sub3A_81, %dma_wait3A_122] : memref<4x80xi32, #tpu.memory_space<vmem>> -> memref<2x80xi32, #tpu.memory_space<vmem>>
          %dma_wait3A_124 = arith.constant 0 : i32
          %dma_wait3A_125 = tpu.memref_slice %arg4[%add3A_121, %dma_wait3A_124] : memref<8000x80xi32, #tpu.memory_space<hbm>> -> memref<2x80xi32, #tpu.memory_space<hbm>>
          %dma_wait3A_126 = arith.constant 0 : i32
          %dma_wait3A_127 = tpu.memref_slice %arg7[%sub3A_81, %dma_wait3A_126] : memref<4x80xi32, #tpu.memory_space<vmem>> -> memref<2x80xi32, #tpu.memory_space<vmem>>
          %dma_wait3A_128 = arith.constant 0 : i32
          %dma_wait3A_129 = tpu.memref_slice %arg4[%add3A_121, %dma_wait3A_128] : memref<8000x80xi32, #tpu.memory_space<hbm>> -> memref<2x80xi32, #tpu.memory_space<hbm>>
          tpu.wait_dma2 semaphore(%arg13 : memref<!tpu.dma_semaphore, #tpu.memory_space<semaphore_mem>>) src(%dma_wait3A_129 : memref<2x80xi32, #tpu.memory_space<hbm>>) dst(%dma_wait3A_127 : memref<2x80xi32, #tpu.memory_space<vmem>>)
          %add3A_130 = arith.constant 4000 : i32
          %add3A_131 = arith.addi %add3A_121, %add3A_130 : i32
          %dma_wait3A_132 = arith.constant 0 : i32
          %dma_wait3A_133 = tpu.memref_slice %arg8[%sub3A_81, %dma_wait3A_132] : memref<4x80xi32, #tpu.memory_space<vmem>> -> memref<2x80xi32, #tpu.memory_space<vmem>>
          %dma_wait3A_134 = arith.constant 0 : i32
          %dma_wait3A_135 = tpu.memref_slice %arg4[%add3A_131, %dma_wait3A_134] : memref<8000x80xi32, #tpu.memory_space<hbm>> -> memref<2x80xi32, #tpu.memory_space<hbm>>
          %dma_wait3A_136 = arith.constant 0 : i32
          %dma_wait3A_137 = tpu.memref_slice %arg8[%sub3A_81, %dma_wait3A_136] : memref<4x80xi32, #tpu.memory_space<vmem>> -> memref<2x80xi32, #tpu.memory_space<vmem>>
          %dma_wait3A_138 = arith.constant 0 : i32
          %dma_wait3A_139 = tpu.memref_slice %arg4[%add3A_131, %dma_wait3A_138] : memref<8000x80xi32, #tpu.memory_space<hbm>> -> memref<2x80xi32, #tpu.memory_space<hbm>>
          tpu.wait_dma2 semaphore(%arg13 : memref<!tpu.dma_semaphore, #tpu.memory_space<semaphore_mem>>) src(%dma_wait3A_139 : memref<2x80xi32, #tpu.memory_space<hbm>>) dst(%dma_wait3A_137 : memref<2x80xi32, #tpu.memory_space<vmem>>)
          %dma_start3A_140 = arith.constant 0 : i32
          %dma_start3A_141 = tpu.memref_slice %arg7[%sub3A_81, %dma_start3A_140] : memref<4x80xi32, #tpu.memory_space<vmem>> -> memref<1x80xi32, #tpu.memory_space<vmem>>
          %dma_start3A_142 = tpu.memref_squeeze %dma_start3A_141 : memref<1x80xi32, #tpu.memory_space<vmem>> -> memref<80xi32, #tpu.memory_space<vmem>>
          %dma_start3A_143 = arith.constant 0 : i32
          %dma_start3A_144 = arith.constant 0 : i32
          %dma_start3A_145 = tpu.memref_slice %arg2[%dma_start3A_143, %dma_start3A_144] : memref<10000x112xf32, #tpu.memory_space<hbm>> -> memref<10000x112xf32, #tpu.memory_space<hbm>>
          tpu.enqueue_indirect_dma source(%dma_start3A_145 : memref<10000x112xf32, #tpu.memory_space<hbm>>) target(%arg9 : memref<80x112xf32, #tpu.memory_space<vmem>>) offsets(%dma_start3A_142 : memref<80xi32, #tpu.memory_space<vmem>>) semaphore(%arg11 : memref<!tpu.dma_semaphore, #tpu.memory_space<semaphore_mem>>)
        } else {
        }
        %add3A_102 = arith.constant 1 : i32
        %add3A_103 = arith.addi %mul3A_80, %add3A_102 : i32
        %dma_wait3A_104 = arith.constant 0 : i32
        %dma_wait3A_105 = tpu.memref_slice %arg7[%add3A_103, %dma_wait3A_104] : memref<4x80xi32, #tpu.memory_space<vmem>> -> memref<1x80xi32, #tpu.memory_space<vmem>>
        %dma_wait3A_106 = tpu.memref_squeeze %dma_wait3A_105 : memref<1x80xi32, #tpu.memory_space<vmem>> -> memref<80xi32, #tpu.memory_space<vmem>>
        %dma_wait3A_107 = arith.constant 0 : i32
        %dma_wait3A_108 = arith.constant 0 : i32
        %dma_wait3A_109 = tpu.memref_slice %arg2[%dma_wait3A_107, %dma_wait3A_108] : memref<10000x112xf32, #tpu.memory_space<hbm>> -> memref<10000x112xf32, #tpu.memory_space<hbm>>
        tpu.wait_indirect_dma semaphore(%arg12 : memref<!tpu.dma_semaphore, #tpu.memory_space<semaphore_mem>>) src(%dma_wait3A_109 : memref<10000x112xf32, #tpu.memory_space<hbm>>) dst(%arg10 : memref<80x112xf32, #tpu.memory_space<vmem>>)
        %add3A_110 = arith.constant 1 : i32
        %add3A_111 = arith.addi %mul3A_80, %add3A_110 : i32
        "tpu.region"() ({
          %run_scoped3A = tpu.sem_alloc : memref<!tpu.dma_semaphore, #tpu.memory_space<semaphore_mem>>
          %dma_start3A_117 = arith.constant 0 : i32
          %dma_start3A_118 = tpu.memref_slice %arg8[%add3A_111, %dma_start3A_117] : memref<4x80xi32, #tpu.memory_space<vmem>> -> memref<1x80xi32, #tpu.memory_space<vmem>>
          %dma_start3A_119 = tpu.memref_squeeze %dma_start3A_118 : memref<1x80xi32, #tpu.memory_space<vmem>> -> memref<80xi32, #tpu.memory_space<vmem>>
          %dma_start3A_120 = arith.constant 0 : i32
          %dma_start3A_121 = arith.constant 0 : i32
          %dma_start3A_122 = tpu.memref_slice %arg6[%dma_start3A_120, %dma_start3A_121] : memref<10240x112xf32, #tpu.memory_space<vmem_shared>> -> memref<10240x112xf32, #tpu.memory_space<vmem_shared>>
          tpu.enqueue_indirect_dma source(%arg10 : memref<80x112xf32, #tpu.memory_space<vmem>>) target(%dma_start3A_122 : memref<10240x112xf32, #tpu.memory_space<vmem_shared>>) offsets(%dma_start3A_119 : memref<80xi32, #tpu.memory_space<vmem>>) semaphore(%run_scoped3A : memref<!tpu.dma_semaphore, #tpu.memory_space<semaphore_mem>>) {add = true}
          %dma_wait3A_123 = arith.constant 0 : i32
          %dma_wait3A_124 = tpu.memref_slice %arg8[%add3A_111, %dma_wait3A_123] : memref<4x80xi32, #tpu.memory_space<vmem>> -> memref<1x80xi32, #tpu.memory_space<vmem>>
          %dma_wait3A_125 = tpu.memref_squeeze %dma_wait3A_124 : memref<1x80xi32, #tpu.memory_space<vmem>> -> memref<80xi32, #tpu.memory_space<vmem>>
          %dma_wait3A_126 = arith.constant 0 : i32
          %dma_wait3A_127 = arith.constant 0 : i32
          %dma_wait3A_128 = tpu.memref_slice %arg6[%dma_wait3A_126, %dma_wait3A_127] : memref<10240x112xf32, #tpu.memory_space<vmem_shared>> -> memref<10240x112xf32, #tpu.memory_space<vmem_shared>>
          tpu.wait_indirect_dma semaphore(%run_scoped3A : memref<!tpu.dma_semaphore, #tpu.memory_space<semaphore_mem>>) src(%arg10 : memref<80x112xf32, #tpu.memory_space<vmem>>) dst(%dma_wait3A_128 : memref<10240x112xf32, #tpu.memory_space<vmem_shared>>)
          tpu.yield
        }) : () -> ()
        %lt3A_112 = arith.constant 123 : i32
        %lt3A_113 = arith.cmpi slt, %add3A_77, %lt3A_112 : i32
        %convert_element_type3A_114 = arith.extui %lt3A_113 : i1 to i32
        %cond3A_115 = arith.constant 0 : i32
        %cond3A_116 = arith.cmpi ne, %convert_element_type3A_114, %cond3A_115 : i32
        scf.if %cond3A_116 {
          %add3A_117 = arith.constant 2 : i32
          %add3A_118 = arith.addi %add3A_77, %add3A_117 : i32
          %mul3A_119 = arith.constant 2 : i32
          %mul3A_120 = arith.muli %add3A_118, %mul3A_119 : i32
          %add3A_121 = arith.addi %mul3A_12, %mul3A_120 : i32
          %dma_start3A_122 = arith.constant 0 : i32
          %dma_start3A_123 = tpu.memref_slice %arg7[%mul3A_80, %dma_start3A_122] : memref<4x80xi32, #tpu.memory_space<vmem>> -> memref<2x80xi32, #tpu.memory_space<vmem>>
          %dma_start3A_124 = arith.constant 0 : i32
          %dma_start3A_125 = tpu.memref_slice %arg4[%add3A_121, %dma_start3A_124] : memref<8000x80xi32, #tpu.memory_space<hbm>> -> memref<2x80xi32, #tpu.memory_space<hbm>>
          %dma_start3A_126 = arith.constant 0 : i32
          %dma_start3A_127 = tpu.memref_slice %arg7[%mul3A_80, %dma_start3A_126] : memref<4x80xi32, #tpu.memory_space<vmem>> -> memref<2x80xi32, #tpu.memory_space<vmem>>
          %dma_start3A_128 = arith.constant 0 : i32
          %dma_start3A_129 = tpu.memref_slice %arg4[%add3A_121, %dma_start3A_128] : memref<8000x80xi32, #tpu.memory_space<hbm>> -> memref<2x80xi32, #tpu.memory_space<hbm>>
          tpu.enqueue_dma source(%dma_start3A_129 : memref<2x80xi32, #tpu.memory_space<hbm>>) target(%dma_start3A_127 : memref<2x80xi32, #tpu.memory_space<vmem>>) target_semaphore(%arg13 : memref<!tpu.dma_semaphore, #tpu.memory_space<semaphore_mem>>)
          %add3A_130 = arith.constant 4000 : i32
          %add3A_131 = arith.addi %add3A_121, %add3A_130 : i32
          %dma_start3A_132 = arith.constant 0 : i32
          %dma_start3A_133 = tpu.memref_slice %arg8[%mul3A_80, %dma_start3A_132] : memref<4x80xi32, #tpu.memory_space<vmem>> -> memref<2x80xi32, #tpu.memory_space<vmem>>
          %dma_start3A_134 = arith.constant 0 : i32
          %dma_start3A_135 = tpu.memref_slice %arg4[%add3A_131, %dma_start3A_134] : memref<8000x80xi32, #tpu.memory_space<hbm>> -> memref<2x80xi32, #tpu.memory_space<hbm>>
          %dma_start3A_136 = arith.constant 0 : i32
          %dma_start3A_137 = tpu.memref_slice %arg8[%mul3A_80, %dma_start3A_136] : memref<4x80xi32, #tpu.memory_space<vmem>> -> memref<2x80xi32, #tpu.memory_space<vmem>>
          %dma_start3A_138 = arith.constant 0 : i32
          %dma_start3A_139 = tpu.memref_slice %arg4[%add3A_131, %dma_start3A_138] : memref<8000x80xi32, #tpu.memory_space<hbm>> -> memref<2x80xi32, #tpu.memory_space<hbm>>
          tpu.enqueue_dma source(%dma_start3A_139 : memref<2x80xi32, #tpu.memory_space<hbm>>) target(%dma_start3A_137 : memref<2x80xi32, #tpu.memory_space<vmem>>) target_semaphore(%arg13 : memref<!tpu.dma_semaphore, #tpu.memory_space<semaphore_mem>>)
        } else {
        }
      }
      %scan3A_72 = arith.constant 125 : i32
    } else {
    }
    %eq3A_15 = arith.constant 1 : i32
    %eq3A_16 = arith.cmpi eq, %arg0, %eq3A_15 : i32
    %convert_element_type3A_17 = arith.extui %eq3A_16 : i1 to i32
    %cond3A_18 = arith.constant 0 : i32
    %cond3A_19 = arith.cmpi ne, %convert_element_type3A_17, %cond3A_18 : i32
    scf.if %cond3A_19 {
      %add3A_34 = arith.constant 0 : i32
      %add3A_35 = arith.addi %mul3A_12, %add3A_34 : i32
      "tpu.region"() ({
        %run_scoped3A = tpu.sem_alloc : memref<!tpu.dma_semaphore, #tpu.memory_space<semaphore_mem>>
        %dma_start3A_73 = arith.constant 0 : i32
        %dma_start3A_74 = arith.constant 0 : i32
        %dma_start3A_75 = tpu.memref_slice %arg7[%dma_start3A_73, %dma_start3A_74] : memref<4x80xi32, #tpu.memory_space<vmem>> -> memref<2x80xi32, #tpu.memory_space<vmem>>
        %dma_start3A_76 = arith.constant 0 : i32
        %dma_start3A_77 = tpu.memref_slice %arg4[%add3A_35, %dma_start3A_76] : memref<8000x80xi32, #tpu.memory_space<hbm>> -> memref<2x80xi32, #tpu.memory_space<hbm>>
        %dma_start3A_78 = arith.constant 0 : i32
        %dma_start3A_79 = arith.constant 0 : i32
        %dma_start3A_80 = tpu.memref_slice %arg7[%dma_start3A_78, %dma_start3A_79] : memref<4x80xi32, #tpu.memory_space<vmem>> -> memref<2x80xi32, #tpu.memory_space<vmem>>
        %dma_start3A_81 = arith.constant 0 : i32
        %dma_start3A_82 = tpu.memref_slice %arg4[%add3A_35, %dma_start3A_81] : memref<8000x80xi32, #tpu.memory_space<hbm>> -> memref<2x80xi32, #tpu.memory_space<hbm>>
        tpu.enqueue_dma source(%dma_start3A_82 : memref<2x80xi32, #tpu.memory_space<hbm>>) target(%dma_start3A_80 : memref<2x80xi32, #tpu.memory_space<vmem>>) target_semaphore(%run_scoped3A : memref<!tpu.dma_semaphore, #tpu.memory_space<semaphore_mem>>)
        %dma_wait3A = arith.constant 0 : i32
        %dma_wait3A_83 = arith.constant 0 : i32
        %dma_wait3A_84 = tpu.memref_slice %arg7[%dma_wait3A, %dma_wait3A_83] : memref<4x80xi32, #tpu.memory_space<vmem>> -> memref<2x80xi32, #tpu.memory_space<vmem>>
        %dma_wait3A_85 = arith.constant 0 : i32
        %dma_wait3A_86 = tpu.memref_slice %arg4[%add3A_35, %dma_wait3A_85] : memref<8000x80xi32, #tpu.memory_space<hbm>> -> memref<2x80xi32, #tpu.memory_space<hbm>>
        %dma_wait3A_87 = arith.constant 0 : i32
        %dma_wait3A_88 = arith.constant 0 : i32
        %dma_wait3A_89 = tpu.memref_slice %arg7[%dma_wait3A_87, %dma_wait3A_88] : memref<4x80xi32, #tpu.memory_space<vmem>> -> memref<2x80xi32, #tpu.memory_space<vmem>>
        %dma_wait3A_90 = arith.constant 0 : i32
        %dma_wait3A_91 = tpu.memref_slice %arg4[%add3A_35, %dma_wait3A_90] : memref<8000x80xi32, #tpu.memory_space<hbm>> -> memref<2x80xi32, #tpu.memory_space<hbm>>
        tpu.wait_dma2 semaphore(%run_scoped3A : memref<!tpu.dma_semaphore, #tpu.memory_space<semaphore_mem>>) src(%dma_wait3A_91 : memref<2x80xi32, #tpu.memory_space<hbm>>) dst(%dma_wait3A_89 : memref<2x80xi32, #tpu.memory_space<vmem>>)
        tpu.yield
      }) : () -> ()
      %add3A_36 = arith.constant 4000 : i32
      %add3A_37 = arith.addi %add3A_35, %add3A_36 : i32
      "tpu.region"() ({
        %run_scoped3A = tpu.sem_alloc : memref<!tpu.dma_semaphore, #tpu.memory_space<semaphore_mem>>
        %dma_start3A_73 = arith.constant 0 : i32
        %dma_start3A_74 = arith.constant 0 : i32
        %dma_start3A_75 = tpu.memref_slice %arg8[%dma_start3A_73, %dma_start3A_74] : memref<4x80xi32, #tpu.memory_space<vmem>> -> memref<2x80xi32, #tpu.memory_space<vmem>>
        %dma_start3A_76 = arith.constant 0 : i32
        %dma_start3A_77 = tpu.memref_slice %arg4[%add3A_37, %dma_start3A_76] : memref<8000x80xi32, #tpu.memory_space<hbm>> -> memref<2x80xi32, #tpu.memory_space<hbm>>
        %dma_start3A_78 = arith.constant 0 : i32
        %dma_start3A_79 = arith.constant 0 : i32
        %dma_start3A_80 = tpu.memref_slice %arg8[%dma_start3A_78, %dma_start3A_79] : memref<4x80xi32, #tpu.memory_space<vmem>> -> memref<2x80xi32, #tpu.memory_space<vmem>>
        %dma_start3A_81 = arith.constant 0 : i32
        %dma_start3A_82 = tpu.memref_slice %arg4[%add3A_37, %dma_start3A_81] : memref<8000x80xi32, #tpu.memory_space<hbm>> -> memref<2x80xi32, #tpu.memory_space<hbm>>
        tpu.enqueue_dma source(%dma_start3A_82 : memref<2x80xi32, #tpu.memory_space<hbm>>) target(%dma_start3A_80 : memref<2x80xi32, #tpu.memory_space<vmem>>) target_semaphore(%run_scoped3A : memref<!tpu.dma_semaphore, #tpu.memory_space<semaphore_mem>>)
        %dma_wait3A = arith.constant 0 : i32
        %dma_wait3A_83 = arith.constant 0 : i32
        %dma_wait3A_84 = tpu.memref_slice %arg8[%dma_wait3A, %dma_wait3A_83] : memref<4x80xi32, #tpu.memory_space<vmem>> -> memref<2x80xi32, #tpu.memory_space<vmem>>
        %dma_wait3A_85 = arith.constant 0 : i32
        %dma_wait3A_86 = tpu.memref_slice %arg4[%add3A_37, %dma_wait3A_85] : memref<8000x80xi32, #tpu.memory_space<hbm>> -> memref<2x80xi32, #tpu.memory_space<hbm>>
        %dma_wait3A_87 = arith.constant 0 : i32
        %dma_wait3A_88 = arith.constant 0 : i32
        %dma_wait3A_89 = tpu.memref_slice %arg8[%dma_wait3A_87, %dma_wait3A_88] : memref<4x80xi32, #tpu.memory_space<vmem>> -> memref<2x80xi32, #tpu.memory_space<vmem>>
        %dma_wait3A_90 = arith.constant 0 : i32
        %dma_wait3A_91 = tpu.memref_slice %arg4[%add3A_37, %dma_wait3A_90] : memref<8000x80xi32, #tpu.memory_space<hbm>> -> memref<2x80xi32, #tpu.memory_space<hbm>>
        tpu.wait_dma2 semaphore(%run_scoped3A : memref<!tpu.dma_semaphore, #tpu.memory_space<semaphore_mem>>) src(%dma_wait3A_91 : memref<2x80xi32, #tpu.memory_space<hbm>>) dst(%dma_wait3A_89 : memref<2x80xi32, #tpu.memory_space<vmem>>)
        tpu.yield
      }) : () -> ()
      %dma_start3A = arith.constant 0 : i32
      %dma_start3A_38 = arith.constant 0 : i32
      %dma_start3A_39 = tpu.memref_slice %arg7[%dma_start3A, %dma_start3A_38] : memref<4x80xi32, #tpu.memory_space<vmem>> -> memref<1x80xi32, #tpu.memory_space<vmem>>
      %dma_start3A_40 = tpu.memref_squeeze %dma_start3A_39 : memref<1x80xi32, #tpu.memory_space<vmem>> -> memref<80xi32, #tpu.memory_space<vmem>>
      %dma_start3A_41 = arith.constant 0 : i32
      %dma_start3A_42 = arith.constant 0 : i32
      %dma_start3A_43 = tpu.memref_slice %arg3[%dma_start3A_41, %dma_start3A_42] : memref<10000x112xf32, #tpu.memory_space<hbm>> -> memref<10000x112xf32, #tpu.memory_space<hbm>>
      tpu.enqueue_indirect_dma source(%dma_start3A_43 : memref<10000x112xf32, #tpu.memory_space<hbm>>) target(%arg9 : memref<80x112xf32, #tpu.memory_space<vmem>>) offsets(%dma_start3A_40 : memref<80xi32, #tpu.memory_space<vmem>>) semaphore(%arg11 : memref<!tpu.dma_semaphore, #tpu.memory_space<semaphore_mem>>)
      %add3A_44 = arith.constant 2 : i32
      %add3A_45 = arith.addi %mul3A_12, %add3A_44 : i32
      %dma_start3A_46 = arith.constant 2 : i32
      %dma_start3A_47 = arith.constant 0 : i32
      %dma_start3A_48 = tpu.memref_slice %arg7[%dma_start3A_46, %dma_start3A_47] : memref<4x80xi32, #tpu.memory_space<vmem>> -> memref<2x80xi32, #tpu.memory_space<vmem>>
      %dma_start3A_49 = arith.constant 0 : i32
      %dma_start3A_50 = tpu.memref_slice %arg4[%add3A_45, %dma_start3A_49] : memref<8000x80xi32, #tpu.memory_space<hbm>> -> memref<2x80xi32, #tpu.memory_space<hbm>>
      %dma_start3A_51 = arith.constant 2 : i32
      %dma_start3A_52 = arith.constant 0 : i32
      %dma_start3A_53 = tpu.memref_slice %arg7[%dma_start3A_51, %dma_start3A_52] : memref<4x80xi32, #tpu.memory_space<vmem>> -> memref<2x80xi32, #tpu.memory_space<vmem>>
      %dma_start3A_54 = arith.constant 0 : i32
      %dma_start3A_55 = tpu.memref_slice %arg4[%add3A_45, %dma_start3A_54] : memref<8000x80xi32, #tpu.memory_space<hbm>> -> memref<2x80xi32, #tpu.memory_space<hbm>>
      tpu.enqueue_dma source(%dma_start3A_55 : memref<2x80xi32, #tpu.memory_space<hbm>>) target(%dma_start3A_53 : memref<2x80xi32, #tpu.memory_space<vmem>>) target_semaphore(%arg13 : memref<!tpu.dma_semaphore, #tpu.memory_space<semaphore_mem>>)
      %add3A_56 = arith.constant 4000 : i32
      %add3A_57 = arith.addi %add3A_45, %add3A_56 : i32
      %dma_start3A_58 = arith.constant 2 : i32
      %dma_start3A_59 = arith.constant 0 : i32
      %dma_start3A_60 = tpu.memref_slice %arg8[%dma_start3A_58, %dma_start3A_59] : memref<4x80xi32, #tpu.memory_space<vmem>> -> memref<2x80xi32, #tpu.memory_space<vmem>>
      %dma_start3A_61 = arith.constant 0 : i32
      %dma_start3A_62 = tpu.memref_slice %arg4[%add3A_57, %dma_start3A_61] : memref<8000x80xi32, #tpu.memory_space<hbm>> -> memref<2x80xi32, #tpu.memory_space<hbm>>
      %dma_start3A_63 = arith.constant 2 : i32
      %dma_start3A_64 = arith.constant 0 : i32
      %dma_start3A_65 = tpu.memref_slice %arg8[%dma_start3A_63, %dma_start3A_64] : memref<4x80xi32, #tpu.memory_space<vmem>> -> memref<2x80xi32, #tpu.memory_space<vmem>>
      %dma_start3A_66 = arith.constant 0 : i32
      %dma_start3A_67 = tpu.memref_slice %arg4[%add3A_57, %dma_start3A_66] : memref<8000x80xi32, #tpu.memory_space<hbm>> -> memref<2x80xi32, #tpu.memory_space<hbm>>
      tpu.enqueue_dma source(%dma_start3A_67 : memref<2x80xi32, #tpu.memory_space<hbm>>) target(%dma_start3A_65 : memref<2x80xi32, #tpu.memory_space<vmem>>) target_semaphore(%arg13 : memref<!tpu.dma_semaphore, #tpu.memory_space<semaphore_mem>>)
      %scan3A_68 = arith.constant 0 : i32
      %scan3A_69 = arith.constant 125 : i32
      %scan3A_70 = arith.addi %scan3A_68, %scan3A_69 : i32
      %scan3A_71 = arith.constant 1 : i32
      scf.for %scan3A_73 = %scan3A_68 to %scan3A_70 step %scan3A_71  : i32 {
        %mul3A_74 = arith.constant 1 : i32
        %mul3A_75 = arith.muli %scan3A_73, %mul3A_74 : i32
        %add3A_76 = arith.constant 0 : i32
        %add3A_77 = arith.addi %add3A_76, %mul3A_75 : i32
        %rem3A = arith.constant 2 : i32
        %rem3A_78 = arith.remsi %add3A_77, %rem3A : i32
        %mul3A_79 = arith.constant 2 : i32
        %mul3A_80 = arith.muli %rem3A_78, %mul3A_79 : i32
        %sub3A = arith.constant 2 : i32
        %sub3A_81 = arith.subi %sub3A, %mul3A_80 : i32
        %add3A_82 = arith.constant 0 : i32
        %add3A_83 = arith.addi %mul3A_80, %add3A_82 : i32
        %add3A_84 = arith.constant 1 : i32
        %add3A_85 = arith.addi %add3A_83, %add3A_84 : i32
        %dma_start3A_86 = arith.constant 0 : i32
        %dma_start3A_87 = tpu.memref_slice %arg7[%add3A_85, %dma_start3A_86] : memref<4x80xi32, #tpu.memory_space<vmem>> -> memref<1x80xi32, #tpu.memory_space<vmem>>
        %dma_start3A_88 = tpu.memref_squeeze %dma_start3A_87 : memref<1x80xi32, #tpu.memory_space<vmem>> -> memref<80xi32, #tpu.memory_space<vmem>>
        %dma_start3A_89 = arith.constant 0 : i32
        %dma_start3A_90 = arith.constant 0 : i32
        %dma_start3A_91 = tpu.memref_slice %arg3[%dma_start3A_89, %dma_start3A_90] : memref<10000x112xf32, #tpu.memory_space<hbm>> -> memref<10000x112xf32, #tpu.memory_space<hbm>>
        tpu.enqueue_indirect_dma source(%dma_start3A_91 : memref<10000x112xf32, #tpu.memory_space<hbm>>) target(%arg10 : memref<80x112xf32, #tpu.memory_space<vmem>>) offsets(%dma_start3A_88 : memref<80xi32, #tpu.memory_space<vmem>>) semaphore(%arg12 : memref<!tpu.dma_semaphore, #tpu.memory_space<semaphore_mem>>)
        %dma_wait3A = arith.constant 0 : i32
        %dma_wait3A_92 = tpu.memref_slice %arg7[%mul3A_80, %dma_wait3A] : memref<4x80xi32, #tpu.memory_space<vmem>> -> memref<1x80xi32, #tpu.memory_space<vmem>>
        %dma_wait3A_93 = tpu.memref_squeeze %dma_wait3A_92 : memref<1x80xi32, #tpu.memory_space<vmem>> -> memref<80xi32, #tpu.memory_space<vmem>>
        %dma_wait3A_94 = arith.constant 0 : i32
        %dma_wait3A_95 = arith.constant 0 : i32
        %dma_wait3A_96 = tpu.memref_slice %arg3[%dma_wait3A_94, %dma_wait3A_95] : memref<10000x112xf32, #tpu.memory_space<hbm>> -> memref<10000x112xf32, #tpu.memory_space<hbm>>
        tpu.wait_indirect_dma semaphore(%arg11 : memref<!tpu.dma_semaphore, #tpu.memory_space<semaphore_mem>>) src(%dma_wait3A_96 : memref<10000x112xf32, #tpu.memory_space<hbm>>) dst(%arg9 : memref<80x112xf32, #tpu.memory_space<vmem>>)
        "tpu.region"() ({
          %run_scoped3A = tpu.sem_alloc : memref<!tpu.dma_semaphore, #tpu.memory_space<semaphore_mem>>
          %dma_start3A_117 = arith.constant 0 : i32
          %dma_start3A_118 = tpu.memref_slice %arg8[%mul3A_80, %dma_start3A_117] : memref<4x80xi32, #tpu.memory_space<vmem>> -> memref<1x80xi32, #tpu.memory_space<vmem>>
          %dma_start3A_119 = tpu.memref_squeeze %dma_start3A_118 : memref<1x80xi32, #tpu.memory_space<vmem>> -> memref<80xi32, #tpu.memory_space<vmem>>
          %dma_start3A_120 = arith.constant 0 : i32
          %dma_start3A_121 = arith.constant 0 : i32
          %dma_start3A_122 = tpu.memref_slice %arg6[%dma_start3A_120, %dma_start3A_121] : memref<10240x112xf32, #tpu.memory_space<vmem_shared>> -> memref<10240x112xf32, #tpu.memory_space<vmem_shared>>
          tpu.enqueue_indirect_dma source(%arg9 : memref<80x112xf32, #tpu.memory_space<vmem>>) target(%dma_start3A_122 : memref<10240x112xf32, #tpu.memory_space<vmem_shared>>) offsets(%dma_start3A_119 : memref<80xi32, #tpu.memory_space<vmem>>) semaphore(%run_scoped3A : memref<!tpu.dma_semaphore, #tpu.memory_space<semaphore_mem>>) {add = true}
          %dma_wait3A_123 = arith.constant 0 : i32
          %dma_wait3A_124 = tpu.memref_slice %arg8[%mul3A_80, %dma_wait3A_123] : memref<4x80xi32, #tpu.memory_space<vmem>> -> memref<1x80xi32, #tpu.memory_space<vmem>>
          %dma_wait3A_125 = tpu.memref_squeeze %dma_wait3A_124 : memref<1x80xi32, #tpu.memory_space<vmem>> -> memref<80xi32, #tpu.memory_space<vmem>>
          %dma_wait3A_126 = arith.constant 0 : i32
          %dma_wait3A_127 = arith.constant 0 : i32
          %dma_wait3A_128 = tpu.memref_slice %arg6[%dma_wait3A_126, %dma_wait3A_127] : memref<10240x112xf32, #tpu.memory_space<vmem_shared>> -> memref<10240x112xf32, #tpu.memory_space<vmem_shared>>
          tpu.wait_indirect_dma semaphore(%run_scoped3A : memref<!tpu.dma_semaphore, #tpu.memory_space<semaphore_mem>>) src(%arg9 : memref<80x112xf32, #tpu.memory_space<vmem>>) dst(%dma_wait3A_128 : memref<10240x112xf32, #tpu.memory_space<vmem_shared>>)
          tpu.yield
        }) : () -> ()
        %lt3A_97 = arith.constant 124 : i32
        %lt3A_98 = arith.cmpi slt, %add3A_77, %lt3A_97 : i32
        %convert_element_type3A_99 = arith.extui %lt3A_98 : i1 to i32
        %cond3A_100 = arith.constant 0 : i32
        %cond3A_101 = arith.cmpi ne, %convert_element_type3A_99, %cond3A_100 : i32
        scf.if %cond3A_101 {
          %add3A_117 = arith.constant 1 : i32
          %add3A_118 = arith.addi %add3A_77, %add3A_117 : i32
          %mul3A_119 = arith.constant 2 : i32
          %mul3A_120 = arith.muli %add3A_118, %mul3A_119 : i32
          %add3A_121 = arith.addi %mul3A_12, %mul3A_120 : i32
          %dma_wait3A_122 = arith.constant 0 : i32
          %dma_wait3A_123 = tpu.memref_slice %arg7[%sub3A_81, %dma_wait3A_122] : memref<4x80xi32, #tpu.memory_space<vmem>> -> memref<2x80xi32, #tpu.memory_space<vmem>>
          %dma_wait3A_124 = arith.constant 0 : i32
          %dma_wait3A_125 = tpu.memref_slice %arg4[%add3A_121, %dma_wait3A_124] : memref<8000x80xi32, #tpu.memory_space<hbm>> -> memref<2x80xi32, #tpu.memory_space<hbm>>
          %dma_wait3A_126 = arith.constant 0 : i32
          %dma_wait3A_127 = tpu.memref_slice %arg7[%sub3A_81, %dma_wait3A_126] : memref<4x80xi32, #tpu.memory_space<vmem>> -> memref<2x80xi32, #tpu.memory_space<vmem>>
          %dma_wait3A_128 = arith.constant 0 : i32
          %dma_wait3A_129 = tpu.memref_slice %arg4[%add3A_121, %dma_wait3A_128] : memref<8000x80xi32, #tpu.memory_space<hbm>> -> memref<2x80xi32, #tpu.memory_space<hbm>>
          tpu.wait_dma2 semaphore(%arg13 : memref<!tpu.dma_semaphore, #tpu.memory_space<semaphore_mem>>) src(%dma_wait3A_129 : memref<2x80xi32, #tpu.memory_space<hbm>>) dst(%dma_wait3A_127 : memref<2x80xi32, #tpu.memory_space<vmem>>)
          %add3A_130 = arith.constant 4000 : i32
          %add3A_131 = arith.addi %add3A_121, %add3A_130 : i32
          %dma_wait3A_132 = arith.constant 0 : i32
          %dma_wait3A_133 = tpu.memref_slice %arg8[%sub3A_81, %dma_wait3A_132] : memref<4x80xi32, #tpu.memory_space<vmem>> -> memref<2x80xi32, #tpu.memory_space<vmem>>
          %dma_wait3A_134 = arith.constant 0 : i32
          %dma_wait3A_135 = tpu.memref_slice %arg4[%add3A_131, %dma_wait3A_134] : memref<8000x80xi32, #tpu.memory_space<hbm>> -> memref<2x80xi32, #tpu.memory_space<hbm>>
          %dma_wait3A_136 = arith.constant 0 : i32
          %dma_wait3A_137 = tpu.memref_slice %arg8[%sub3A_81, %dma_wait3A_136] : memref<4x80xi32, #tpu.memory_space<vmem>> -> memref<2x80xi32, #tpu.memory_space<vmem>>
          %dma_wait3A_138 = arith.constant 0 : i32
          %dma_wait3A_139 = tpu.memref_slice %arg4[%add3A_131, %dma_wait3A_138] : memref<8000x80xi32, #tpu.memory_space<hbm>> -> memref<2x80xi32, #tpu.memory_space<hbm>>
          tpu.wait_dma2 semaphore(%arg13 : memref<!tpu.dma_semaphore, #tpu.memory_space<semaphore_mem>>) src(%dma_wait3A_139 : memref<2x80xi32, #tpu.memory_space<hbm>>) dst(%dma_wait3A_137 : memref<2x80xi32, #tpu.memory_space<vmem>>)
          %dma_start3A_140 = arith.constant 0 : i32
          %dma_start3A_141 = tpu.memref_slice %arg7[%sub3A_81, %dma_start3A_140] : memref<4x80xi32, #tpu.memory_space<vmem>> -> memref<1x80xi32, #tpu.memory_space<vmem>>
          %dma_start3A_142 = tpu.memref_squeeze %dma_start3A_141 : memref<1x80xi32, #tpu.memory_space<vmem>> -> memref<80xi32, #tpu.memory_space<vmem>>
          %dma_start3A_143 = arith.constant 0 : i32
          %dma_start3A_144 = arith.constant 0 : i32
          %dma_start3A_145 = tpu.memref_slice %arg3[%dma_start3A_143, %dma_start3A_144] : memref<10000x112xf32, #tpu.memory_space<hbm>> -> memref<10000x112xf32, #tpu.memory_space<hbm>>
          tpu.enqueue_indirect_dma source(%dma_start3A_145 : memref<10000x112xf32, #tpu.memory_space<hbm>>) target(%arg9 : memref<80x112xf32, #tpu.memory_space<vmem>>) offsets(%dma_start3A_142 : memref<80xi32, #tpu.memory_space<vmem>>) semaphore(%arg11 : memref<!tpu.dma_semaphore, #tpu.memory_space<semaphore_mem>>)
        } else {
        }
        %add3A_102 = arith.constant 1 : i32
        %add3A_103 = arith.addi %mul3A_80, %add3A_102 : i32
        %dma_wait3A_104 = arith.constant 0 : i32
        %dma_wait3A_105 = tpu.memref_slice %arg7[%add3A_103, %dma_wait3A_104] : memref<4x80xi32, #tpu.memory_space<vmem>> -> memref<1x80xi32, #tpu.memory_space<vmem>>
        %dma_wait3A_106 = tpu.memref_squeeze %dma_wait3A_105 : memref<1x80xi32, #tpu.memory_space<vmem>> -> memref<80xi32, #tpu.memory_space<vmem>>
        %dma_wait3A_107 = arith.constant 0 : i32
        %dma_wait3A_108 = arith.constant 0 : i32
        %dma_wait3A_109 = tpu.memref_slice %arg3[%dma_wait3A_107, %dma_wait3A_108] : memref<10000x112xf32, #tpu.memory_space<hbm>> -> memref<10000x112xf32, #tpu.memory_space<hbm>>
        tpu.wait_indirect_dma semaphore(%arg12 : memref<!tpu.dma_semaphore, #tpu.memory_space<semaphore_mem>>) src(%dma_wait3A_109 : memref<10000x112xf32, #tpu.memory_space<hbm>>) dst(%arg10 : memref<80x112xf32, #tpu.memory_space<vmem>>)
        %add3A_110 = arith.constant 1 : i32
        %add3A_111 = arith.addi %mul3A_80, %add3A_110 : i32
        "tpu.region"() ({
          %run_scoped3A = tpu.sem_alloc : memref<!tpu.dma_semaphore, #tpu.memory_space<semaphore_mem>>
          %dma_start3A_117 = arith.constant 0 : i32
          %dma_start3A_118 = tpu.memref_slice %arg8[%add3A_111, %dma_start3A_117] : memref<4x80xi32, #tpu.memory_space<vmem>> -> memref<1x80xi32, #tpu.memory_space<vmem>>
          %dma_start3A_119 = tpu.memref_squeeze %dma_start3A_118 : memref<1x80xi32, #tpu.memory_space<vmem>> -> memref<80xi32, #tpu.memory_space<vmem>>
          %dma_start3A_120 = arith.constant 0 : i32
          %dma_start3A_121 = arith.constant 0 : i32
          %dma_start3A_122 = tpu.memref_slice %arg6[%dma_start3A_120, %dma_start3A_121] : memref<10240x112xf32, #tpu.memory_space<vmem_shared>> -> memref<10240x112xf32, #tpu.memory_space<vmem_shared>>
          tpu.enqueue_indirect_dma source(%arg10 : memref<80x112xf32, #tpu.memory_space<vmem>>) target(%dma_start3A_122 : memref<10240x112xf32, #tpu.memory_space<vmem_shared>>) offsets(%dma_start3A_119 : memref<80xi32, #tpu.memory_space<vmem>>) semaphore(%run_scoped3A : memref<!tpu.dma_semaphore, #tpu.memory_space<semaphore_mem>>) {add = true}
          %dma_wait3A_123 = arith.constant 0 : i32
          %dma_wait3A_124 = tpu.memref_slice %arg8[%add3A_111, %dma_wait3A_123] : memref<4x80xi32, #tpu.memory_space<vmem>> -> memref<1x80xi32, #tpu.memory_space<vmem>>
          %dma_wait3A_125 = tpu.memref_squeeze %dma_wait3A_124 : memref<1x80xi32, #tpu.memory_space<vmem>> -> memref<80xi32, #tpu.memory_space<vmem>>
          %dma_wait3A_126 = arith.constant 0 : i32
          %dma_wait3A_127 = arith.constant 0 : i32
          %dma_wait3A_128 = tpu.memref_slice %arg6[%dma_wait3A_126, %dma_wait3A_127] : memref<10240x112xf32, #tpu.memory_space<vmem_shared>> -> memref<10240x112xf32, #tpu.memory_space<vmem_shared>>
          tpu.wait_indirect_dma semaphore(%run_scoped3A : memref<!tpu.dma_semaphore, #tpu.memory_space<semaphore_mem>>) src(%arg10 : memref<80x112xf32, #tpu.memory_space<vmem>>) dst(%dma_wait3A_128 : memref<10240x112xf32, #tpu.memory_space<vmem_shared>>)
          tpu.yield
        }) : () -> ()
        %lt3A_112 = arith.constant 123 : i32
        %lt3A_113 = arith.cmpi slt, %add3A_77, %lt3A_112 : i32
        %convert_element_type3A_114 = arith.extui %lt3A_113 : i1 to i32
        %cond3A_115 = arith.constant 0 : i32
        %cond3A_116 = arith.cmpi ne, %convert_element_type3A_114, %cond3A_115 : i32
        scf.if %cond3A_116 {
          %add3A_117 = arith.constant 2 : i32
          %add3A_118 = arith.addi %add3A_77, %add3A_117 : i32
          %mul3A_119 = arith.constant 2 : i32
          %mul3A_120 = arith.muli %add3A_118, %mul3A_119 : i32
          %add3A_121 = arith.addi %mul3A_12, %mul3A_120 : i32
          %dma_start3A_122 = arith.constant 0 : i32
          %dma_start3A_123 = tpu.memref_slice %arg7[%mul3A_80, %dma_start3A_122] : memref<4x80xi32, #tpu.memory_space<vmem>> -> memref<2x80xi32, #tpu.memory_space<vmem>>
          %dma_start3A_124 = arith.constant 0 : i32
          %dma_start3A_125 = tpu.memref_slice %arg4[%add3A_121, %dma_start3A_124] : memref<8000x80xi32, #tpu.memory_space<hbm>> -> memref<2x80xi32, #tpu.memory_space<hbm>>
          %dma_start3A_126 = arith.constant 0 : i32
          %dma_start3A_127 = tpu.memref_slice %arg7[%mul3A_80, %dma_start3A_126] : memref<4x80xi32, #tpu.memory_space<vmem>> -> memref<2x80xi32, #tpu.memory_space<vmem>>
          %dma_start3A_128 = arith.constant 0 : i32
          %dma_start3A_129 = tpu.memref_slice %arg4[%add3A_121, %dma_start3A_128] : memref<8000x80xi32, #tpu.memory_space<hbm>> -> memref<2x80xi32, #tpu.memory_space<hbm>>
          tpu.enqueue_dma source(%dma_start3A_129 : memref<2x80xi32, #tpu.memory_space<hbm>>) target(%dma_start3A_127 : memref<2x80xi32, #tpu.memory_space<vmem>>) target_semaphore(%arg13 : memref<!tpu.dma_semaphore, #tpu.memory_space<semaphore_mem>>)
          %add3A_130 = arith.constant 4000 : i32
          %add3A_131 = arith.addi %add3A_121, %add3A_130 : i32
          %dma_start3A_132 = arith.constant 0 : i32
          %dma_start3A_133 = tpu.memref_slice %arg8[%mul3A_80, %dma_start3A_132] : memref<4x80xi32, #tpu.memory_space<vmem>> -> memref<2x80xi32, #tpu.memory_space<vmem>>
          %dma_start3A_134 = arith.constant 0 : i32
          %dma_start3A_135 = tpu.memref_slice %arg4[%add3A_131, %dma_start3A_134] : memref<8000x80xi32, #tpu.memory_space<hbm>> -> memref<2x80xi32, #tpu.memory_space<hbm>>
          %dma_start3A_136 = arith.constant 0 : i32
          %dma_start3A_137 = tpu.memref_slice %arg8[%mul3A_80, %dma_start3A_136] : memref<4x80xi32, #tpu.memory_space<vmem>> -> memref<2x80xi32, #tpu.memory_space<vmem>>
          %dma_start3A_138 = arith.constant 0 : i32
          %dma_start3A_139 = tpu.memref_slice %arg4[%add3A_131, %dma_start3A_138] : memref<8000x80xi32, #tpu.memory_space<hbm>> -> memref<2x80xi32, #tpu.memory_space<hbm>>
          tpu.enqueue_dma source(%dma_start3A_139 : memref<2x80xi32, #tpu.memory_space<hbm>>) target(%dma_start3A_137 : memref<2x80xi32, #tpu.memory_space<vmem>>) target_semaphore(%arg13 : memref<!tpu.dma_semaphore, #tpu.memory_space<semaphore_mem>>)
        } else {
        }
      }
      %scan3A_72 = arith.constant 125 : i32
    } else {
    }
    %barrier3A_20 = arith.constant 0 : index
    tpu.barrier barrier_id(%barrier3A_20)
    %mul3A_21 = arith.constant 640 : i32
    %mul3A_22 = arith.muli %arg1, %mul3A_21 : i32
    %mul3A_23 = arith.constant 10000 : i32
    %mul3A_24 = arith.muli %arg0, %mul3A_23 : i32
    %add3A = arith.addi %mul3A_24, %mul3A_22 : i32
    %lt3A = arith.constant 15 : i32
    %lt3A_25 = arith.cmpi slt, %arg1, %lt3A : i32
    %convert_element_type3A_26 = arith.extui %lt3A_25 : i1 to i32
    %cond3A_27 = arith.constant 0 : i32
    %cond3A_28 = arith.cmpi ne, %convert_element_type3A_26, %cond3A_27 : i32
    scf.if %cond3A_28 {
      "tpu.region"() ({
        %run_scoped3A = tpu.sem_alloc : memref<!tpu.dma_semaphore, #tpu.memory_space<semaphore_mem>>
        %dma_start3A = arith.constant 0 : i32
        %dma_start3A_34 = tpu.memref_slice %arg5[%add3A, %dma_start3A] : memref<20000x112xf32, #tpu.memory_space<hbm>> -> memref<640x112xf32, #tpu.memory_space<hbm>>
        %dma_start3A_35 = arith.constant 0 : i32
        %dma_start3A_36 = tpu.memref_slice %arg6[%mul3A_22, %dma_start3A_35] : memref<10240x112xf32, #tpu.memory_space<vmem_shared>> -> memref<640x112xf32, #tpu.memory_space<vmem_shared>>
        tpu.enqueue_dma source(%dma_start3A_36 : memref<640x112xf32, #tpu.memory_space<vmem_shared>>) target(%dma_start3A_34 : memref<640x112xf32, #tpu.memory_space<hbm>>) target_semaphore(%run_scoped3A : memref<!tpu.dma_semaphore, #tpu.memory_space<semaphore_mem>>)
        %dma_wait3A = arith.constant 0 : i32
        %dma_wait3A_37 = tpu.memref_slice %arg5[%add3A, %dma_wait3A] : memref<20000x112xf32, #tpu.memory_space<hbm>> -> memref<640x112xf32, #tpu.memory_space<hbm>>
        %dma_wait3A_38 = arith.constant 0 : i32
        %dma_wait3A_39 = tpu.memref_slice %arg6[%mul3A_22, %dma_wait3A_38] : memref<10240x112xf32, #tpu.memory_space<vmem_shared>> -> memref<640x112xf32, #tpu.memory_space<vmem_shared>>
        tpu.wait_dma2 semaphore(%run_scoped3A : memref<!tpu.dma_semaphore, #tpu.memory_space<semaphore_mem>>) src(%dma_wait3A_39 : memref<640x112xf32, #tpu.memory_space<vmem_shared>>) dst(%dma_wait3A_37 : memref<640x112xf32, #tpu.memory_space<hbm>>)
        tpu.yield
      }) : () -> ()
    } else {
    }
    %eq3A_29 = arith.constant 15 : i32
    %eq3A_30 = arith.cmpi eq, %arg1, %eq3A_29 : i32
    %convert_element_type3A_31 = arith.extui %eq3A_30 : i1 to i32
    %cond3A_32 = arith.constant 0 : i32
    %cond3A_33 = arith.cmpi ne, %convert_element_type3A_31, %cond3A_32 : i32
    scf.if %cond3A_33 {
      "tpu.region"() ({
        %run_scoped3A = tpu.sem_alloc : memref<!tpu.dma_semaphore, #tpu.memory_space<semaphore_mem>>
        %dma_start3A = arith.constant 0 : i32
        %dma_start3A_34 = tpu.memref_slice %arg5[%add3A, %dma_start3A] : memref<20000x112xf32, #tpu.memory_space<hbm>> -> memref<400x112xf32, #tpu.memory_space<hbm>>
        %dma_start3A_35 = arith.constant 0 : i32
        %dma_start3A_36 = tpu.memref_slice %arg6[%mul3A_22, %dma_start3A_35] : memref<10240x112xf32, #tpu.memory_space<vmem_shared>> -> memref<400x112xf32, #tpu.memory_space<vmem_shared>>
        tpu.enqueue_dma source(%dma_start3A_36 : memref<400x112xf32, #tpu.memory_space<vmem_shared>>) target(%dma_start3A_34 : memref<400x112xf32, #tpu.memory_space<hbm>>) target_semaphore(%run_scoped3A : memref<!tpu.dma_semaphore, #tpu.memory_space<semaphore_mem>>)
        %dma_wait3A = arith.constant 0 : i32
        %dma_wait3A_37 = tpu.memref_slice %arg5[%add3A, %dma_wait3A] : memref<20000x112xf32, #tpu.memory_space<hbm>> -> memref<400x112xf32, #tpu.memory_space<hbm>>
        %dma_wait3A_38 = arith.constant 0 : i32
        %dma_wait3A_39 = tpu.memref_slice %arg6[%mul3A_22, %dma_wait3A_38] : memref<10240x112xf32, #tpu.memory_space<vmem_shared>> -> memref<400x112xf32, #tpu.memory_space<vmem_shared>>
        tpu.wait_dma2 semaphore(%run_scoped3A : memref<!tpu.dma_semaphore, #tpu.memory_space<semaphore_mem>>) src(%dma_wait3A_39 : memref<400x112xf32, #tpu.memory_space<vmem_shared>>) dst(%dma_wait3A_37 : memref<400x112xf32, #tpu.memory_space<hbm>>)
        tpu.yield
      }) : () -> ()
    } else {
    }
    return
  }
}

#map = affine_map<(d0, d1) -> (0, 0)>
module attributes {stable_mosaic.version = 14 : i64} {
  func.func @_sc_l0_body(%arg0: i32, %arg1: i32, %arg2: memref<10000x160xf32, #tpu.memory_space<hbm>>, %arg3: memref<8000x80xi32, #tpu.memory_space<hbm>>, %arg4: memref<20000x160xf32, #tpu.memory_space<hbm>>, %arg5: memref<10240x160xf32, #tpu.memory_space<vmem_shared>>, %arg6: memref<4x80xi32, #tpu.memory_space<vmem>>, %arg7: memref<4x80xi32, #tpu.memory_space<vmem>>, %arg8: memref<80x160xf32, #tpu.memory_space<vmem>>, %arg9: memref<80x160xf32, #tpu.memory_space<vmem>>, %arg10: memref<!tpu.dma_semaphore, #tpu.memory_space<semaphore_mem>>, %arg11: memref<!tpu.dma_semaphore, #tpu.memory_space<semaphore_mem>>, %arg12: memref<!tpu.dma_semaphore, #tpu.memory_space<semaphore_mem>>) attributes {dimension_semantics = [#tpu.dimension_semantics<core_parallel>, #tpu.dimension_semantics<subcore_parallel>], iteration_bounds = array<i64: 2, 16>, scalar_prefetch = 0 : i64, scratch_operands = 8 : i64, tpu.core_type = #tpu.core_type<sc_vector_subcore>, window_params = [{transform_indices = #map}, {transform_indices = #map}, {transform_indices = #map}]} {
    %mul3A = arith.constant 16 : i32
    %mul3A_0 = arith.muli %arg0, %mul3A : i32
    %add3A = arith.addi %mul3A_0, %arg1 : i32
    %broadcast_in_dim3A = arith.constant 0.000000e+00 : f32
    %broadcast_in_dim3A_1 = vector.broadcast %broadcast_in_dim3A : f32 to vector<16xf32>
    %scan3A = arith.constant 0 : i32
    %scan3A_2 = arith.constant 80 : i32
    %scan3A_3 = arith.addi %scan3A, %scan3A_2 : i32
    %scan3A_4 = arith.constant 1 : i32
    scf.for %scan3A_83 = %scan3A to %scan3A_3 step %scan3A_4  : i32 {
      %mul3A_84 = arith.constant 1 : i32
      %mul3A_85 = arith.muli %scan3A_83, %mul3A_84 : i32
      %add3A_86 = arith.constant 0 : i32
      %add3A_87 = arith.addi %add3A_86, %mul3A_85 : i32
      %scan3A_88 = arith.constant 0 : i32
      %scan3A_89 = arith.constant 10 : i32
      %scan3A_90 = arith.addi %scan3A_88, %scan3A_89 : i32
      %scan3A_91 = arith.constant 1 : i32
      scf.for %scan3A_93 = %scan3A_88 to %scan3A_90 step %scan3A_91  : i32 {
        %mul3A_94 = arith.constant 1 : i32
        %mul3A_95 = arith.muli %scan3A_93, %mul3A_94 : i32
        %add3A_96 = arith.constant 0 : i32
        %add3A_97 = arith.addi %add3A_96, %mul3A_95 : i32
        %mul3A_98 = arith.constant 16 : i32
        %mul3A_99 = arith.muli %add3A_97, %mul3A_98 : i32
        %swap3A = arith.index_cast %add3A_87 : i32 to index
        %swap3A_100 = arith.index_cast %mul3A_99 : i32 to index
        %swap3A_101 = tpu.vector_load %arg8[%swap3A, %swap3A_100] {strides = array<i32>} : memref<80x160xf32, #tpu.memory_space<vmem>>, vector<1x16xf32>,
        %swap3A_102 = vector.shape_cast %swap3A_101 : vector<1x16xf32> to vector<16xf32>
        %swap3A_103 = vector.shape_cast %broadcast_in_dim3A_1 : vector<16xf32> to vector<1x16xf32>
        tpu.vector_store %arg8[%swap3A, %swap3A_100], %swap3A_103 {strides = array<i32>} : memref<80x160xf32, #tpu.memory_space<vmem>>, vector<1x16xf32>,
      }
      %scan3A_92 = arith.constant 10 : i32
    }
    %scan3A_5 = arith.constant 80 : i32
    %mul3A_6 = arith.constant 640 : i32
    %mul3A_7 = arith.muli %arg1, %mul3A_6 : i32
    %scan3A_8 = arith.constant 0 : i32
    %scan3A_9 = arith.constant 8 : i32
    %scan3A_10 = arith.addi %scan3A_8, %scan3A_9 : i32
    %scan3A_11 = arith.constant 1 : i32
    scf.for %scan3A_83 = %scan3A_8 to %scan3A_10 step %scan3A_11  : i32 {
      %mul3A_84 = arith.constant 1 : i32
      %mul3A_85 = arith.muli %scan3A_83, %mul3A_84 : i32
      %add3A_86 = arith.constant 0 : i32
      %add3A_87 = arith.addi %add3A_86, %mul3A_85 : i32
      %mul3A_88 = arith.constant 80 : i32
      %mul3A_89 = arith.muli %add3A_87, %mul3A_88 : i32
      %add3A_90 = arith.addi %mul3A_7, %mul3A_89 : i32
      "tpu.region"() ({
        %run_scoped3A_91 = tpu.sem_alloc : memref<!tpu.dma_semaphore, #tpu.memory_space<semaphore_mem>>
        %dma_start3A_92 = arith.constant 0 : i32
        %dma_start3A_93 = tpu.memref_slice %arg5[%add3A_90, %dma_start3A_92] : memref<10240x160xf32, #tpu.memory_space<vmem_shared>> -> memref<80x160xf32, #tpu.memory_space<vmem_shared>>
        %dma_start3A_94 = arith.constant 0 : i32
        %dma_start3A_95 = tpu.memref_slice %arg5[%add3A_90, %dma_start3A_94] : memref<10240x160xf32, #tpu.memory_space<vmem_shared>> -> memref<80x160xf32, #tpu.memory_space<vmem_shared>>
        tpu.enqueue_dma source(%arg8 : memref<80x160xf32, #tpu.memory_space<vmem>>) target(%dma_start3A_95 : memref<80x160xf32, #tpu.memory_space<vmem_shared>>) target_semaphore(%run_scoped3A_91 : memref<!tpu.dma_semaphore, #tpu.memory_space<semaphore_mem>>)
        %dma_wait3A_96 = arith.constant 0 : i32
        %dma_wait3A_97 = tpu.memref_slice %arg5[%add3A_90, %dma_wait3A_96] : memref<10240x160xf32, #tpu.memory_space<vmem_shared>> -> memref<80x160xf32, #tpu.memory_space<vmem_shared>>
        %dma_wait3A_98 = arith.constant 0 : i32
        %dma_wait3A_99 = tpu.memref_slice %arg5[%add3A_90, %dma_wait3A_98] : memref<10240x160xf32, #tpu.memory_space<vmem_shared>> -> memref<80x160xf32, #tpu.memory_space<vmem_shared>>
        tpu.wait_dma2 semaphore(%run_scoped3A_91 : memref<!tpu.dma_semaphore, #tpu.memory_space<semaphore_mem>>) src(%arg8 : memref<80x160xf32, #tpu.memory_space<vmem>>) dst(%dma_wait3A_99 : memref<80x160xf32, #tpu.memory_space<vmem_shared>>)
        tpu.yield
      }) : () -> ()
    }
    %scan3A_12 = arith.constant 8 : i32
    %barrier3A = arith.constant 0 : index
    tpu.barrier barrier_id(%barrier3A)
    %mul3A_13 = arith.constant 125 : i32
    %mul3A_14 = arith.muli %add3A, %mul3A_13 : i32
    %add3A_15 = arith.constant 0 : i32
    %add3A_16 = arith.addi %mul3A_14, %add3A_15 : i32
    "tpu.region"() ({
      %run_scoped3A_83 = tpu.sem_alloc : memref<!tpu.dma_semaphore, #tpu.memory_space<semaphore_mem>>
      %dma_start3A_84 = arith.constant 0 : i32
      %dma_start3A_85 = arith.constant 0 : i32
      %dma_start3A_86 = tpu.memref_slice %arg6[%dma_start3A_84, %dma_start3A_85] : memref<4x80xi32, #tpu.memory_space<vmem>> -> memref<2x80xi32, #tpu.memory_space<vmem>>
      %dma_start3A_87 = arith.constant 0 : i32
      %dma_start3A_88 = tpu.memref_slice %arg3[%add3A_16, %dma_start3A_87] : memref<8000x80xi32, #tpu.memory_space<hbm>> -> memref<2x80xi32, #tpu.memory_space<hbm>>
      %dma_start3A_89 = arith.constant 0 : i32
      %dma_start3A_90 = arith.constant 0 : i32
      %dma_start3A_91 = tpu.memref_slice %arg6[%dma_start3A_89, %dma_start3A_90] : memref<4x80xi32, #tpu.memory_space<vmem>> -> memref<2x80xi32, #tpu.memory_space<vmem>>
      %dma_start3A_92 = arith.constant 0 : i32
      %dma_start3A_93 = tpu.memref_slice %arg3[%add3A_16, %dma_start3A_92] : memref<8000x80xi32, #tpu.memory_space<hbm>> -> memref<2x80xi32, #tpu.memory_space<hbm>>
      tpu.enqueue_dma source(%dma_start3A_93 : memref<2x80xi32, #tpu.memory_space<hbm>>) target(%dma_start3A_91 : memref<2x80xi32, #tpu.memory_space<vmem>>) target_semaphore(%run_scoped3A_83 : memref<!tpu.dma_semaphore, #tpu.memory_space<semaphore_mem>>)
      %dma_wait3A_94 = arith.constant 0 : i32
      %dma_wait3A_95 = arith.constant 0 : i32
      %dma_wait3A_96 = tpu.memref_slice %arg6[%dma_wait3A_94, %dma_wait3A_95] : memref<4x80xi32, #tpu.memory_space<vmem>> -> memref<2x80xi32, #tpu.memory_space<vmem>>
      %dma_wait3A_97 = arith.constant 0 : i32
      %dma_wait3A_98 = tpu.memref_slice %arg3[%add3A_16, %dma_wait3A_97] : memref<8000x80xi32, #tpu.memory_space<hbm>> -> memref<2x80xi32, #tpu.memory_space<hbm>>
      %dma_wait3A_99 = arith.constant 0 : i32
      %dma_wait3A_100 = arith.constant 0 : i32
      %dma_wait3A_101 = tpu.memref_slice %arg6[%dma_wait3A_99, %dma_wait3A_100] : memref<4x80xi32, #tpu.memory_space<vmem>> -> memref<2x80xi32, #tpu.memory_space<vmem>>
      %dma_wait3A_102 = arith.constant 0 : i32
      %dma_wait3A_103 = tpu.memref_slice %arg3[%add3A_16, %dma_wait3A_102] : memref<8000x80xi32, #tpu.memory_space<hbm>> -> memref<2x80xi32, #tpu.memory_space<hbm>>
      tpu.wait_dma2 semaphore(%run_scoped3A_83 : memref<!tpu.dma_semaphore, #tpu.memory_space<semaphore_mem>>) src(%dma_wait3A_103 : memref<2x80xi32, #tpu.memory_space<hbm>>) dst(%dma_wait3A_101 : memref<2x80xi32, #tpu.memory_space<vmem>>)
      tpu.yield
    }) : () -> ()
    %add3A_17 = arith.constant 4000 : i32
    %add3A_18 = arith.addi %add3A_16, %add3A_17 : i32
    "tpu.region"() ({
      %run_scoped3A_83 = tpu.sem_alloc : memref<!tpu.dma_semaphore, #tpu.memory_space<semaphore_mem>>
      %dma_start3A_84 = arith.constant 0 : i32
      %dma_start3A_85 = arith.constant 0 : i32
      %dma_start3A_86 = tpu.memref_slice %arg7[%dma_start3A_84, %dma_start3A_85] : memref<4x80xi32, #tpu.memory_space<vmem>> -> memref<2x80xi32, #tpu.memory_space<vmem>>
      %dma_start3A_87 = arith.constant 0 : i32
      %dma_start3A_88 = tpu.memref_slice %arg3[%add3A_18, %dma_start3A_87] : memref<8000x80xi32, #tpu.memory_space<hbm>> -> memref<2x80xi32, #tpu.memory_space<hbm>>
      %dma_start3A_89 = arith.constant 0 : i32
      %dma_start3A_90 = arith.constant 0 : i32
      %dma_start3A_91 = tpu.memref_slice %arg7[%dma_start3A_89, %dma_start3A_90] : memref<4x80xi32, #tpu.memory_space<vmem>> -> memref<2x80xi32, #tpu.memory_space<vmem>>
      %dma_start3A_92 = arith.constant 0 : i32
      %dma_start3A_93 = tpu.memref_slice %arg3[%add3A_18, %dma_start3A_92] : memref<8000x80xi32, #tpu.memory_space<hbm>> -> memref<2x80xi32, #tpu.memory_space<hbm>>
      tpu.enqueue_dma source(%dma_start3A_93 : memref<2x80xi32, #tpu.memory_space<hbm>>) target(%dma_start3A_91 : memref<2x80xi32, #tpu.memory_space<vmem>>) target_semaphore(%run_scoped3A_83 : memref<!tpu.dma_semaphore, #tpu.memory_space<semaphore_mem>>)
      %dma_wait3A_94 = arith.constant 0 : i32
      %dma_wait3A_95 = arith.constant 0 : i32
      %dma_wait3A_96 = tpu.memref_slice %arg7[%dma_wait3A_94, %dma_wait3A_95] : memref<4x80xi32, #tpu.memory_space<vmem>> -> memref<2x80xi32, #tpu.memory_space<vmem>>
      %dma_wait3A_97 = arith.constant 0 : i32
      %dma_wait3A_98 = tpu.memref_slice %arg3[%add3A_18, %dma_wait3A_97] : memref<8000x80xi32, #tpu.memory_space<hbm>> -> memref<2x80xi32, #tpu.memory_space<hbm>>
      %dma_wait3A_99 = arith.constant 0 : i32
      %dma_wait3A_100 = arith.constant 0 : i32
      %dma_wait3A_101 = tpu.memref_slice %arg7[%dma_wait3A_99, %dma_wait3A_100] : memref<4x80xi32, #tpu.memory_space<vmem>> -> memref<2x80xi32, #tpu.memory_space<vmem>>
      %dma_wait3A_102 = arith.constant 0 : i32
      %dma_wait3A_103 = tpu.memref_slice %arg3[%add3A_18, %dma_wait3A_102] : memref<8000x80xi32, #tpu.memory_space<hbm>> -> memref<2x80xi32, #tpu.memory_space<hbm>>
      tpu.wait_dma2 semaphore(%run_scoped3A_83 : memref<!tpu.dma_semaphore, #tpu.memory_space<semaphore_mem>>) src(%dma_wait3A_103 : memref<2x80xi32, #tpu.memory_space<hbm>>) dst(%dma_wait3A_101 : memref<2x80xi32, #tpu.memory_space<vmem>>)
      tpu.yield
    }) : () -> ()
    %dma_start3A = arith.constant 0 : i32
    %dma_start3A_19 = arith.constant 0 : i32
    %dma_start3A_20 = tpu.memref_slice %arg6[%dma_start3A, %dma_start3A_19] : memref<4x80xi32, #tpu.memory_space<vmem>> -> memref<1x80xi32, #tpu.memory_space<vmem>>
    %dma_start3A_21 = tpu.memref_squeeze %dma_start3A_20 : memref<1x80xi32, #tpu.memory_space<vmem>> -> memref<80xi32, #tpu.memory_space<vmem>>
    %dma_start3A_22 = arith.constant 0 : i32
    %dma_start3A_23 = arith.constant 0 : i32
    %dma_start3A_24 = tpu.memref_slice %arg2[%dma_start3A_22, %dma_start3A_23] : memref<10000x160xf32, #tpu.memory_space<hbm>> -> memref<10000x160xf32, #tpu.memory_space<hbm>>
    tpu.enqueue_indirect_dma source(%dma_start3A_24 : memref<10000x160xf32, #tpu.memory_space<hbm>>) target(%arg8 : memref<80x160xf32, #tpu.memory_space<vmem>>) offsets(%dma_start3A_21 : memref<80xi32, #tpu.memory_space<vmem>>) semaphore(%arg10 : memref<!tpu.dma_semaphore, #tpu.memory_space<semaphore_mem>>)
    %add3A_25 = arith.constant 2 : i32
    %add3A_26 = arith.addi %mul3A_14, %add3A_25 : i32
    %dma_start3A_27 = arith.constant 2 : i32
    %dma_start3A_28 = arith.constant 0 : i32
    %dma_start3A_29 = tpu.memref_slice %arg6[%dma_start3A_27, %dma_start3A_28] : memref<4x80xi32, #tpu.memory_space<vmem>> -> memref<2x80xi32, #tpu.memory_space<vmem>>
    %dma_start3A_30 = arith.constant 0 : i32
    %dma_start3A_31 = tpu.memref_slice %arg3[%add3A_26, %dma_start3A_30] : memref<8000x80xi32, #tpu.memory_space<hbm>> -> memref<2x80xi32, #tpu.memory_space<hbm>>
    %dma_start3A_32 = arith.constant 2 : i32
    %dma_start3A_33 = arith.constant 0 : i32
    %dma_start3A_34 = tpu.memref_slice %arg6[%dma_start3A_32, %dma_start3A_33] : memref<4x80xi32, #tpu.memory_space<vmem>> -> memref<2x80xi32, #tpu.memory_space<vmem>>
    %dma_start3A_35 = arith.constant 0 : i32
    %dma_start3A_36 = tpu.memref_slice %arg3[%add3A_26, %dma_start3A_35] : memref<8000x80xi32, #tpu.memory_space<hbm>> -> memref<2x80xi32, #tpu.memory_space<hbm>>
    tpu.enqueue_dma source(%dma_start3A_36 : memref<2x80xi32, #tpu.memory_space<hbm>>) target(%dma_start3A_34 : memref<2x80xi32, #tpu.memory_space<vmem>>) target_semaphore(%arg12 : memref<!tpu.dma_semaphore, #tpu.memory_space<semaphore_mem>>)
    %add3A_37 = arith.constant 4000 : i32
    %add3A_38 = arith.addi %add3A_26, %add3A_37 : i32
    %dma_start3A_39 = arith.constant 2 : i32
    %dma_start3A_40 = arith.constant 0 : i32
    %dma_start3A_41 = tpu.memref_slice %arg7[%dma_start3A_39, %dma_start3A_40] : memref<4x80xi32, #tpu.memory_space<vmem>> -> memref<2x80xi32, #tpu.memory_space<vmem>>
    %dma_start3A_42 = arith.constant 0 : i32
    %dma_start3A_43 = tpu.memref_slice %arg3[%add3A_38, %dma_start3A_42] : memref<8000x80xi32, #tpu.memory_space<hbm>> -> memref<2x80xi32, #tpu.memory_space<hbm>>
    %dma_start3A_44 = arith.constant 2 : i32
    %dma_start3A_45 = arith.constant 0 : i32
    %dma_start3A_46 = tpu.memref_slice %arg7[%dma_start3A_44, %dma_start3A_45] : memref<4x80xi32, #tpu.memory_space<vmem>> -> memref<2x80xi32, #tpu.memory_space<vmem>>
    %dma_start3A_47 = arith.constant 0 : i32
    %dma_start3A_48 = tpu.memref_slice %arg3[%add3A_38, %dma_start3A_47] : memref<8000x80xi32, #tpu.memory_space<hbm>> -> memref<2x80xi32, #tpu.memory_space<hbm>>
    tpu.enqueue_dma source(%dma_start3A_48 : memref<2x80xi32, #tpu.memory_space<hbm>>) target(%dma_start3A_46 : memref<2x80xi32, #tpu.memory_space<vmem>>) target_semaphore(%arg12 : memref<!tpu.dma_semaphore, #tpu.memory_space<semaphore_mem>>)
    %scan3A_49 = arith.constant 0 : i32
    %scan3A_50 = arith.constant 62 : i32
    %scan3A_51 = arith.addi %scan3A_49, %scan3A_50 : i32
    %scan3A_52 = arith.constant 1 : i32
    scf.for %scan3A_83 = %scan3A_49 to %scan3A_51 step %scan3A_52  : i32 {
      %mul3A_84 = arith.constant 1 : i32
      %mul3A_85 = arith.muli %scan3A_83, %mul3A_84 : i32
      %add3A_86 = arith.constant 0 : i32
      %add3A_87 = arith.addi %add3A_86, %mul3A_85 : i32
      %rem3A = arith.constant 2 : i32
      %rem3A_88 = arith.remsi %add3A_87, %rem3A : i32
      %mul3A_89 = arith.constant 2 : i32
      %mul3A_90 = arith.muli %rem3A_88, %mul3A_89 : i32
      %sub3A = arith.constant 2 : i32
      %sub3A_91 = arith.subi %sub3A, %mul3A_90 : i32
      %add3A_92 = arith.constant 0 : i32
      %add3A_93 = arith.addi %mul3A_90, %add3A_92 : i32
      %add3A_94 = arith.constant 1 : i32
      %add3A_95 = arith.addi %add3A_93, %add3A_94 : i32
      %dma_start3A_96 = arith.constant 0 : i32
      %dma_start3A_97 = tpu.memref_slice %arg6[%add3A_95, %dma_start3A_96] : memref<4x80xi32, #tpu.memory_space<vmem>> -> memref<1x80xi32, #tpu.memory_space<vmem>>
      %dma_start3A_98 = tpu.memref_squeeze %dma_start3A_97 : memref<1x80xi32, #tpu.memory_space<vmem>> -> memref<80xi32, #tpu.memory_space<vmem>>
      %dma_start3A_99 = arith.constant 0 : i32
      %dma_start3A_100 = arith.constant 0 : i32
      %dma_start3A_101 = tpu.memref_slice %arg2[%dma_start3A_99, %dma_start3A_100] : memref<10000x160xf32, #tpu.memory_space<hbm>> -> memref<10000x160xf32, #tpu.memory_space<hbm>>
      tpu.enqueue_indirect_dma source(%dma_start3A_101 : memref<10000x160xf32, #tpu.memory_space<hbm>>) target(%arg9 : memref<80x160xf32, #tpu.memory_space<vmem>>) offsets(%dma_start3A_98 : memref<80xi32, #tpu.memory_space<vmem>>) semaphore(%arg11 : memref<!tpu.dma_semaphore, #tpu.memory_space<semaphore_mem>>)
      %dma_wait3A_102 = arith.constant 0 : i32
      %dma_wait3A_103 = tpu.memref_slice %arg6[%mul3A_90, %dma_wait3A_102] : memref<4x80xi32, #tpu.memory_space<vmem>> -> memref<1x80xi32, #tpu.memory_space<vmem>>
      %dma_wait3A_104 = tpu.memref_squeeze %dma_wait3A_103 : memref<1x80xi32, #tpu.memory_space<vmem>> -> memref<80xi32, #tpu.memory_space<vmem>>
      %dma_wait3A_105 = arith.constant 0 : i32
      %dma_wait3A_106 = arith.constant 0 : i32
      %dma_wait3A_107 = tpu.memref_slice %arg2[%dma_wait3A_105, %dma_wait3A_106] : memref<10000x160xf32, #tpu.memory_space<hbm>> -> memref<10000x160xf32, #tpu.memory_space<hbm>>
      tpu.wait_indirect_dma semaphore(%arg10 : memref<!tpu.dma_semaphore, #tpu.memory_space<semaphore_mem>>) src(%dma_wait3A_107 : memref<10000x160xf32, #tpu.memory_space<hbm>>) dst(%arg8 : memref<80x160xf32, #tpu.memory_space<vmem>>)
      "tpu.region"() ({
        %run_scoped3A_128 = tpu.sem_alloc : memref<!tpu.dma_semaphore, #tpu.memory_space<semaphore_mem>>
        %dma_start3A_129 = arith.constant 0 : i32
        %dma_start3A_130 = tpu.memref_slice %arg7[%mul3A_90, %dma_start3A_129] : memref<4x80xi32, #tpu.memory_space<vmem>> -> memref<1x80xi32, #tpu.memory_space<vmem>>
        %dma_start3A_131 = tpu.memref_squeeze %dma_start3A_130 : memref<1x80xi32, #tpu.memory_space<vmem>> -> memref<80xi32, #tpu.memory_space<vmem>>
        %dma_start3A_132 = arith.constant 0 : i32
        %dma_start3A_133 = arith.constant 0 : i32
        %dma_start3A_134 = tpu.memref_slice %arg5[%dma_start3A_132, %dma_start3A_133] : memref<10240x160xf32, #tpu.memory_space<vmem_shared>> -> memref<10240x160xf32, #tpu.memory_space<vmem_shared>>
        tpu.enqueue_indirect_dma source(%arg8 : memref<80x160xf32, #tpu.memory_space<vmem>>) target(%dma_start3A_134 : memref<10240x160xf32, #tpu.memory_space<vmem_shared>>) offsets(%dma_start3A_131 : memref<80xi32, #tpu.memory_space<vmem>>) semaphore(%run_scoped3A_128 : memref<!tpu.dma_semaphore, #tpu.memory_space<semaphore_mem>>) {add = true}
        %dma_wait3A_135 = arith.constant 0 : i32
        %dma_wait3A_136 = tpu.memref_slice %arg7[%mul3A_90, %dma_wait3A_135] : memref<4x80xi32, #tpu.memory_space<vmem>> -> memref<1x80xi32, #tpu.memory_space<vmem>>
        %dma_wait3A_137 = tpu.memref_squeeze %dma_wait3A_136 : memref<1x80xi32, #tpu.memory_space<vmem>> -> memref<80xi32, #tpu.memory_space<vmem>>
        %dma_wait3A_138 = arith.constant 0 : i32
        %dma_wait3A_139 = arith.constant 0 : i32
        %dma_wait3A_140 = tpu.memref_slice %arg5[%dma_wait3A_138, %dma_wait3A_139] : memref<10240x160xf32, #tpu.memory_space<vmem_shared>> -> memref<10240x160xf32, #tpu.memory_space<vmem_shared>>
        tpu.wait_indirect_dma semaphore(%run_scoped3A_128 : memref<!tpu.dma_semaphore, #tpu.memory_space<semaphore_mem>>) src(%arg8 : memref<80x160xf32, #tpu.memory_space<vmem>>) dst(%dma_wait3A_140 : memref<10240x160xf32, #tpu.memory_space<vmem_shared>>)
        tpu.yield
      }) : () -> ()
      %lt3A_108 = arith.constant 61 : i32
      %lt3A_109 = arith.cmpi slt, %add3A_87, %lt3A_108 : i32
      %convert_element_type3A_110 = arith.extui %lt3A_109 : i1 to i32
      %cond3A_111 = arith.constant 0 : i32
      %cond3A_112 = arith.cmpi ne, %convert_element_type3A_110, %cond3A_111 : i32
      scf.if %cond3A_112 {
        %add3A_128 = arith.constant 1 : i32
        %add3A_129 = arith.addi %add3A_87, %add3A_128 : i32
        %mul3A_130 = arith.constant 2 : i32
        %mul3A_131 = arith.muli %add3A_129, %mul3A_130 : i32
        %add3A_132 = arith.addi %mul3A_14, %mul3A_131 : i32
        %dma_wait3A_133 = arith.constant 0 : i32
        %dma_wait3A_134 = tpu.memref_slice %arg6[%sub3A_91, %dma_wait3A_133] : memref<4x80xi32, #tpu.memory_space<vmem>> -> memref<2x80xi32, #tpu.memory_space<vmem>>
        %dma_wait3A_135 = arith.constant 0 : i32
        %dma_wait3A_136 = tpu.memref_slice %arg3[%add3A_132, %dma_wait3A_135] : memref<8000x80xi32, #tpu.memory_space<hbm>> -> memref<2x80xi32, #tpu.memory_space<hbm>>
        %dma_wait3A_137 = arith.constant 0 : i32
        %dma_wait3A_138 = tpu.memref_slice %arg6[%sub3A_91, %dma_wait3A_137] : memref<4x80xi32, #tpu.memory_space<vmem>> -> memref<2x80xi32, #tpu.memory_space<vmem>>
        %dma_wait3A_139 = arith.constant 0 : i32
        %dma_wait3A_140 = tpu.memref_slice %arg3[%add3A_132, %dma_wait3A_139] : memref<8000x80xi32, #tpu.memory_space<hbm>> -> memref<2x80xi32, #tpu.memory_space<hbm>>
        tpu.wait_dma2 semaphore(%arg12 : memref<!tpu.dma_semaphore, #tpu.memory_space<semaphore_mem>>) src(%dma_wait3A_140 : memref<2x80xi32, #tpu.memory_space<hbm>>) dst(%dma_wait3A_138 : memref<2x80xi32, #tpu.memory_space<vmem>>)
        %add3A_141 = arith.constant 4000 : i32
        %add3A_142 = arith.addi %add3A_132, %add3A_141 : i32
        %dma_wait3A_143 = arith.constant 0 : i32
        %dma_wait3A_144 = tpu.memref_slice %arg7[%sub3A_91, %dma_wait3A_143] : memref<4x80xi32, #tpu.memory_space<vmem>> -> memref<2x80xi32, #tpu.memory_space<vmem>>
        %dma_wait3A_145 = arith.constant 0 : i32
        %dma_wait3A_146 = tpu.memref_slice %arg3[%add3A_142, %dma_wait3A_145] : memref<8000x80xi32, #tpu.memory_space<hbm>> -> memref<2x80xi32, #tpu.memory_space<hbm>>
        %dma_wait3A_147 = arith.constant 0 : i32
        %dma_wait3A_148 = tpu.memref_slice %arg7[%sub3A_91, %dma_wait3A_147] : memref<4x80xi32, #tpu.memory_space<vmem>> -> memref<2x80xi32, #tpu.memory_space<vmem>>
        %dma_wait3A_149 = arith.constant 0 : i32
        %dma_wait3A_150 = tpu.memref_slice %arg3[%add3A_142, %dma_wait3A_149] : memref<8000x80xi32, #tpu.memory_space<hbm>> -> memref<2x80xi32, #tpu.memory_space<hbm>>
        tpu.wait_dma2 semaphore(%arg12 : memref<!tpu.dma_semaphore, #tpu.memory_space<semaphore_mem>>) src(%dma_wait3A_150 : memref<2x80xi32, #tpu.memory_space<hbm>>) dst(%dma_wait3A_148 : memref<2x80xi32, #tpu.memory_space<vmem>>)
        %dma_start3A_151 = arith.constant 0 : i32
        %dma_start3A_152 = tpu.memref_slice %arg6[%sub3A_91, %dma_start3A_151] : memref<4x80xi32, #tpu.memory_space<vmem>> -> memref<1x80xi32, #tpu.memory_space<vmem>>
        %dma_start3A_153 = tpu.memref_squeeze %dma_start3A_152 : memref<1x80xi32, #tpu.memory_space<vmem>> -> memref<80xi32, #tpu.memory_space<vmem>>
        %dma_start3A_154 = arith.constant 0 : i32
        %dma_start3A_155 = arith.constant 0 : i32
        %dma_start3A_156 = tpu.memref_slice %arg2[%dma_start3A_154, %dma_start3A_155] : memref<10000x160xf32, #tpu.memory_space<hbm>> -> memref<10000x160xf32, #tpu.memory_space<hbm>>
        tpu.enqueue_indirect_dma source(%dma_start3A_156 : memref<10000x160xf32, #tpu.memory_space<hbm>>) target(%arg8 : memref<80x160xf32, #tpu.memory_space<vmem>>) offsets(%dma_start3A_153 : memref<80xi32, #tpu.memory_space<vmem>>) semaphore(%arg10 : memref<!tpu.dma_semaphore, #tpu.memory_space<semaphore_mem>>)
      } else {
      }
      %add3A_113 = arith.constant 1 : i32
      %add3A_114 = arith.addi %mul3A_90, %add3A_113 : i32
      %dma_wait3A_115 = arith.constant 0 : i32
      %dma_wait3A_116 = tpu.memref_slice %arg6[%add3A_114, %dma_wait3A_115] : memref<4x80xi32, #tpu.memory_space<vmem>> -> memref<1x80xi32, #tpu.memory_space<vmem>>
      %dma_wait3A_117 = tpu.memref_squeeze %dma_wait3A_116 : memref<1x80xi32, #tpu.memory_space<vmem>> -> memref<80xi32, #tpu.memory_space<vmem>>
      %dma_wait3A_118 = arith.constant 0 : i32
      %dma_wait3A_119 = arith.constant 0 : i32
      %dma_wait3A_120 = tpu.memref_slice %arg2[%dma_wait3A_118, %dma_wait3A_119] : memref<10000x160xf32, #tpu.memory_space<hbm>> -> memref<10000x160xf32, #tpu.memory_space<hbm>>
      tpu.wait_indirect_dma semaphore(%arg11 : memref<!tpu.dma_semaphore, #tpu.memory_space<semaphore_mem>>) src(%dma_wait3A_120 : memref<10000x160xf32, #tpu.memory_space<hbm>>) dst(%arg9 : memref<80x160xf32, #tpu.memory_space<vmem>>)
      %add3A_121 = arith.constant 1 : i32
      %add3A_122 = arith.addi %mul3A_90, %add3A_121 : i32
      "tpu.region"() ({
        %run_scoped3A_128 = tpu.sem_alloc : memref<!tpu.dma_semaphore, #tpu.memory_space<semaphore_mem>>
        %dma_start3A_129 = arith.constant 0 : i32
        %dma_start3A_130 = tpu.memref_slice %arg7[%add3A_122, %dma_start3A_129] : memref<4x80xi32, #tpu.memory_space<vmem>> -> memref<1x80xi32, #tpu.memory_space<vmem>>
        %dma_start3A_131 = tpu.memref_squeeze %dma_start3A_130 : memref<1x80xi32, #tpu.memory_space<vmem>> -> memref<80xi32, #tpu.memory_space<vmem>>
        %dma_start3A_132 = arith.constant 0 : i32
        %dma_start3A_133 = arith.constant 0 : i32
        %dma_start3A_134 = tpu.memref_slice %arg5[%dma_start3A_132, %dma_start3A_133] : memref<10240x160xf32, #tpu.memory_space<vmem_shared>> -> memref<10240x160xf32, #tpu.memory_space<vmem_shared>>
        tpu.enqueue_indirect_dma source(%arg9 : memref<80x160xf32, #tpu.memory_space<vmem>>) target(%dma_start3A_134 : memref<10240x160xf32, #tpu.memory_space<vmem_shared>>) offsets(%dma_start3A_131 : memref<80xi32, #tpu.memory_space<vmem>>) semaphore(%run_scoped3A_128 : memref<!tpu.dma_semaphore, #tpu.memory_space<semaphore_mem>>) {add = true}
        %dma_wait3A_135 = arith.constant 0 : i32
        %dma_wait3A_136 = tpu.memref_slice %arg7[%add3A_122, %dma_wait3A_135] : memref<4x80xi32, #tpu.memory_space<vmem>> -> memref<1x80xi32, #tpu.memory_space<vmem>>
        %dma_wait3A_137 = tpu.memref_squeeze %dma_wait3A_136 : memref<1x80xi32, #tpu.memory_space<vmem>> -> memref<80xi32, #tpu.memory_space<vmem>>
        %dma_wait3A_138 = arith.constant 0 : i32
        %dma_wait3A_139 = arith.constant 0 : i32
        %dma_wait3A_140 = tpu.memref_slice %arg5[%dma_wait3A_138, %dma_wait3A_139] : memref<10240x160xf32, #tpu.memory_space<vmem_shared>> -> memref<10240x160xf32, #tpu.memory_space<vmem_shared>>
        tpu.wait_indirect_dma semaphore(%run_scoped3A_128 : memref<!tpu.dma_semaphore, #tpu.memory_space<semaphore_mem>>) src(%arg9 : memref<80x160xf32, #tpu.memory_space<vmem>>) dst(%dma_wait3A_140 : memref<10240x160xf32, #tpu.memory_space<vmem_shared>>)
        tpu.yield
      }) : () -> ()
      %lt3A_123 = arith.constant 60 : i32
      %lt3A_124 = arith.cmpi slt, %add3A_87, %lt3A_123 : i32
      %convert_element_type3A_125 = arith.extui %lt3A_124 : i1 to i32
      %cond3A_126 = arith.constant 0 : i32
      %cond3A_127 = arith.cmpi ne, %convert_element_type3A_125, %cond3A_126 : i32
      scf.if %cond3A_127 {
        %add3A_128 = arith.constant 2 : i32
        %add3A_129 = arith.addi %add3A_87, %add3A_128 : i32
        %mul3A_130 = arith.constant 2 : i32
        %mul3A_131 = arith.muli %add3A_129, %mul3A_130 : i32
        %add3A_132 = arith.addi %mul3A_14, %mul3A_131 : i32
        %dma_start3A_133 = arith.constant 0 : i32
        %dma_start3A_134 = tpu.memref_slice %arg6[%mul3A_90, %dma_start3A_133] : memref<4x80xi32, #tpu.memory_space<vmem>> -> memref<2x80xi32, #tpu.memory_space<vmem>>
        %dma_start3A_135 = arith.constant 0 : i32
        %dma_start3A_136 = tpu.memref_slice %arg3[%add3A_132, %dma_start3A_135] : memref<8000x80xi32, #tpu.memory_space<hbm>> -> memref<2x80xi32, #tpu.memory_space<hbm>>
        %dma_start3A_137 = arith.constant 0 : i32
        %dma_start3A_138 = tpu.memref_slice %arg6[%mul3A_90, %dma_start3A_137] : memref<4x80xi32, #tpu.memory_space<vmem>> -> memref<2x80xi32, #tpu.memory_space<vmem>>
        %dma_start3A_139 = arith.constant 0 : i32
        %dma_start3A_140 = tpu.memref_slice %arg3[%add3A_132, %dma_start3A_139] : memref<8000x80xi32, #tpu.memory_space<hbm>> -> memref<2x80xi32, #tpu.memory_space<hbm>>
        tpu.enqueue_dma source(%dma_start3A_140 : memref<2x80xi32, #tpu.memory_space<hbm>>) target(%dma_start3A_138 : memref<2x80xi32, #tpu.memory_space<vmem>>) target_semaphore(%arg12 : memref<!tpu.dma_semaphore, #tpu.memory_space<semaphore_mem>>)
        %add3A_141 = arith.constant 4000 : i32
        %add3A_142 = arith.addi %add3A_132, %add3A_141 : i32
        %dma_start3A_143 = arith.constant 0 : i32
        %dma_start3A_144 = tpu.memref_slice %arg7[%mul3A_90, %dma_start3A_143] : memref<4x80xi32, #tpu.memory_space<vmem>> -> memref<2x80xi32, #tpu.memory_space<vmem>>
        %dma_start3A_145 = arith.constant 0 : i32
        %dma_start3A_146 = tpu.memref_slice %arg3[%add3A_142, %dma_start3A_145] : memref<8000x80xi32, #tpu.memory_space<hbm>> -> memref<2x80xi32, #tpu.memory_space<hbm>>
        %dma_start3A_147 = arith.constant 0 : i32
        %dma_start3A_148 = tpu.memref_slice %arg7[%mul3A_90, %dma_start3A_147] : memref<4x80xi32, #tpu.memory_space<vmem>> -> memref<2x80xi32, #tpu.memory_space<vmem>>
        %dma_start3A_149 = arith.constant 0 : i32
        %dma_start3A_150 = tpu.memref_slice %arg3[%add3A_142, %dma_start3A_149] : memref<8000x80xi32, #tpu.memory_space<hbm>> -> memref<2x80xi32, #tpu.memory_space<hbm>>
        tpu.enqueue_dma source(%dma_start3A_150 : memref<2x80xi32, #tpu.memory_space<hbm>>) target(%dma_start3A_148 : memref<2x80xi32, #tpu.memory_space<vmem>>) target_semaphore(%arg12 : memref<!tpu.dma_semaphore, #tpu.memory_space<semaphore_mem>>)
      } else {
      }
    }
    %scan3A_53 = arith.constant 62 : i32
    %add3A_54 = arith.constant 124 : i32
    %add3A_55 = arith.addi %mul3A_14, %add3A_54 : i32
    "tpu.region"() ({
      %run_scoped3A_83 = tpu.sem_alloc : memref<!tpu.dma_semaphore, #tpu.memory_space<semaphore_mem>>
      %dma_start3A_84 = arith.constant 0 : i32
      %dma_start3A_85 = arith.constant 0 : i32
      %dma_start3A_86 = tpu.memref_slice %arg6[%dma_start3A_84, %dma_start3A_85] : memref<4x80xi32, #tpu.memory_space<vmem>> -> memref<1x80xi32, #tpu.memory_space<vmem>>
      %dma_start3A_87 = arith.constant 0 : i32
      %dma_start3A_88 = tpu.memref_slice %arg3[%add3A_55, %dma_start3A_87] : memref<8000x80xi32, #tpu.memory_space<hbm>> -> memref<1x80xi32, #tpu.memory_space<hbm>>
      %dma_start3A_89 = arith.constant 0 : i32
      %dma_start3A_90 = arith.constant 0 : i32
      %dma_start3A_91 = tpu.memref_slice %arg6[%dma_start3A_89, %dma_start3A_90] : memref<4x80xi32, #tpu.memory_space<vmem>> -> memref<1x80xi32, #tpu.memory_space<vmem>>
      %dma_start3A_92 = arith.constant 0 : i32
      %dma_start3A_93 = tpu.memref_slice %arg3[%add3A_55, %dma_start3A_92] : memref<8000x80xi32, #tpu.memory_space<hbm>> -> memref<1x80xi32, #tpu.memory_space<hbm>>
      tpu.enqueue_dma source(%dma_start3A_93 : memref<1x80xi32, #tpu.memory_space<hbm>>) target(%dma_start3A_91 : memref<1x80xi32, #tpu.memory_space<vmem>>) target_semaphore(%run_scoped3A_83 : memref<!tpu.dma_semaphore, #tpu.memory_space<semaphore_mem>>)
      %dma_wait3A_94 = arith.constant 0 : i32
      %dma_wait3A_95 = arith.constant 0 : i32
      %dma_wait3A_96 = tpu.memref_slice %arg6[%dma_wait3A_94, %dma_wait3A_95] : memref<4x80xi32, #tpu.memory_space<vmem>> -> memref<1x80xi32, #tpu.memory_space<vmem>>
      %dma_wait3A_97 = arith.constant 0 : i32
      %dma_wait3A_98 = tpu.memref_slice %arg3[%add3A_55, %dma_wait3A_97] : memref<8000x80xi32, #tpu.memory_space<hbm>> -> memref<1x80xi32, #tpu.memory_space<hbm>>
      %dma_wait3A_99 = arith.constant 0 : i32
      %dma_wait3A_100 = arith.constant 0 : i32
      %dma_wait3A_101 = tpu.memref_slice %arg6[%dma_wait3A_99, %dma_wait3A_100] : memref<4x80xi32, #tpu.memory_space<vmem>> -> memref<1x80xi32, #tpu.memory_space<vmem>>
      %dma_wait3A_102 = arith.constant 0 : i32
      %dma_wait3A_103 = tpu.memref_slice %arg3[%add3A_55, %dma_wait3A_102] : memref<8000x80xi32, #tpu.memory_space<hbm>> -> memref<1x80xi32, #tpu.memory_space<hbm>>
      tpu.wait_dma2 semaphore(%run_scoped3A_83 : memref<!tpu.dma_semaphore, #tpu.memory_space<semaphore_mem>>) src(%dma_wait3A_103 : memref<1x80xi32, #tpu.memory_space<hbm>>) dst(%dma_wait3A_101 : memref<1x80xi32, #tpu.memory_space<vmem>>)
      tpu.yield
    }) : () -> ()
    %add3A_56 = arith.constant 4000 : i32
    %add3A_57 = arith.addi %add3A_55, %add3A_56 : i32
    "tpu.region"() ({
      %run_scoped3A_83 = tpu.sem_alloc : memref<!tpu.dma_semaphore, #tpu.memory_space<semaphore_mem>>
      %dma_start3A_84 = arith.constant 0 : i32
      %dma_start3A_85 = arith.constant 0 : i32
      %dma_start3A_86 = tpu.memref_slice %arg7[%dma_start3A_84, %dma_start3A_85] : memref<4x80xi32, #tpu.memory_space<vmem>> -> memref<1x80xi32, #tpu.memory_space<vmem>>
      %dma_start3A_87 = arith.constant 0 : i32
      %dma_start3A_88 = tpu.memref_slice %arg3[%add3A_57, %dma_start3A_87] : memref<8000x80xi32, #tpu.memory_space<hbm>> -> memref<1x80xi32, #tpu.memory_space<hbm>>
      %dma_start3A_89 = arith.constant 0 : i32
      %dma_start3A_90 = arith.constant 0 : i32
      %dma_start3A_91 = tpu.memref_slice %arg7[%dma_start3A_89, %dma_start3A_90] : memref<4x80xi32, #tpu.memory_space<vmem>> -> memref<1x80xi32, #tpu.memory_space<vmem>>
      %dma_start3A_92 = arith.constant 0 : i32
      %dma_start3A_93 = tpu.memref_slice %arg3[%add3A_57, %dma_start3A_92] : memref<8000x80xi32, #tpu.memory_space<hbm>> -> memref<1x80xi32, #tpu.memory_space<hbm>>
      tpu.enqueue_dma source(%dma_start3A_93 : memref<1x80xi32, #tpu.memory_space<hbm>>) target(%dma_start3A_91 : memref<1x80xi32, #tpu.memory_space<vmem>>) target_semaphore(%run_scoped3A_83 : memref<!tpu.dma_semaphore, #tpu.memory_space<semaphore_mem>>)
      %dma_wait3A_94 = arith.constant 0 : i32
      %dma_wait3A_95 = arith.constant 0 : i32
      %dma_wait3A_96 = tpu.memref_slice %arg7[%dma_wait3A_94, %dma_wait3A_95] : memref<4x80xi32, #tpu.memory_space<vmem>> -> memref<1x80xi32, #tpu.memory_space<vmem>>
      %dma_wait3A_97 = arith.constant 0 : i32
      %dma_wait3A_98 = tpu.memref_slice %arg3[%add3A_57, %dma_wait3A_97] : memref<8000x80xi32, #tpu.memory_space<hbm>> -> memref<1x80xi32, #tpu.memory_space<hbm>>
      %dma_wait3A_99 = arith.constant 0 : i32
      %dma_wait3A_100 = arith.constant 0 : i32
      %dma_wait3A_101 = tpu.memref_slice %arg7[%dma_wait3A_99, %dma_wait3A_100] : memref<4x80xi32, #tpu.memory_space<vmem>> -> memref<1x80xi32, #tpu.memory_space<vmem>>
      %dma_wait3A_102 = arith.constant 0 : i32
      %dma_wait3A_103 = tpu.memref_slice %arg3[%add3A_57, %dma_wait3A_102] : memref<8000x80xi32, #tpu.memory_space<hbm>> -> memref<1x80xi32, #tpu.memory_space<hbm>>
      tpu.wait_dma2 semaphore(%run_scoped3A_83 : memref<!tpu.dma_semaphore, #tpu.memory_space<semaphore_mem>>) src(%dma_wait3A_103 : memref<1x80xi32, #tpu.memory_space<hbm>>) dst(%dma_wait3A_101 : memref<1x80xi32, #tpu.memory_space<vmem>>)
      tpu.yield
    }) : () -> ()
    %dma_start3A_58 = arith.constant 0 : i32
    %dma_start3A_59 = arith.constant 0 : i32
    %dma_start3A_60 = tpu.memref_slice %arg6[%dma_start3A_58, %dma_start3A_59] : memref<4x80xi32, #tpu.memory_space<vmem>> -> memref<1x80xi32, #tpu.memory_space<vmem>>
    %dma_start3A_61 = tpu.memref_squeeze %dma_start3A_60 : memref<1x80xi32, #tpu.memory_space<vmem>> -> memref<80xi32, #tpu.memory_space<vmem>>
    %dma_start3A_62 = arith.constant 0 : i32
    %dma_start3A_63 = arith.constant 0 : i32
    %dma_start3A_64 = tpu.memref_slice %arg2[%dma_start3A_62, %dma_start3A_63] : memref<10000x160xf32, #tpu.memory_space<hbm>> -> memref<10000x160xf32, #tpu.memory_space<hbm>>
    tpu.enqueue_indirect_dma source(%dma_start3A_64 : memref<10000x160xf32, #tpu.memory_space<hbm>>) target(%arg8 : memref<80x160xf32, #tpu.memory_space<vmem>>) offsets(%dma_start3A_61 : memref<80xi32, #tpu.memory_space<vmem>>) semaphore(%arg10 : memref<!tpu.dma_semaphore, #tpu.memory_space<semaphore_mem>>)
    %dma_wait3A = arith.constant 0 : i32
    %dma_wait3A_65 = arith.constant 0 : i32
    %dma_wait3A_66 = tpu.memref_slice %arg6[%dma_wait3A, %dma_wait3A_65] : memref<4x80xi32, #tpu.memory_space<vmem>> -> memref<1x80xi32, #tpu.memory_space<vmem>>
    %dma_wait3A_67 = tpu.memref_squeeze %dma_wait3A_66 : memref<1x80xi32, #tpu.memory_space<vmem>> -> memref<80xi32, #tpu.memory_space<vmem>>
    %dma_wait3A_68 = arith.constant 0 : i32
    %dma_wait3A_69 = arith.constant 0 : i32
    %dma_wait3A_70 = tpu.memref_slice %arg2[%dma_wait3A_68, %dma_wait3A_69] : memref<10000x160xf32, #tpu.memory_space<hbm>> -> memref<10000x160xf32, #tpu.memory_space<hbm>>
    tpu.wait_indirect_dma semaphore(%arg10 : memref<!tpu.dma_semaphore, #tpu.memory_space<semaphore_mem>>) src(%dma_wait3A_70 : memref<10000x160xf32, #tpu.memory_space<hbm>>) dst(%arg8 : memref<80x160xf32, #tpu.memory_space<vmem>>)
    %run_scoped3A = arith.constant 0 : i32
    "tpu.region"() ({
      %run_scoped3A_83 = tpu.sem_alloc : memref<!tpu.dma_semaphore, #tpu.memory_space<semaphore_mem>>
      %dma_start3A_84 = arith.constant 0 : i32
      %dma_start3A_85 = tpu.memref_slice %arg7[%run_scoped3A, %dma_start3A_84] : memref<4x80xi32, #tpu.memory_space<vmem>> -> memref<1x80xi32, #tpu.memory_space<vmem>>
      %dma_start3A_86 = tpu.memref_squeeze %dma_start3A_85 : memref<1x80xi32, #tpu.memory_space<vmem>> -> memref<80xi32, #tpu.memory_space<vmem>>
      %dma_start3A_87 = arith.constant 0 : i32
      %dma_start3A_88 = arith.constant 0 : i32
      %dma_start3A_89 = tpu.memref_slice %arg5[%dma_start3A_87, %dma_start3A_88] : memref<10240x160xf32, #tpu.memory_space<vmem_shared>> -> memref<10240x160xf32, #tpu.memory_space<vmem_shared>>
      tpu.enqueue_indirect_dma source(%arg8 : memref<80x160xf32, #tpu.memory_space<vmem>>) target(%dma_start3A_89 : memref<10240x160xf32, #tpu.memory_space<vmem_shared>>) offsets(%dma_start3A_86 : memref<80xi32, #tpu.memory_space<vmem>>) semaphore(%run_scoped3A_83 : memref<!tpu.dma_semaphore, #tpu.memory_space<semaphore_mem>>) {add = true}
      %dma_wait3A_90 = arith.constant 0 : i32
      %dma_wait3A_91 = tpu.memref_slice %arg7[%run_scoped3A, %dma_wait3A_90] : memref<4x80xi32, #tpu.memory_space<vmem>> -> memref<1x80xi32, #tpu.memory_space<vmem>>
      %dma_wait3A_92 = tpu.memref_squeeze %dma_wait3A_91 : memref<1x80xi32, #tpu.memory_space<vmem>> -> memref<80xi32, #tpu.memory_space<vmem>>
      %dma_wait3A_93 = arith.constant 0 : i32
      %dma_wait3A_94 = arith.constant 0 : i32
      %dma_wait3A_95 = tpu.memref_slice %arg5[%dma_wait3A_93, %dma_wait3A_94] : memref<10240x160xf32, #tpu.memory_space<vmem_shared>> -> memref<10240x160xf32, #tpu.memory_space<vmem_shared>>
      tpu.wait_indirect_dma semaphore(%run_scoped3A_83 : memref<!tpu.dma_semaphore, #tpu.memory_space<semaphore_mem>>) src(%arg8 : memref<80x160xf32, #tpu.memory_space<vmem>>) dst(%dma_wait3A_95 : memref<10240x160xf32, #tpu.memory_space<vmem_shared>>)
      tpu.yield
    }) : () -> ()
    %barrier3A_71 = arith.constant 0 : index
    tpu.barrier barrier_id(%barrier3A_71)
    %mul3A_72 = arith.constant 640 : i32
    %mul3A_73 = arith.muli %arg1, %mul3A_72 : i32
    %mul3A_74 = arith.constant 10000 : i32
    %mul3A_75 = arith.muli %arg0, %mul3A_74 : i32
    %add3A_76 = arith.addi %mul3A_75, %mul3A_73 : i32
    %lt3A = arith.constant 15 : i32
    %lt3A_77 = arith.cmpi slt, %arg1, %lt3A : i32
    %convert_element_type3A = arith.extui %lt3A_77 : i1 to i32
    %cond3A = arith.constant 0 : i32
    %cond3A_78 = arith.cmpi ne, %convert_element_type3A, %cond3A : i32
    scf.if %cond3A_78 {
      "tpu.region"() ({
        %run_scoped3A_83 = tpu.sem_alloc : memref<!tpu.dma_semaphore, #tpu.memory_space<semaphore_mem>>
        %dma_start3A_84 = arith.constant 0 : i32
        %dma_start3A_85 = tpu.memref_slice %arg4[%add3A_76, %dma_start3A_84] : memref<20000x160xf32, #tpu.memory_space<hbm>> -> memref<640x160xf32, #tpu.memory_space<hbm>>
        %dma_start3A_86 = arith.constant 0 : i32
        %dma_start3A_87 = tpu.memref_slice %arg5[%mul3A_73, %dma_start3A_86] : memref<10240x160xf32, #tpu.memory_space<vmem_shared>> -> memref<640x160xf32, #tpu.memory_space<vmem_shared>>
        tpu.enqueue_dma source(%dma_start3A_87 : memref<640x160xf32, #tpu.memory_space<vmem_shared>>) target(%dma_start3A_85 : memref<640x160xf32, #tpu.memory_space<hbm>>) target_semaphore(%run_scoped3A_83 : memref<!tpu.dma_semaphore, #tpu.memory_space<semaphore_mem>>)
        %dma_wait3A_88 = arith.constant 0 : i32
        %dma_wait3A_89 = tpu.memref_slice %arg4[%add3A_76, %dma_wait3A_88] : memref<20000x160xf32, #tpu.memory_space<hbm>> -> memref<640x160xf32, #tpu.memory_space<hbm>>
        %dma_wait3A_90 = arith.constant 0 : i32
        %dma_wait3A_91 = tpu.memref_slice %arg5[%mul3A_73, %dma_wait3A_90] : memref<10240x160xf32, #tpu.memory_space<vmem_shared>> -> memref<640x160xf32, #tpu.memory_space<vmem_shared>>
        tpu.wait_dma2 semaphore(%run_scoped3A_83 : memref<!tpu.dma_semaphore, #tpu.memory_space<semaphore_mem>>) src(%dma_wait3A_91 : memref<640x160xf32, #tpu.memory_space<vmem_shared>>) dst(%dma_wait3A_89 : memref<640x160xf32, #tpu.memory_space<hbm>>)
        tpu.yield
      }) : () -> ()
    } else {
    }
    %eq3A = arith.constant 15 : i32
    %eq3A_79 = arith.cmpi eq, %arg1, %eq3A : i32
    %convert_element_type3A_80 = arith.extui %eq3A_79 : i1 to i32
    %cond3A_81 = arith.constant 0 : i32
    %cond3A_82 = arith.cmpi ne, %convert_element_type3A_80, %cond3A_81 : i32
    scf.if %cond3A_82 {
      "tpu.region"() ({
        %run_scoped3A_83 = tpu.sem_alloc : memref<!tpu.dma_semaphore, #tpu.memory_space<semaphore_mem>>
        %dma_start3A_84 = arith.constant 0 : i32
        %dma_start3A_85 = tpu.memref_slice %arg4[%add3A_76, %dma_start3A_84] : memref<20000x160xf32, #tpu.memory_space<hbm>> -> memref<400x160xf32, #tpu.memory_space<hbm>>
        %dma_start3A_86 = arith.constant 0 : i32
        %dma_start3A_87 = tpu.memref_slice %arg5[%mul3A_73, %dma_start3A_86] : memref<10240x160xf32, #tpu.memory_space<vmem_shared>> -> memref<400x160xf32, #tpu.memory_space<vmem_shared>>
        tpu.enqueue_dma source(%dma_start3A_87 : memref<400x160xf32, #tpu.memory_space<vmem_shared>>) target(%dma_start3A_85 : memref<400x160xf32, #tpu.memory_space<hbm>>) target_semaphore(%run_scoped3A_83 : memref<!tpu.dma_semaphore, #tpu.memory_space<semaphore_mem>>)
        %dma_wait3A_88 = arith.constant 0 : i32
        %dma_wait3A_89 = tpu.memref_slice %arg4[%add3A_76, %dma_wait3A_88] : memref<20000x160xf32, #tpu.memory_space<hbm>> -> memref<400x160xf32, #tpu.memory_space<hbm>>
        %dma_wait3A_90 = arith.constant 0 : i32
        %dma_wait3A_91 = tpu.memref_slice %arg5[%mul3A_73, %dma_wait3A_90] : memref<10240x160xf32, #tpu.memory_space<vmem_shared>> -> memref<400x160xf32, #tpu.memory_space<vmem_shared>>
        tpu.wait_dma2 semaphore(%run_scoped3A_83 : memref<!tpu.dma_semaphore, #tpu.memory_space<semaphore_mem>>) src(%dma_wait3A_91 : memref<400x160xf32, #tpu.memory_space<vmem_shared>>) dst(%dma_wait3A_89 : memref<400x160xf32, #tpu.memory_space<hbm>>)
        tpu.yield
      }) : () -> ()
    } else {
    }
    return
  }
}

module attributes {stable_mosaic.version = 14 : i64} {
  func.func @_t0_body(%arg0: i32, %arg1: memref<1000x128xf32, #tpu.memory_space<vmem>>, %arg2: memref<1000x1xi32, #tpu.memory_space<vmem>>, %arg3: memref<64x32xf32, #tpu.memory_space<vmem>>, %arg4: memref<1000x160xf32, #tpu.memory_space<vmem>>) attributes {dimension_semantics = [#tpu.dimension_semantics<arbitrary>], iteration_bounds = array<i64: 10>, scalar_prefetch = 0 : i64, scratch_operands = 0 : i64, tpu.core_type = #tpu.core_type<tc>, window_params = [{transform_indices = @transform_0, window_bounds = array<i64: 1000, 128>}, {transform_indices = @transform_1, window_bounds = array<i64: 1000, 1>}, {pipeline_mode = #tpu.pipeline_mode<synchronous>, transform_indices = @transform_2, window_bounds = array<i64: 64, 32>}, {transform_indices = @transform_3, window_bounds = array<i64: 1000, 160>}]} {
    %get3A = arith.constant 0 : index
    %get3A_0 = arith.constant 0 : index
    %get3A_1 = vector.load %arg2[%get3A, %get3A_0] : memref<1000x1xi32, #tpu.memory_space<vmem>>, vector<1000x1xi32>
    %iota3A = tpu.iota {dimensions = array<i32: 1>} : vector<1x64xi32>
    %eq3A = vector.broadcast %get3A_1 : vector<1000x1xi32> to vector<1000x64xi32>
    %eq3A_2 = vector.broadcast %iota3A : vector<1x64xi32> to vector<1000x64xi32>
    %eq3A_3 = arith.cmpi eq, %eq3A, %eq3A_2 : vector<1000x64xi32>
    %convert_element_type3A = arith.extui %eq3A_3 : vector<1000x64xi1> to vector<1000x64xi32>
    %convert_element_type3A_4 = arith.sitofp %convert_element_type3A : vector<1000x64xi32> to vector<1000x64xf32>
    %get3A_5 = arith.constant 0 : index
    %get3A_6 = arith.constant 0 : index
    %get3A_7 = vector.load %arg3[%get3A_5, %get3A_6] : memref<64x32xf32, #tpu.memory_space<vmem>>, vector<64x32xf32>
    %dot_general3A = arith.constant dense<0.000000e+00> : vector<1000x32xf32>
    %dot_general3A_8 = tpu.matmul %convert_element_type3A_4, %get3A_7, %dot_general3A {dimension_numbers = #tpu.dot_dimension_numbers<[1], [0], [0], [1], [0, 0, 1, 1], [], []>, transpose_lhs_hint = false} : vector<1000x64xf32>, vector<64x32xf32>, vector<1000x32xf32> -> vector<1000x32xf32>
    %get3A_9 = arith.constant 0 : index
    %get3A_10 = arith.constant 0 : index
    %get3A_11 = vector.load %arg1[%get3A_9, %get3A_10] : memref<1000x128xf32, #tpu.memory_space<vmem>>, vector<1000x128xf32>
    %concatenate3A = tpu.concatenate %get3A_11, %dot_general3A_8 in 1 : vector<1000x128xf32>, vector<1000x32xf32> -> vector<1000x160xf32>
    %swap3A = arith.constant 0 : index
    %swap3A_12 = arith.constant 0 : index
    %swap3A_13 = vector.load %arg4[%swap3A, %swap3A_12] : memref<1000x160xf32, #tpu.memory_space<vmem>>, vector<1000x160xf32>
    tpu.vector_store %arg4[%swap3A, %swap3A_12], %concatenate3A {strides = array<i32>} : memref<1000x160xf32, #tpu.memory_space<vmem>>, vector<1000x160xf32>,
    return
  }
  func.func @transform_0(%arg0: i32) -> (i32, i32) {
    %c0_i32 = arith.constant 0 : i32
    %c0_i32_0 = arith.constant 0 : i32
    return %arg0, %c0_i32 : i32, i32
  }
  func.func @transform_1(%arg0: i32) -> (i32, i32) {
    %c0_i32 = arith.constant 0 : i32
    %c0_i32_0 = arith.constant 0 : i32
    return %arg0, %c0_i32 : i32, i32
  }
  func.func @transform_2(%arg0: i32) -> (i32, i32) {
    %c0_i32 = arith.constant 0 : i32
    %c0_i32_0 = arith.constant 0 : i32
    %c0_i32_1 = arith.constant 0 : i32
    return %c0_i32, %c0_i32_0 : i32, i32
  }
  func.func @transform_3(%arg0: i32) -> (i32, i32) {
    %c0_i32 = arith.constant 0 : i32
    %c0_i32_0 = arith.constant 0 : i32
    return %arg0, %c0_i32 : i32, i32
  }
}

module attributes {stable_mosaic.version = 14 : i64} {
  func.func @_mid_body(%arg0: i32, %arg1: memref<1000x160xf32, #tpu.memory_space<vmem>>, %arg2: memref<1000x160xf32, #tpu.memory_space<vmem>>, %arg3: memref<1000x160xf32, #tpu.memory_space<vmem>>, %arg4: memref<1000x16xf32, #tpu.memory_space<vmem>>, %arg5: memref<1000x16xf32, #tpu.memory_space<vmem>>, %arg6: memref<160x224xf32, #tpu.memory_space<vmem>>, %arg7: memref<1x224xf32, #tpu.memory_space<vmem>>, %arg8: memref<160x224xf32, #tpu.memory_space<vmem>>, %arg9: memref<256x224xf32, #tpu.memory_space<vmem>>, %arg10: memref<256x224xf32, #tpu.memory_space<vmem>>, %arg11: memref<1000x224xf32, #tpu.memory_space<vmem>>, %arg12: memref<2x1000x112xf32, #tpu.memory_space<vmem>>, %arg13: memref<1000x224xf32, #tpu.memory_space<vmem>>) attributes {dimension_semantics = [#tpu.dimension_semantics<arbitrary>], iteration_bounds = array<i64: 10>, scalar_prefetch = 0 : i64, scratch_operands = 0 : i64, tpu.core_type = #tpu.core_type<tc>, window_params = [{transform_indices = @transform_0, window_bounds = array<i64: 1000, 160>}, {transform_indices = @transform_1, window_bounds = array<i64: 1000, 160>}, {transform_indices = @transform_2, window_bounds = array<i64: 1000, 160>}, {transform_indices = @transform_3, window_bounds = array<i64: 1000, 16>}, {transform_indices = @transform_4, window_bounds = array<i64: 1000, 16>}, {pipeline_mode = #tpu.pipeline_mode<synchronous>, transform_indices = @transform_5, window_bounds = array<i64: 160, 224>}, {pipeline_mode = #tpu.pipeline_mode<synchronous>, transform_indices = @transform_6, window_bounds = array<i64: 1, 224>}, {pipeline_mode = #tpu.pipeline_mode<synchronous>, transform_indices = @transform_7, window_bounds = array<i64: 160, 224>}, {pipeline_mode = #tpu.pipeline_mode<synchronous>, transform_indices = @transform_8, window_bounds = array<i64: 256, 224>}, {pipeline_mode = #tpu.pipeline_mode<synchronous>, transform_indices = @transform_9, window_bounds = array<i64: 256, 224>}, {transform_indices = @transform_10, window_bounds = array<i64: 1000, 224>}, {transform_indices = @transform_11, window_bounds = array<i64: 2, 1000, 112>}, {transform_indices = @transform_12, window_bounds = array<i64: 1000, 224>}]} {
    %get3A = arith.constant 0 : index
    %get3A_0 = arith.constant 0 : index
    %get3A_1 = vector.load %arg4[%get3A, %get3A_0] : memref<1000x16xf32, #tpu.memory_space<vmem>>, vector<1000x1xf32>
    %get3A_2 = arith.constant 0 : index
    %get3A_3 = arith.constant 0 : index
    %get3A_4 = vector.load %arg5[%get3A_2, %get3A_3] : memref<1000x16xf32, #tpu.memory_space<vmem>>, vector<1000x1xf32>
    %add3A = arith.addf %get3A_1, %get3A_4 : vector<1000x1xf32>
    %max3A = arith.constant 1.000000e+00 : f32
    %max3A_5 = vector.broadcast %max3A : f32 to vector<1000x1xf32>
    %max3A_6 = arith.maximumf %add3A, %max3A_5 : vector<1000x1xf32>
    %get3A_7 = arith.constant 0 : index
    %get3A_8 = arith.constant 0 : index
    %get3A_9 = vector.load %arg2[%get3A_7, %get3A_8] : memref<1000x160xf32, #tpu.memory_space<vmem>>, vector<1000x160xf32>
    %get3A_10 = arith.constant 0 : index
    %get3A_11 = arith.constant 0 : index
    %get3A_12 = vector.load %arg3[%get3A_10, %get3A_11] : memref<1000x160xf32, #tpu.memory_space<vmem>>, vector<1000x160xf32>
    %add3A_13 = arith.addf %get3A_9, %get3A_12 : vector<1000x160xf32>
    %div3A = vector.broadcast %max3A_6 : vector<1000x1xf32> to vector<1000x160xf32>
    %div3A_14 = arith.divf %add3A_13, %div3A : vector<1000x160xf32>
    %get3A_15 = arith.constant 0 : index
    %get3A_16 = arith.constant 0 : index
    %get3A_17 = vector.load %arg1[%get3A_15, %get3A_16] : memref<1000x160xf32, #tpu.memory_space<vmem>>, vector<1000x160xf32>
    %get3A_18 = arith.constant 0 : index
    %get3A_19 = arith.constant 0 : index
    %get3A_20 = vector.load %arg6[%get3A_18, %get3A_19] : memref<160x224xf32, #tpu.memory_space<vmem>>, vector<160x224xf32>
    %dot_general3A = arith.constant dense<0.000000e+00> : vector<1000x224xf32>
    %dot_general3A_21 = tpu.matmul %div3A_14, %get3A_20, %dot_general3A {dimension_numbers = #tpu.dot_dimension_numbers<[1], [0], [0], [1], [0, 0, 1, 1], [], []>, transpose_lhs_hint = false} : vector<1000x160xf32>, vector<160x224xf32>, vector<1000x224xf32> -> vector<1000x224xf32>
    %get3A_22 = arith.constant 0 : index
    %get3A_23 = arith.constant 0 : index
    %get3A_24 = vector.load %arg7[%get3A_22, %get3A_23] : memref<1x224xf32, #tpu.memory_space<vmem>>, vector<1x224xf32>
    %add3A_25 = vector.broadcast %get3A_24 : vector<1x224xf32> to vector<1000x224xf32>
    %add3A_26 = arith.addf %dot_general3A_21, %add3A_25 : vector<1000x224xf32>
    %get3A_27 = arith.constant 0 : index
    %get3A_28 = arith.constant 0 : index
    %get3A_29 = vector.load %arg8[%get3A_27, %get3A_28] : memref<160x224xf32, #tpu.memory_space<vmem>>, vector<160x224xf32>
    %dot_general3A_30 = arith.constant dense<0.000000e+00> : vector<1000x224xf32>
    %dot_general3A_31 = tpu.matmul %get3A_17, %get3A_29, %dot_general3A_30 {dimension_numbers = #tpu.dot_dimension_numbers<[1], [0], [0], [1], [0, 0, 1, 1], [], []>, transpose_lhs_hint = false} : vector<1000x160xf32>, vector<160x224xf32>, vector<1000x224xf32> -> vector<1000x224xf32>
    %add3A_32 = arith.addf %add3A_26, %dot_general3A_31 : vector<1000x224xf32>
    %swap3A = arith.constant 0 : index
    %swap3A_33 = arith.constant 0 : index
    %swap3A_34 = vector.load %arg11[%swap3A, %swap3A_33] : memref<1000x224xf32, #tpu.memory_space<vmem>>, vector<1000x224xf32>
    tpu.vector_store %arg11[%swap3A, %swap3A_33], %add3A_32 {strides = array<i32>} : memref<1000x224xf32, #tpu.memory_space<vmem>>, vector<1000x224xf32>,
    %slice3A = vector.extract_strided_slice %get3A_17 {offsets = [0, 128], sizes = [1000, 32], strides = [1, 1]} : vector<1000x160xf32> to vector<1000x32xf32>
    %get3A_35 = arith.constant 0 : index
    %get3A_36 = arith.constant 0 : index
    %get3A_37 = vector.load %arg9[%get3A_35, %get3A_36] : memref<256x224xf32, #tpu.memory_space<vmem>>, vector<224x224xf32>
    %dot_general3A_38 = arith.constant dense<0.000000e+00> : vector<1000x224xf32>
    %dot_general3A_39 = tpu.matmul %add3A_32, %get3A_37, %dot_general3A_38 {dimension_numbers = #tpu.dot_dimension_numbers<[1], [0], [0], [1], [0, 0, 1, 1], [], []>, transpose_lhs_hint = false} : vector<1000x224xf32>, vector<224x224xf32>, vector<1000x224xf32> -> vector<1000x224xf32>
    %get3A_40 = arith.constant 224 : index
    %get3A_41 = arith.constant 0 : index
    %get3A_42 = vector.load %arg9[%get3A_40, %get3A_41] : memref<256x224xf32, #tpu.memory_space<vmem>>, vector<32x224xf32>
    %dot_general3A_43 = arith.constant dense<0.000000e+00> : vector<1000x224xf32>
    %dot_general3A_44 = tpu.matmul %slice3A, %get3A_42, %dot_general3A_43 {dimension_numbers = #tpu.dot_dimension_numbers<[1], [0], [0], [1], [0, 0, 1, 1], [], []>, transpose_lhs_hint = false} : vector<1000x32xf32>, vector<32x224xf32>, vector<1000x224xf32> -> vector<1000x224xf32>
    %add3A_45 = arith.addf %dot_general3A_39, %dot_general3A_44 : vector<1000x224xf32>
    %slice3A_46 = vector.extract_strided_slice %add3A_45 {offsets = [0, 0], sizes = [1000, 112], strides = [1, 1]} : vector<1000x224xf32> to vector<1000x112xf32>
    %swap3A_47 = arith.constant 0 : index
    %swap3A_48 = arith.constant 0 : index
    %swap3A_49 = arith.constant 0 : index
    %swap3A_50 = vector.load %arg12[%swap3A_47, %swap3A_48, %swap3A_49] : memref<2x1000x112xf32, #tpu.memory_space<vmem>>, vector<1x1000x112xf32>
    %swap3A_51 = vector.shape_cast %swap3A_50 : vector<1x1000x112xf32> to vector<1000x112xf32>
    %swap3A_52 = vector.shape_cast %slice3A_46 : vector<1000x112xf32> to vector<1x1000x112xf32>
    tpu.vector_store %arg12[%swap3A_47, %swap3A_48, %swap3A_49], %swap3A_52 {strides = array<i32>} : memref<2x1000x112xf32, #tpu.memory_space<vmem>>, vector<1x1000x112xf32>,
    %slice3A_53 = vector.extract_strided_slice %add3A_45 {offsets = [0, 112], sizes = [1000, 112], strides = [1, 1]} : vector<1000x224xf32> to vector<1000x112xf32>
    %swap3A_54 = arith.constant 1 : index
    %swap3A_55 = arith.constant 0 : index
    %swap3A_56 = arith.constant 0 : index
    %swap3A_57 = vector.load %arg12[%swap3A_54, %swap3A_55, %swap3A_56] : memref<2x1000x112xf32, #tpu.memory_space<vmem>>, vector<1x1000x112xf32>
    %swap3A_58 = vector.shape_cast %swap3A_57 : vector<1x1000x112xf32> to vector<1000x112xf32>
    %swap3A_59 = vector.shape_cast %slice3A_53 : vector<1000x112xf32> to vector<1x1000x112xf32>
    tpu.vector_store %arg12[%swap3A_54, %swap3A_55, %swap3A_56], %swap3A_59 {strides = array<i32>} : memref<2x1000x112xf32, #tpu.memory_space<vmem>>, vector<1x1000x112xf32>,
    %get3A_60 = arith.constant 0 : index
    %get3A_61 = arith.constant 0 : index
    %get3A_62 = vector.load %arg10[%get3A_60, %get3A_61] : memref<256x224xf32, #tpu.memory_space<vmem>>, vector<224x224xf32>
    %dot_general3A_63 = arith.constant dense<0.000000e+00> : vector<1000x224xf32>
    %dot_general3A_64 = tpu.matmul %add3A_32, %get3A_62, %dot_general3A_63 {dimension_numbers = #tpu.dot_dimension_numbers<[1], [0], [0], [1], [0, 0, 1, 1], [], []>, transpose_lhs_hint = false} : vector<1000x224xf32>, vector<224x224xf32>, vector<1000x224xf32> -> vector<1000x224xf32>
    %get3A_65 = arith.constant 224 : index
    %get3A_66 = arith.constant 0 : index
    %get3A_67 = vector.load %arg10[%get3A_65, %get3A_66] : memref<256x224xf32, #tpu.memory_space<vmem>>, vector<32x224xf32>
    %dot_general3A_68 = arith.constant dense<0.000000e+00> : vector<1000x224xf32>
    %dot_general3A_69 = tpu.matmul %slice3A, %get3A_67, %dot_general3A_68 {dimension_numbers = #tpu.dot_dimension_numbers<[1], [0], [0], [1], [0, 0, 1, 1], [], []>, transpose_lhs_hint = false} : vector<1000x32xf32>, vector<32x224xf32>, vector<1000x224xf32> -> vector<1000x224xf32>
    %add3A_70 = arith.addf %dot_general3A_64, %dot_general3A_69 : vector<1000x224xf32>
    %swap3A_71 = arith.constant 0 : index
    %swap3A_72 = arith.constant 0 : index
    %swap3A_73 = vector.load %arg13[%swap3A_71, %swap3A_72] : memref<1000x224xf32, #tpu.memory_space<vmem>>, vector<1000x224xf32>
    tpu.vector_store %arg13[%swap3A_71, %swap3A_72], %add3A_70 {strides = array<i32>} : memref<1000x224xf32, #tpu.memory_space<vmem>>, vector<1000x224xf32>,
    return
  }
  func.func @transform_0(%arg0: i32) -> (i32, i32) {
    %c0_i32 = arith.constant 0 : i32
    %c0_i32_0 = arith.constant 0 : i32
    return %arg0, %c0_i32 : i32, i32
  }
  func.func @transform_1(%arg0: i32) -> (i32, i32) {
    %c0_i32 = arith.constant 0 : i32
    %c0_i32_0 = arith.constant 0 : i32
    return %arg0, %c0_i32 : i32, i32
  }
  func.func @transform_2(%arg0: i32) -> (i32, i32) {
    %add3A = arith.constant 10 : i32
    %add3A_0 = arith.addi %arg0, %add3A : i32
    %c0_i32 = arith.constant 0 : i32
    %c0_i32_1 = arith.constant 0 : i32
    return %add3A_0, %c0_i32 : i32, i32
  }
  func.func @transform_3(%arg0: i32) -> (i32, i32) {
    %c0_i32 = arith.constant 0 : i32
    %c0_i32_0 = arith.constant 0 : i32
    return %arg0, %c0_i32 : i32, i32
  }
  func.func @transform_4(%arg0: i32) -> (i32, i32) {
    %add3A = arith.constant 10 : i32
    %add3A_0 = arith.addi %arg0, %add3A : i32
    %c0_i32 = arith.constant 0 : i32
    %c0_i32_1 = arith.constant 0 : i32
    return %add3A_0, %c0_i32 : i32, i32
  }
  func.func @transform_5(%arg0: i32) -> (i32, i32) {
    %c0_i32 = arith.constant 0 : i32
    %c0_i32_0 = arith.constant 0 : i32
    %c0_i32_1 = arith.constant 0 : i32
    return %c0_i32, %c0_i32_0 : i32, i32
  }
  func.func @transform_6(%arg0: i32) -> (i32, i32) {
    %c0_i32 = arith.constant 0 : i32
    %c0_i32_0 = arith.constant 0 : i32
    %c0_i32_1 = arith.constant 0 : i32
    return %c0_i32, %c0_i32_0 : i32, i32
  }
  func.func @transform_7(%arg0: i32) -> (i32, i32) {
    %c0_i32 = arith.constant 0 : i32
    %c0_i32_0 = arith.constant 0 : i32
    %c0_i32_1 = arith.constant 0 : i32
    return %c0_i32, %c0_i32_0 : i32, i32
  }
  func.func @transform_8(%arg0: i32) -> (i32, i32) {
    %c0_i32 = arith.constant 0 : i32
    %c0_i32_0 = arith.constant 0 : i32
    %c0_i32_1 = arith.constant 0 : i32
    return %c0_i32, %c0_i32_0 : i32, i32
  }
  func.func @transform_9(%arg0: i32) -> (i32, i32) {
    %c0_i32 = arith.constant 0 : i32
    %c0_i32_0 = arith.constant 0 : i32
    %c0_i32_1 = arith.constant 0 : i32
    return %c0_i32, %c0_i32_0 : i32, i32
  }
  func.func @transform_10(%arg0: i32) -> (i32, i32) {
    %c0_i32 = arith.constant 0 : i32
    %c0_i32_0 = arith.constant 0 : i32
    return %arg0, %c0_i32 : i32, i32
  }
  func.func @transform_11(%arg0: i32) -> (i32, i32, i32) {
    %c0_i32 = arith.constant 0 : i32
    %c0_i32_0 = arith.constant 0 : i32
    %c0_i32_1 = arith.constant 0 : i32
    return %c0_i32, %arg0, %c0_i32_0 : i32, i32, i32
  }
  func.func @transform_12(%arg0: i32) -> (i32, i32) {
    %c0_i32 = arith.constant 0 : i32
    %c0_i32_0 = arith.constant 0 : i32
    return %arg0, %c0_i32 : i32, i32
  }
}

module attributes {stable_mosaic.version = 14 : i64} {
  func.func @_pool1_body(%arg0: i32, %arg1: memref<10000xi32, #tpu.memory_space<smem>>, %arg2: memref<1000x1xi32, #tpu.memory_space<vmem>>, %arg3: memref<1000x224xf32, #tpu.memory_space<vmem>>, %arg4: memref<64x224xf32, #tpu.memory_space<vmem>>, %arg5: memref<64x224xf32, #tpu.memory_space<vmem>>) attributes {dimension_semantics = [#tpu.dimension_semantics<arbitrary>], iteration_bounds = array<i64: 10>, scalar_prefetch = 1 : i64, scratch_operands = 1 : i64, tpu.core_type = #tpu.core_type<tc>, window_params = [{transform_indices = @transform_0, window_bounds = array<i64: 1000, 1>}, {transform_indices = @transform_1, window_bounds = array<i64: 1000, 224>}, {pipeline_mode = #tpu.pipeline_mode<synchronous>, transform_indices = @transform_2, window_bounds = array<i64: 64, 224>}]} {
    %eq3A = arith.constant 0 : i32
    %eq3A_0 = arith.cmpi eq, %arg0, %eq3A : i32
    %convert_element_type3A = arith.extui %eq3A_0 : i1 to i32
    %cond3A = arith.constant 0 : i32
    %cond3A_1 = arith.cmpi ne, %convert_element_type3A, %cond3A : i32
    scf.if %cond3A_1 {
      %broadcast_in_dim3A = arith.constant 0xFF800000 : f32
      %broadcast_in_dim3A_25 = vector.broadcast %broadcast_in_dim3A : f32 to vector<64x224xf32>
      %swap3A = arith.constant 0 : index
      %swap3A_26 = arith.constant 0 : index
      %swap3A_27 = vector.load %arg5[%swap3A, %swap3A_26] : memref<64x224xf32, #tpu.memory_space<vmem>>, vector<64x224xf32>
      tpu.vector_store %arg5[%swap3A, %swap3A_26], %broadcast_in_dim3A_25 {strides = array<i32>} : memref<64x224xf32, #tpu.memory_space<vmem>>, vector<64x224xf32>,
    } else {
    }
    %mul3A = arith.constant 1000 : i32
    %mul3A_2 = arith.muli %arg0, %mul3A : i32
    %get3A = arith.index_cast %mul3A_2 : i32 to index
    %get3A_3 = memref.load %arg1[%get3A] : memref<10000xi32, #tpu.memory_space<smem>>
    %mul3A_4 = arith.constant 1000 : i32
    %mul3A_5 = arith.muli %arg0, %mul3A_4 : i32
    %add3A = arith.constant 1000 : i32
    %add3A_6 = arith.addi %mul3A_5, %add3A : i32
    %sub3A = arith.constant 1 : i32
    %sub3A_7 = arith.subi %add3A_6, %sub3A : i32
    %get3A_8 = arith.index_cast %sub3A_7 : i32 to index
    %get3A_9 = memref.load %arg1[%get3A_8] : memref<10000xi32, #tpu.memory_space<smem>>
    %iota3A = tpu.iota {dimensions = array<i32: 0>} : vector<64x1xi32>
    %add3A_10 = arith.constant 1 : i32
    %add3A_11 = arith.addi %get3A_9, %add3A_10 : i32
    %while3A = arith.constant 0 : i32
    %while3A_12 = arith.subi %add3A_11, %get3A_3 : i32
    %while3A_13 = arith.addi %get3A_3, %while3A_12 : i32
    %while3A_14 = arith.constant 1 : i32
    %while3A_15 = arith.divsi %while3A_12, %while3A_14 : i32
    %while3A_16 = arith.muli %while3A_15, %while3A_14 : i32
    %while3A_17 = arith.addi %get3A_3, %while3A_16 : i32
    %while3A_18 = arith.constant 1 : i32
    scf.for %while3A_25 = %get3A_3 to %while3A_17 step %while3A_18  : i32 {
      %get3A_26 = arith.constant 0 : index
      %get3A_27 = arith.constant 0 : index
      %get3A_28 = vector.load %arg2[%get3A_26, %get3A_27] : memref<1000x1xi32, #tpu.memory_space<vmem>>, vector<1000x1xi32>
      %eq3A_29 = vector.broadcast %while3A_25 : i32 to vector<1000x1xi32>
      %eq3A_30 = arith.cmpi eq, %get3A_28, %eq3A_29 : vector<1000x1xi32>
      %get3A_31 = arith.constant 0 : index
      %get3A_32 = arith.constant 0 : index
      %get3A_33 = vector.load %arg3[%get3A_31, %get3A_32] : memref<1000x224xf32, #tpu.memory_space<vmem>>, vector<1000x224xf32>
      %jit3A = arith.constant 0xFF800000 : f32
      %broadcast_in_dim3A = vector.shape_cast %eq3A_30 : vector<1000x1xi1> to vector<1000x1xi1>
      %broadcast_in_dim3A_34 = vector.broadcast %broadcast_in_dim3A : vector<1000x1xi1> to vector<1000x224xi1>
      %broadcast_in_dim3A_35 = vector.broadcast %jit3A : f32 to vector<1000x224xf32>
      %select_n3A = arith.select %broadcast_in_dim3A_34, %get3A_33, %broadcast_in_dim3A_35 : vector<1000x224xi1>, vector<1000x224xf32>
      %reduce_max3A = arith.constant dense<0xFF800000> : vector<224xf32>
      %reduce_max3A_36 = vector.multi_reduction <maximumf>, %select_n3A, %reduce_max3A [0] : vector<1000x224xf32> to vector<224xf32>
      %broadcast_in_dim3A_37 = vector.shape_cast %reduce_max3A_36 : vector<224xf32> to vector<1x224xf32>
      %eq3A_38 = vector.broadcast %while3A_25 : i32 to vector<64x1xi32>
      %eq3A_39 = arith.cmpi eq, %iota3A, %eq3A_38 : vector<64x1xi32>
      %get3A_40 = arith.constant 0 : index
      %get3A_41 = arith.constant 0 : index
      %get3A_42 = vector.load %arg5[%get3A_40, %get3A_41] : memref<64x224xf32, #tpu.memory_space<vmem>>, vector<64x224xf32>
      %max3A = vector.broadcast %broadcast_in_dim3A_37 : vector<1x224xf32> to vector<64x224xf32>
      %max3A_43 = arith.maximumf %get3A_42, %max3A : vector<64x224xf32>
      %get3A_44 = arith.constant 0 : index
      %get3A_45 = arith.constant 0 : index
      %get3A_46 = vector.load %arg5[%get3A_44, %get3A_45] : memref<64x224xf32, #tpu.memory_space<vmem>>, vector<64x224xf32>
      %broadcast_in_dim3A_47 = vector.shape_cast %eq3A_39 : vector<64x1xi1> to vector<64x1xi1>
      %broadcast_in_dim3A_48 = vector.broadcast %broadcast_in_dim3A_47 : vector<64x1xi1> to vector<64x224xi1>
      %select_n3A_49 = arith.select %broadcast_in_dim3A_48, %max3A_43, %get3A_46 : vector<64x224xi1>, vector<64x224xf32>
      %swap3A = arith.constant 0 : index
      %swap3A_50 = arith.constant 0 : index
      %swap3A_51 = vector.load %arg5[%swap3A, %swap3A_50] : memref<64x224xf32, #tpu.memory_space<vmem>>, vector<64x224xf32>
      tpu.vector_store %arg5[%swap3A, %swap3A_50], %select_n3A_49 {strides = array<i32>} : memref<64x224xf32, #tpu.memory_space<vmem>>, vector<64x224xf32>,
    }
    %while3A_19 = arith.constant 1 : i32
    scf.for %while3A_25 = %while3A_17 to %while3A_13 step %while3A_19  : i32 {
      %get3A_26 = arith.constant 0 : index
      %get3A_27 = arith.constant 0 : index
      %get3A_28 = vector.load %arg2[%get3A_26, %get3A_27] : memref<1000x1xi32, #tpu.memory_space<vmem>>, vector<1000x1xi32>
      %eq3A_29 = vector.broadcast %while3A_25 : i32 to vector<1000x1xi32>
      %eq3A_30 = arith.cmpi eq, %get3A_28, %eq3A_29 : vector<1000x1xi32>
      %get3A_31 = arith.constant 0 : index
      %get3A_32 = arith.constant 0 : index
      %get3A_33 = vector.load %arg3[%get3A_31, %get3A_32] : memref<1000x224xf32, #tpu.memory_space<vmem>>, vector<1000x224xf32>
      %jit3A = arith.constant 0xFF800000 : f32
      %broadcast_in_dim3A = vector.shape_cast %eq3A_30 : vector<1000x1xi1> to vector<1000x1xi1>
      %broadcast_in_dim3A_34 = vector.broadcast %broadcast_in_dim3A : vector<1000x1xi1> to vector<1000x224xi1>
      %broadcast_in_dim3A_35 = vector.broadcast %jit3A : f32 to vector<1000x224xf32>
      %select_n3A = arith.select %broadcast_in_dim3A_34, %get3A_33, %broadcast_in_dim3A_35 : vector<1000x224xi1>, vector<1000x224xf32>
      %reduce_max3A = arith.constant dense<0xFF800000> : vector<224xf32>
      %reduce_max3A_36 = vector.multi_reduction <maximumf>, %select_n3A, %reduce_max3A [0] : vector<1000x224xf32> to vector<224xf32>
      %broadcast_in_dim3A_37 = vector.shape_cast %reduce_max3A_36 : vector<224xf32> to vector<1x224xf32>
      %eq3A_38 = vector.broadcast %while3A_25 : i32 to vector<64x1xi32>
      %eq3A_39 = arith.cmpi eq, %iota3A, %eq3A_38 : vector<64x1xi32>
      %get3A_40 = arith.constant 0 : index
      %get3A_41 = arith.constant 0 : index
      %get3A_42 = vector.load %arg5[%get3A_40, %get3A_41] : memref<64x224xf32, #tpu.memory_space<vmem>>, vector<64x224xf32>
      %max3A = vector.broadcast %broadcast_in_dim3A_37 : vector<1x224xf32> to vector<64x224xf32>
      %max3A_43 = arith.maximumf %get3A_42, %max3A : vector<64x224xf32>
      %get3A_44 = arith.constant 0 : index
      %get3A_45 = arith.constant 0 : index
      %get3A_46 = vector.load %arg5[%get3A_44, %get3A_45] : memref<64x224xf32, #tpu.memory_space<vmem>>, vector<64x224xf32>
      %broadcast_in_dim3A_47 = vector.shape_cast %eq3A_39 : vector<64x1xi1> to vector<64x1xi1>
      %broadcast_in_dim3A_48 = vector.broadcast %broadcast_in_dim3A_47 : vector<64x1xi1> to vector<64x224xi1>
      %select_n3A_49 = arith.select %broadcast_in_dim3A_48, %max3A_43, %get3A_46 : vector<64x224xi1>, vector<64x224xf32>
      %swap3A = arith.constant 0 : index
      %swap3A_50 = arith.constant 0 : index
      %swap3A_51 = vector.load %arg5[%swap3A, %swap3A_50] : memref<64x224xf32, #tpu.memory_space<vmem>>, vector<64x224xf32>
      tpu.vector_store %arg5[%swap3A, %swap3A_50], %select_n3A_49 {strides = array<i32>} : memref<64x224xf32, #tpu.memory_space<vmem>>, vector<64x224xf32>,
    }
    %eq3A_20 = arith.constant 9 : i32
    %eq3A_21 = arith.cmpi eq, %arg0, %eq3A_20 : i32
    %convert_element_type3A_22 = arith.extui %eq3A_21 : i1 to i32
    %cond3A_23 = arith.constant 0 : i32
    %cond3A_24 = arith.cmpi ne, %convert_element_type3A_22, %cond3A_23 : i32
    scf.if %cond3A_24 {
      %get3A_25 = arith.constant 0 : index
      %get3A_26 = arith.constant 0 : index
      %get3A_27 = vector.load %arg5[%get3A_25, %get3A_26] : memref<64x224xf32, #tpu.memory_space<vmem>>, vector<64x224xf32>
      %swap3A = arith.constant 0 : index
      %swap3A_28 = arith.constant 0 : index
      %swap3A_29 = vector.load %arg4[%swap3A, %swap3A_28] : memref<64x224xf32, #tpu.memory_space<vmem>>, vector<64x224xf32>
      tpu.vector_store %arg4[%swap3A, %swap3A_28], %get3A_27 {strides = array<i32>} : memref<64x224xf32, #tpu.memory_space<vmem>>, vector<64x224xf32>,
    } else {
    }
    return
  }
  func.func @transform_0(%arg0: i32, %arg1: memref<10000xi32, #tpu.memory_space<smem>>) -> (i32, i32) {
    %c0_i32 = arith.constant 0 : i32
    %c0_i32_0 = arith.constant 0 : i32
    return %arg0, %c0_i32 : i32, i32
  }
  func.func @transform_1(%arg0: i32, %arg1: memref<10000xi32, #tpu.memory_space<smem>>) -> (i32, i32) {
    %c0_i32 = arith.constant 0 : i32
    %c0_i32_0 = arith.constant 0 : i32
    return %arg0, %c0_i32 : i32, i32
  }
  func.func @transform_2(%arg0: i32, %arg1: memref<10000xi32, #tpu.memory_space<smem>>) -> (i32, i32) {
    %c0_i32 = arith.constant 0 : i32
    %c0_i32_0 = arith.constant 0 : i32
    %c0_i32_1 = arith.constant 0 : i32
    return %c0_i32, %c0_i32_0 : i32, i32
  }
}

module attributes {stable_mosaic.version = 14 : i64} {
  func.func @_out_body(%arg0: i32, %arg1: memref<10000xi32, #tpu.memory_space<smem>>, %arg2: memref<1000x1xi32, #tpu.memory_space<vmem>>, %arg3: memref<1000x112xf32, #tpu.memory_space<vmem>>, %arg4: memref<1000x112xf32, #tpu.memory_space<vmem>>, %arg5: memref<1000x16xf32, #tpu.memory_space<vmem>>, %arg6: memref<1000x16xf32, #tpu.memory_space<vmem>>, %arg7: memref<1000x224xf32, #tpu.memory_space<vmem>>, %arg8: memref<1x224xf32, #tpu.memory_space<vmem>>, %arg9: memref<64x224xf32, #tpu.memory_space<vmem>>, %arg10: memref<448x256xf32, #tpu.memory_space<vmem>>, %arg11: memref<1x256xf32, #tpu.memory_space<vmem>>, %arg12: memref<256x10xf32, #tpu.memory_space<vmem>>, %arg13: memref<1x10xf32, #tpu.memory_space<vmem>>, %arg14: memref<64x10xf32, #tpu.memory_space<vmem>>, %arg15: memref<64x224xf32, #tpu.memory_space<vmem>>, %arg16: memref<1000x224xf32, #tpu.memory_space<vmem>>) attributes {dimension_semantics = [#tpu.dimension_semantics<arbitrary>], iteration_bounds = array<i64: 10>, scalar_prefetch = 1 : i64, scratch_operands = 2 : i64, tpu.core_type = #tpu.core_type<tc>, window_params = [{transform_indices = @transform_0, window_bounds = array<i64: 1000, 1>}, {transform_indices = @transform_1, window_bounds = array<i64: 1000, 112>}, {transform_indices = @transform_2, window_bounds = array<i64: 1000, 112>}, {transform_indices = @transform_3, window_bounds = array<i64: 1000, 16>}, {transform_indices = @transform_4, window_bounds = array<i64: 1000, 16>}, {transform_indices = @transform_5, window_bounds = array<i64: 1000, 224>}, {pipeline_mode = #tpu.pipeline_mode<synchronous>, transform_indices = @transform_6, window_bounds = array<i64: 1, 224>}, {pipeline_mode = #tpu.pipeline_mode<synchronous>, transform_indices = @transform_7, window_bounds = array<i64: 64, 224>}, {pipeline_mode = #tpu.pipeline_mode<synchronous>, transform_indices = @transform_8, window_bounds = array<i64: 448, 256>}, {pipeline_mode = #tpu.pipeline_mode<synchronous>, transform_indices = @transform_9, window_bounds = array<i64: 1, 256>}, {pipeline_mode = #tpu.pipeline_mode<synchronous>, transform_indices = @transform_10, window_bounds = array<i64: 256, 10>}, {pipeline_mode = #tpu.pipeline_mode<synchronous>, transform_indices = @transform_11, window_bounds = array<i64: 1, 10>}, {pipeline_mode = #tpu.pipeline_mode<synchronous>, transform_indices = @transform_12, window_bounds = array<i64: 64, 10>}]} {
    %get3A = arith.constant 0 : index
    %get3A_0 = arith.constant 0 : index
    %get3A_1 = vector.load %arg5[%get3A, %get3A_0] : memref<1000x16xf32, #tpu.memory_space<vmem>>, vector<1000x1xf32>
    %get3A_2 = arith.constant 0 : index
    %get3A_3 = arith.constant 0 : index
    %get3A_4 = vector.load %arg6[%get3A_2, %get3A_3] : memref<1000x16xf32, #tpu.memory_space<vmem>>, vector<1000x1xf32>
    %add3A = arith.addf %get3A_1, %get3A_4 : vector<1000x1xf32>
    %max3A = arith.constant 1.000000e+00 : f32
    %max3A_5 = vector.broadcast %max3A : f32 to vector<1000x1xf32>
    %max3A_6 = arith.maximumf %add3A, %max3A_5 : vector<1000x1xf32>
    %get3A_7 = arith.constant 0 : index
    %get3A_8 = arith.constant 0 : index
    %get3A_9 = vector.load %arg3[%get3A_7, %get3A_8] : memref<1000x112xf32, #tpu.memory_space<vmem>>, vector<1000x112xf32>
    %get3A_10 = arith.constant 0 : index
    %get3A_11 = arith.constant 0 : index
    %get3A_12 = vector.load %arg4[%get3A_10, %get3A_11] : memref<1000x112xf32, #tpu.memory_space<vmem>>, vector<1000x112xf32>
    %concatenate3A = tpu.concatenate %get3A_9, %get3A_12 in 1 : vector<1000x112xf32>, vector<1000x112xf32> -> vector<1000x224xf32>
    %div3A = vector.broadcast %max3A_6 : vector<1000x1xf32> to vector<1000x224xf32>
    %div3A_13 = arith.divf %concatenate3A, %div3A : vector<1000x224xf32>
    %get3A_14 = arith.constant 0 : index
    %get3A_15 = arith.constant 0 : index
    %get3A_16 = vector.load %arg8[%get3A_14, %get3A_15] : memref<1x224xf32, #tpu.memory_space<vmem>>, vector<1x224xf32>
    %add3A_17 = vector.broadcast %get3A_16 : vector<1x224xf32> to vector<1000x224xf32>
    %add3A_18 = arith.addf %div3A_13, %add3A_17 : vector<1000x224xf32>
    %get3A_19 = arith.constant 0 : index
    %get3A_20 = arith.constant 0 : index
    %get3A_21 = vector.load %arg7[%get3A_19, %get3A_20] : memref<1000x224xf32, #tpu.memory_space<vmem>>, vector<1000x224xf32>
    %add3A_22 = arith.addf %add3A_18, %get3A_21 : vector<1000x224xf32>
    %swap3A = arith.constant 0 : index
    %swap3A_23 = arith.constant 0 : index
    %swap3A_24 = vector.load %arg16[%swap3A, %swap3A_23] : memref<1000x224xf32, #tpu.memory_space<vmem>>, vector<1000x224xf32>
    tpu.vector_store %arg16[%swap3A, %swap3A_23], %add3A_22 {strides = array<i32>} : memref<1000x224xf32, #tpu.memory_space<vmem>>, vector<1000x224xf32>,
    %eq3A = arith.constant 0 : i32
    %eq3A_25 = arith.cmpi eq, %arg0, %eq3A : i32
    %convert_element_type3A = arith.extui %eq3A_25 : i1 to i32
    %cond3A = arith.constant 0 : i32
    %cond3A_26 = arith.cmpi ne, %convert_element_type3A, %cond3A : i32
    scf.if %cond3A_26 {
      %broadcast_in_dim3A = arith.constant 0xFF800000 : f32
      %broadcast_in_dim3A_52 = vector.broadcast %broadcast_in_dim3A : f32 to vector<64x224xf32>
      %swap3A_53 = arith.constant 0 : index
      %swap3A_54 = arith.constant 0 : index
      %swap3A_55 = vector.load %arg15[%swap3A_53, %swap3A_54] : memref<64x224xf32, #tpu.memory_space<vmem>>, vector<64x224xf32>
      tpu.vector_store %arg15[%swap3A_53, %swap3A_54], %broadcast_in_dim3A_52 {strides = array<i32>} : memref<64x224xf32, #tpu.memory_space<vmem>>, vector<64x224xf32>,
    } else {
    }
    %mul3A = arith.constant 1000 : i32
    %mul3A_27 = arith.muli %arg0, %mul3A : i32
    %get3A_28 = arith.index_cast %mul3A_27 : i32 to index
    %get3A_29 = memref.load %arg1[%get3A_28] : memref<10000xi32, #tpu.memory_space<smem>>
    %mul3A_30 = arith.constant 1000 : i32
    %mul3A_31 = arith.muli %arg0, %mul3A_30 : i32
    %add3A_32 = arith.constant 1000 : i32
    %add3A_33 = arith.addi %mul3A_31, %add3A_32 : i32
    %sub3A = arith.constant 1 : i32
    %sub3A_34 = arith.subi %add3A_33, %sub3A : i32
    %get3A_35 = arith.index_cast %sub3A_34 : i32 to index
    %get3A_36 = memref.load %arg1[%get3A_35] : memref<10000xi32, #tpu.memory_space<smem>>
    %iota3A = tpu.iota {dimensions = array<i32: 0>} : vector<64x1xi32>
    %add3A_37 = arith.constant 1 : i32
    %add3A_38 = arith.addi %get3A_36, %add3A_37 : i32
    %while3A = arith.constant 0 : i32
    %while3A_39 = arith.subi %add3A_38, %get3A_29 : i32
    %while3A_40 = arith.addi %get3A_29, %while3A_39 : i32
    %while3A_41 = arith.constant 1 : i32
    %while3A_42 = arith.divsi %while3A_39, %while3A_41 : i32
    %while3A_43 = arith.muli %while3A_42, %while3A_41 : i32
    %while3A_44 = arith.addi %get3A_29, %while3A_43 : i32
    %while3A_45 = arith.constant 1 : i32
    scf.for %while3A_52 = %get3A_29 to %while3A_44 step %while3A_45  : i32 {
      %get3A_53 = arith.constant 0 : index
      %get3A_54 = arith.constant 0 : index
      %get3A_55 = vector.load %arg2[%get3A_53, %get3A_54] : memref<1000x1xi32, #tpu.memory_space<vmem>>, vector<1000x1xi32>
      %eq3A_56 = vector.broadcast %while3A_52 : i32 to vector<1000x1xi32>
      %eq3A_57 = arith.cmpi eq, %get3A_55, %eq3A_56 : vector<1000x1xi32>
      %get3A_58 = arith.constant 0 : index
      %get3A_59 = arith.constant 0 : index
      %get3A_60 = vector.load %arg16[%get3A_58, %get3A_59] : memref<1000x224xf32, #tpu.memory_space<vmem>>, vector<1000x224xf32>
      %jit3A = arith.constant 0xFF800000 : f32
      %broadcast_in_dim3A = vector.shape_cast %eq3A_57 : vector<1000x1xi1> to vector<1000x1xi1>
      %broadcast_in_dim3A_61 = vector.broadcast %broadcast_in_dim3A : vector<1000x1xi1> to vector<1000x224xi1>
      %broadcast_in_dim3A_62 = vector.broadcast %jit3A : f32 to vector<1000x224xf32>
      %select_n3A = arith.select %broadcast_in_dim3A_61, %get3A_60, %broadcast_in_dim3A_62 : vector<1000x224xi1>, vector<1000x224xf32>
      %reduce_max3A = arith.constant dense<0xFF800000> : vector<224xf32>
      %reduce_max3A_63 = vector.multi_reduction <maximumf>, %select_n3A, %reduce_max3A [0] : vector<1000x224xf32> to vector<224xf32>
      %broadcast_in_dim3A_64 = vector.shape_cast %reduce_max3A_63 : vector<224xf32> to vector<1x224xf32>
      %eq3A_65 = vector.broadcast %while3A_52 : i32 to vector<64x1xi32>
      %eq3A_66 = arith.cmpi eq, %iota3A, %eq3A_65 : vector<64x1xi32>
      %get3A_67 = arith.constant 0 : index
      %get3A_68 = arith.constant 0 : index
      %get3A_69 = vector.load %arg15[%get3A_67, %get3A_68] : memref<64x224xf32, #tpu.memory_space<vmem>>, vector<64x224xf32>
      %max3A_70 = vector.broadcast %broadcast_in_dim3A_64 : vector<1x224xf32> to vector<64x224xf32>
      %max3A_71 = arith.maximumf %get3A_69, %max3A_70 : vector<64x224xf32>
      %get3A_72 = arith.constant 0 : index
      %get3A_73 = arith.constant 0 : index
      %get3A_74 = vector.load %arg15[%get3A_72, %get3A_73] : memref<64x224xf32, #tpu.memory_space<vmem>>, vector<64x224xf32>
      %broadcast_in_dim3A_75 = vector.shape_cast %eq3A_66 : vector<64x1xi1> to vector<64x1xi1>
      %broadcast_in_dim3A_76 = vector.broadcast %broadcast_in_dim3A_75 : vector<64x1xi1> to vector<64x224xi1>
      %select_n3A_77 = arith.select %broadcast_in_dim3A_76, %max3A_71, %get3A_74 : vector<64x224xi1>, vector<64x224xf32>
      %swap3A_78 = arith.constant 0 : index
      %swap3A_79 = arith.constant 0 : index
      %swap3A_80 = vector.load %arg15[%swap3A_78, %swap3A_79] : memref<64x224xf32, #tpu.memory_space<vmem>>, vector<64x224xf32>
      tpu.vector_store %arg15[%swap3A_78, %swap3A_79], %select_n3A_77 {strides = array<i32>} : memref<64x224xf32, #tpu.memory_space<vmem>>, vector<64x224xf32>,
    }
    %while3A_46 = arith.constant 1 : i32
    scf.for %while3A_52 = %while3A_44 to %while3A_40 step %while3A_46  : i32 {
      %get3A_53 = arith.constant 0 : index
      %get3A_54 = arith.constant 0 : index
      %get3A_55 = vector.load %arg2[%get3A_53, %get3A_54] : memref<1000x1xi32, #tpu.memory_space<vmem>>, vector<1000x1xi32>
      %eq3A_56 = vector.broadcast %while3A_52 : i32 to vector<1000x1xi32>
      %eq3A_57 = arith.cmpi eq, %get3A_55, %eq3A_56 : vector<1000x1xi32>
      %get3A_58 = arith.constant 0 : index
      %get3A_59 = arith.constant 0 : index
      %get3A_60 = vector.load %arg16[%get3A_58, %get3A_59] : memref<1000x224xf32, #tpu.memory_space<vmem>>, vector<1000x224xf32>
      %jit3A = arith.constant 0xFF800000 : f32
      %broadcast_in_dim3A = vector.shape_cast %eq3A_57 : vector<1000x1xi1> to vector<1000x1xi1>
      %broadcast_in_dim3A_61 = vector.broadcast %broadcast_in_dim3A : vector<1000x1xi1> to vector<1000x224xi1>
      %broadcast_in_dim3A_62 = vector.broadcast %jit3A : f32 to vector<1000x224xf32>
      %select_n3A = arith.select %broadcast_in_dim3A_61, %get3A_60, %broadcast_in_dim3A_62 : vector<1000x224xi1>, vector<1000x224xf32>
      %reduce_max3A = arith.constant dense<0xFF800000> : vector<224xf32>
      %reduce_max3A_63 = vector.multi_reduction <maximumf>, %select_n3A, %reduce_max3A [0] : vector<1000x224xf32> to vector<224xf32>
      %broadcast_in_dim3A_64 = vector.shape_cast %reduce_max3A_63 : vector<224xf32> to vector<1x224xf32>
      %eq3A_65 = vector.broadcast %while3A_52 : i32 to vector<64x1xi32>
      %eq3A_66 = arith.cmpi eq, %iota3A, %eq3A_65 : vector<64x1xi32>
      %get3A_67 = arith.constant 0 : index
      %get3A_68 = arith.constant 0 : index
      %get3A_69 = vector.load %arg15[%get3A_67, %get3A_68] : memref<64x224xf32, #tpu.memory_space<vmem>>, vector<64x224xf32>
      %max3A_70 = vector.broadcast %broadcast_in_dim3A_64 : vector<1x224xf32> to vector<64x224xf32>
      %max3A_71 = arith.maximumf %get3A_69, %max3A_70 : vector<64x224xf32>
      %get3A_72 = arith.constant 0 : index
      %get3A_73 = arith.constant 0 : index
      %get3A_74 = vector.load %arg15[%get3A_72, %get3A_73] : memref<64x224xf32, #tpu.memory_space<vmem>>, vector<64x224xf32>
      %broadcast_in_dim3A_75 = vector.shape_cast %eq3A_66 : vector<64x1xi1> to vector<64x1xi1>
      %broadcast_in_dim3A_76 = vector.broadcast %broadcast_in_dim3A_75 : vector<64x1xi1> to vector<64x224xi1>
      %select_n3A_77 = arith.select %broadcast_in_dim3A_76, %max3A_71, %get3A_74 : vector<64x224xi1>, vector<64x224xf32>
      %swap3A_78 = arith.constant 0 : index
      %swap3A_79 = arith.constant 0 : index
      %swap3A_80 = vector.load %arg15[%swap3A_78, %swap3A_79] : memref<64x224xf32, #tpu.memory_space<vmem>>, vector<64x224xf32>
      tpu.vector_store %arg15[%swap3A_78, %swap3A_79], %select_n3A_77 {strides = array<i32>} : memref<64x224xf32, #tpu.memory_space<vmem>>, vector<64x224xf32>,
    }
    %eq3A_47 = arith.constant 9 : i32
    %eq3A_48 = arith.cmpi eq, %arg0, %eq3A_47 : i32
    %convert_element_type3A_49 = arith.extui %eq3A_48 : i1 to i32
    %cond3A_50 = arith.constant 0 : i32
    %cond3A_51 = arith.cmpi ne, %convert_element_type3A_49, %cond3A_50 : i32
    scf.if %cond3A_51 {
      %get3A_52 = arith.constant 0 : index
      %get3A_53 = arith.constant 0 : index
      %get3A_54 = vector.load %arg9[%get3A_52, %get3A_53] : memref<64x224xf32, #tpu.memory_space<vmem>>, vector<64x224xf32>
      %get3A_55 = arith.constant 0 : index
      %get3A_56 = arith.constant 0 : index
      %get3A_57 = vector.load %arg10[%get3A_55, %get3A_56] : memref<448x256xf32, #tpu.memory_space<vmem>>, vector<224x256xf32>
      %dot_general3A = arith.constant dense<0.000000e+00> : vector<64x256xf32>
      %dot_general3A_58 = tpu.matmul %get3A_54, %get3A_57, %dot_general3A {dimension_numbers = #tpu.dot_dimension_numbers<[1], [0], [0], [1], [0, 0, 1, 1], [], []>, transpose_lhs_hint = false} : vector<64x224xf32>, vector<224x256xf32>, vector<64x256xf32> -> vector<64x256xf32>
      %get3A_59 = arith.constant 0 : index
      %get3A_60 = arith.constant 0 : index
      %get3A_61 = vector.load %arg15[%get3A_59, %get3A_60] : memref<64x224xf32, #tpu.memory_space<vmem>>, vector<64x224xf32>
      %get3A_62 = arith.constant 224 : index
      %get3A_63 = arith.constant 0 : index
      %get3A_64 = vector.load %arg10[%get3A_62, %get3A_63] : memref<448x256xf32, #tpu.memory_space<vmem>>, vector<224x256xf32>
      %dot_general3A_65 = arith.constant dense<0.000000e+00> : vector<64x256xf32>
      %dot_general3A_66 = tpu.matmul %get3A_61, %get3A_64, %dot_general3A_65 {dimension_numbers = #tpu.dot_dimension_numbers<[1], [0], [0], [1], [0, 0, 1, 1], [], []>, transpose_lhs_hint = false} : vector<64x224xf32>, vector<224x256xf32>, vector<64x256xf32> -> vector<64x256xf32>
      %add3A_67 = arith.addf %dot_general3A_58, %dot_general3A_66 : vector<64x256xf32>
      %get3A_68 = arith.constant 0 : index
      %get3A_69 = arith.constant 0 : index
      %get3A_70 = vector.load %arg11[%get3A_68, %get3A_69] : memref<1x256xf32, #tpu.memory_space<vmem>>, vector<1x256xf32>
      %add3A_71 = vector.broadcast %get3A_70 : vector<1x256xf32> to vector<64x256xf32>
      %add3A_72 = arith.addf %add3A_67, %add3A_71 : vector<64x256xf32>
      %max3A_73 = arith.constant 0.000000e+00 : f32
      %max3A_74 = vector.broadcast %max3A_73 : f32 to vector<64x256xf32>
      %max3A_75 = arith.maximumf %add3A_72, %max3A_74 : vector<64x256xf32>
      %get3A_76 = arith.constant 0 : index
      %get3A_77 = arith.constant 0 : index
      %get3A_78 = vector.load %arg12[%get3A_76, %get3A_77] : memref<256x10xf32, #tpu.memory_space<vmem>>, vector<256x10xf32>
      %dot_general3A_79 = arith.constant dense<0.000000e+00> : vector<64x10xf32>
      %dot_general3A_80 = tpu.matmul %max3A_75, %get3A_78, %dot_general3A_79 {dimension_numbers = #tpu.dot_dimension_numbers<[1], [0], [0], [1], [0, 0, 1, 1], [], []>, transpose_lhs_hint = false} : vector<64x256xf32>, vector<256x10xf32>, vector<64x10xf32> -> vector<64x10xf32>
      %get3A_81 = arith.constant 0 : index
      %get3A_82 = arith.constant 0 : index
      %get3A_83 = vector.load %arg13[%get3A_81, %get3A_82] : memref<1x10xf32, #tpu.memory_space<vmem>>, vector<1x10xf32>
      %add3A_84 = vector.broadcast %get3A_83 : vector<1x10xf32> to vector<64x10xf32>
      %add3A_85 = arith.addf %dot_general3A_80, %add3A_84 : vector<64x10xf32>
      %swap3A_86 = arith.constant 0 : index
      %swap3A_87 = arith.constant 0 : index
      %swap3A_88 = vector.load %arg14[%swap3A_86, %swap3A_87] : memref<64x10xf32, #tpu.memory_space<vmem>>, vector<64x10xf32>
      tpu.vector_store %arg14[%swap3A_86, %swap3A_87], %add3A_85 {strides = array<i32>} : memref<64x10xf32, #tpu.memory_space<vmem>>, vector<64x10xf32>,
    } else {
    }
    return
  }
  func.func @transform_0(%arg0: i32, %arg1: memref<10000xi32, #tpu.memory_space<smem>>) -> (i32, i32) {
    %c0_i32 = arith.constant 0 : i32
    %c0_i32_0 = arith.constant 0 : i32
    return %arg0, %c0_i32 : i32, i32
  }
  func.func @transform_1(%arg0: i32, %arg1: memref<10000xi32, #tpu.memory_space<smem>>) -> (i32, i32) {
    %c0_i32 = arith.constant 0 : i32
    %c0_i32_0 = arith.constant 0 : i32
    return %arg0, %c0_i32 : i32, i32
  }
  func.func @transform_2(%arg0: i32, %arg1: memref<10000xi32, #tpu.memory_space<smem>>) -> (i32, i32) {
    %add3A = arith.constant 10 : i32
    %add3A_0 = arith.addi %arg0, %add3A : i32
    %c0_i32 = arith.constant 0 : i32
    %c0_i32_1 = arith.constant 0 : i32
    return %add3A_0, %c0_i32 : i32, i32
  }
  func.func @transform_3(%arg0: i32, %arg1: memref<10000xi32, #tpu.memory_space<smem>>) -> (i32, i32) {
    %c0_i32 = arith.constant 0 : i32
    %c0_i32_0 = arith.constant 0 : i32
    return %arg0, %c0_i32 : i32, i32
  }
  func.func @transform_4(%arg0: i32, %arg1: memref<10000xi32, #tpu.memory_space<smem>>) -> (i32, i32) {
    %add3A = arith.constant 10 : i32
    %add3A_0 = arith.addi %arg0, %add3A : i32
    %c0_i32 = arith.constant 0 : i32
    %c0_i32_1 = arith.constant 0 : i32
    return %add3A_0, %c0_i32 : i32, i32
  }
  func.func @transform_5(%arg0: i32, %arg1: memref<10000xi32, #tpu.memory_space<smem>>) -> (i32, i32) {
    %c0_i32 = arith.constant 0 : i32
    %c0_i32_0 = arith.constant 0 : i32
    return %arg0, %c0_i32 : i32, i32
  }
  func.func @transform_6(%arg0: i32, %arg1: memref<10000xi32, #tpu.memory_space<smem>>) -> (i32, i32) {
    %c0_i32 = arith.constant 0 : i32
    %c0_i32_0 = arith.constant 0 : i32
    %c0_i32_1 = arith.constant 0 : i32
    return %c0_i32, %c0_i32_0 : i32, i32
  }
  func.func @transform_7(%arg0: i32, %arg1: memref<10000xi32, #tpu.memory_space<smem>>) -> (i32, i32) {
    %c0_i32 = arith.constant 0 : i32
    %c0_i32_0 = arith.constant 0 : i32
    %c0_i32_1 = arith.constant 0 : i32
    return %c0_i32, %c0_i32_0 : i32, i32
  }
  func.func @transform_8(%arg0: i32, %arg1: memref<10000xi32, #tpu.memory_space<smem>>) -> (i32, i32) {
    %c0_i32 = arith.constant 0 : i32
    %c0_i32_0 = arith.constant 0 : i32
    %c0_i32_1 = arith.constant 0 : i32
    return %c0_i32, %c0_i32_0 : i32, i32
  }
  func.func @transform_9(%arg0: i32, %arg1: memref<10000xi32, #tpu.memory_space<smem>>) -> (i32, i32) {
    %c0_i32 = arith.constant 0 : i32
    %c0_i32_0 = arith.constant 0 : i32
    %c0_i32_1 = arith.constant 0 : i32
    return %c0_i32, %c0_i32_0 : i32, i32
  }
  func.func @transform_10(%arg0: i32, %arg1: memref<10000xi32, #tpu.memory_space<smem>>) -> (i32, i32) {
    %c0_i32 = arith.constant 0 : i32
    %c0_i32_0 = arith.constant 0 : i32
    %c0_i32_1 = arith.constant 0 : i32
    return %c0_i32, %c0_i32_0 : i32, i32
  }
  func.func @transform_11(%arg0: i32, %arg1: memref<10000xi32, #tpu.memory_space<smem>>) -> (i32, i32) {
    %c0_i32 = arith.constant 0 : i32
    %c0_i32_0 = arith.constant 0 : i32
    %c0_i32_1 = arith.constant 0 : i32
    return %c0_i32, %c0_i32_0 : i32, i32
  }
  func.func @transform_12(%arg0: i32, %arg1: memref<10000xi32, #tpu.memory_space<smem>>) -> (i32, i32) {
    %c0_i32 = arith.constant 0 : i32
    %c0_i32_0 = arith.constant 0 : i32
    %c0_i32_1 = arith.constant 0 : i32
    return %c0_i32, %c0_i32_0 : i32, i32
  }
}

</mosaic_0001>

<sc_bundles>
// kernel: _run.12.cloned.1.call-start
scs
__scs_entry_jumppad:
0x0: {  	(pc) =	sbr.rel $0x88, $3  }
0x1: {  	(tag) =	ssettag $0x0;
	lr =	simm.s32 $0x1  }
0x2: {  	[smem:$0x3F93] =	sst lr;
	_ =	strace $0xD0000000  }
0x3: {  	_ = 	snop  }
0x4: {  	_ = 	snop  }
0x5: {  	_ = 	snop  }
0x6: {  	_ = 	snop  }
0x7: {  	_ = 	snop  }
__scs_overlays_trampoline_lowered:
0x8: {  	[smem:$0x3FA2] =	sst s0  }
0x9: {  	[smem:$0x3FA3] =	sst s1  }
0xa: {  	[smem:$0x3FA4] =	sst s2  }
0xb: {  	[smem:$0x3FA5] =	sst s3  }
0xc: {  	[smem:$0x3FA6] =	sst s4  }
0xd: {  	[smem:$0x3FA7] =	sst s5  }
0xe: {  	[smem:$0x3FA8] =	sst s6  }
0xf: {  	[smem:$0x3FA9] =	sst s7  }
0x10: {  	[smem:$0x3FAA] =	sst s8  }
0x11: {  	[smem:$0x3FAB] =	sst s9;
	s0 =	simm.s32 @!p0 $0x0  }
0x12: {  	s1 =	sld [smem:$0x3F91];
	s0 =	simm.s32 @p0 $0x1  }
0x13: {  	[smem:$0x3FAC] =	sst s0;
	s0 =	simm.s32 @!p1 $0x0  }
0x14: {  	s2 =	sld [smem:$0x3F90];
	s0 =	simm.s32 @p1 $0x1  }
0x15: {  	[smem:$0x3FAD] =	sst s0;
	s0 =	simm.s32 @!p2 $0x0  }
0x16: {  	s3 =	sld [smem:$0x3FDB];
	s0 =	simm.s32 @p2 $0x1  }
0x17: {  	s4 =	simm.s32 $0x1BF5;
	[smem:$0x3FAF] =	sst s0  }
0x18: {  	s0 =	sld [smem:$0x3F92];
	_ =	swait.ge [sflag:s4], $0x0  }
0x19: {  	s7 =	sld [smem:$0x3F93]  }
0x1a: {  	s8 =	sadd.s32 $0xFFFFE003, lr  }
0x1b: {  	s9 =	sadd.s32 $0xFFFFFEF7, lr;
	s5 =	simm.s32 $0xFFFFFFFF;
	p2 =	slt.u32 s8, $0xFFFFF086  }
0x1c: {  	p1 =	slt.u32 s9, $0xF7A;
	s5 =	simm.s32 @!p2 $0x0  }
0x1d: {  	s5 =	simm.s32 @p1 $0x1;
	p0 =	seq.s32 s7, s2  }
0x1e: {  	s7 =	smul.u32 @!p0 $0xF7A, s2;
	p2 =	seq.s32 @!p0 s5, $0x0  }
0x1f: {  	s9 =	smul.u32 $0xF7A, s1;
	s8 =	simm.s32 @!p0 $0x1BF5;
	p2 =	por !p2, p0  }
0x20: {  	[sflag:s8] =	ssyncset.s32 @!p0 $0xFFFFF086;
	s6 =	sadd.s32 @!p0 s3, s7;
	s7 =	simm.s32 @!p0 $0x108  }
0x21: {  	s3 =	sadd.s32 s3, s9;
	s6 =	sadd.s32 @!p0 $0x88, s6;
	s7 =	simm.s32 @p2 $0x1082  }
0x22: {  	[simem:s7], [sflag:s8] =	dma.local @!p0 [hbm:s6], $0xF7A  }
0x23: {  	s9 =	sor.u32 $0xD0000000, s2;
	s6 =	simm.s32 $0x108;
	_ =	swait.ge @!p0 [sflag:s8], $0x0  }
0x24: {  	s3 =	sadd.s32 $0x88, s3;
	s6 =	simm.s32 @!p1 $0x1082;
	[sflag:s4] =	ssyncset.s32 $0xFFFFF086  }
0x25: {  	[simem:s6], [sflag:s4] =	dma.local [hbm:s3], $0xF7A  }
0x26: {  	[smem:$0x3F93] =	sst s1;
	(tag) =	ssettag s2;
	_ =	strace s9  }
0x27: {  	s1 =	sld [smem:$0x3FA3]  }
0x28: {  	s2 =	sld [smem:$0x3FA4]  }
0x29: {  	s4 =	sld [smem:$0x3FA6]  }
0x2a: {  	p0 =	seq.s32 s5, $0x0;
	s5 =	sld [smem:$0x3FA7]  }
0x2b: {  	s6 =	sld [smem:$0x3FA8]  }
0x2c: {  	s7 =	sld [smem:$0x3FA9]  }
0x2d: {  	s3 =	simm.s32 $0x108;
	s8 =	sld [smem:$0x3FAA]  }
0x2e: {  	s3 =	simm.s32 @!p0 $0x1082;
	s9 =	sld [smem:$0x3FAB]  }
0x2f: {  	lr =	sadd.s32 s0, s3;
	s0 =	sld [smem:$0x3FA2]  }
0x30: {  	s3 =	sld [smem:$0x3FA5]  }
0x31: {  	[smem:$0x3FAE] =	sst s10  }
0x32: {  	s10 =	sld [smem:$0x3FAC];
	_ =	sdelay $0x3  }
0x33: {  	p0 =	seq.s32 s10, $0x1;
	s10 =	sld [smem:$0x3FAE];
	_ =	sdelay $0x3  }
0x34: {  	[smem:$0x3FAE] =	sst s10  }
0x35: {  	s10 =	sld [smem:$0x3FAD];
	_ =	sdelay $0x3  }
0x36: {  	p1 =	seq.s32 s10, $0x1;
	s10 =	sld [smem:$0x3FAE];
	_ =	sdelay $0x3  }
0x37: {  	[smem:$0x3FAE] =	sst s10  }
0x38: {  	s10 =	sld [smem:$0x3FAF]  }
0x39: {  	_ = 	snop;
	(pc) =	sbr.ind lr, $3  }
0x3a: {  	_ = 	snop  }
0x3b: {  	_ = 	snop  }
0x3c: {  	p2 =	seq.s32 s10, $0x1;
	s10 =	sld [smem:$0x3FAE]  }
0x3d: {  	_ =	shalt  }
0x3e: {  	_ =	shalt  }
0x3f: {  	_ =	shalt  }
0x40: {  	_ =	shalt  }
0x41: {  	_ =	shalt  }
0x42: {  	_ =	shalt  }
0x43: {  	_ =	shalt  }
0x44: {  	_ =	shalt  }
0x45: {  	_ =	shalt  }
0x46: {  	_ =	shalt  }
0x47: {  	_ =	shalt  }
0x48: {  	_ =	shalt  }
0x49: {  	_ =	shalt  }
0x4a: {  	_ =	shalt  }
0x4b: {  	_ =	shalt  }
0x4c: {  	_ =	shalt  }
0x4d: {  	_ =	shalt  }
0x4e: {  	_ =	shalt  }
0x4f: {  	_ =	shalt  }
0x50: {  	_ =	shalt  }
0x51: {  	_ =	shalt  }
0x52: {  	_ =	shalt  }
0x53: {  	_ =	shalt  }
0x54: {  	_ =	shalt  }
0x55: {  	_ =	shalt  }
0x56: {  	_ =	shalt  }
0x57: {  	_ =	shalt  }
0x58: {  	_ =	shalt  }
0x59: {  	_ =	shalt  }
0x5a: {  	_ =	shalt  }
0x5b: {  	_ =	shalt  }
0x5c: {  	_ =	shalt  }
0x5d: {  	_ =	shalt  }
0x5e: {  	_ =	shalt  }
0x5f: {  	_ =	shalt  }
0x60: {  	_ =	shalt  }
0x61: {  	_ =	shalt  }
0x62: {  	_ =	shalt  }
0x63: {  	_ =	shalt  }
0x64: {  	_ =	shalt  }
0x65: {  	_ =	shalt  }
0x66: {  	_ =	shalt  }
0x67: {  	_ =	shalt  }
0x68: {  	_ =	shalt  }
0x69: {  	_ =	shalt  }
0x6a: {  	_ =	shalt  }
0x6b: {  	_ =	shalt  }
0x6c: {  	_ =	shalt  }
0x6d: {  	_ =	shalt  }
0x6e: {  	_ =	shalt  }
0x6f: {  	_ =	shalt  }
0x70: {  	_ =	shalt  }
0x71: {  	_ =	shalt  }
0x72: {  	_ =	shalt  }
0x73: {  	_ =	shalt  }
0x74: {  	_ =	shalt  }
0x75: {  	_ =	shalt  }
0x76: {  	_ =	shalt  }
0x77: {  	_ =	shalt  }
0x78: {  	_ =	shalt  }
0x79: {  	_ =	shalt  }
0x7a: {  	_ =	shalt  }
0x7b: {  	_ =	shalt  }
0x7c: {  	_ =	shalt  }
0x7d: {  	_ =	shalt  }
0x7e: {  	_ =	shalt  }
0x7f: {  	_ =	shalt  }
0x80: {  	_ =	shalt  }
0x81: {  	_ =	shalt  }
0x82: {  	_ =	shalt  }
0x83: {  	_ =	shalt  }
0x84: {  	_ =	shalt  }
0x85: {  	_ =	shalt  }
0x86: {  	_ =	shalt  }
0x87: {  	_ =	shalt  }
.Lfunc_end0:
.L_simem_size_0:
called_computation.1_lowered:
.L_overlay_start_0:
0x88: {  	s2 =	sld [smem:$0x3FD9]  }
0x89: {  	s3 =	sld [smem:$0x3FFE];
	_ =	sdelay $0x1  }
0x8a: {  	s1 =	srdreg.scid  }
0x8b: {  	s0 =	sand.u32 $0x1, s1  }
0x8c: {  	s16 =	sshll.u32 s0, $0xA;
	s2 =	sadd.s32 s3, s2  }
0x8d: {  	s2 =	sadd.s32 s2, s16  }
0x8e: {  	[smem:$0x3FBA] =	sst s2  }
0x8f: {  	_ = 	snop  }
0x90: {  	(tm) =	ssettm $0x1  }
0x91: {  	s17 =	sld [smem:$0x3FFB];
	_ =	sdelay $0x3  }
0x92: {  	_ =	strace s17  }
0x93: {  	s2 =	sld [smem:$0x3FFC];
	_ =	sdelay $0x3  }
0x94: {  	_ =	strace s2  }
0x95: {  	s2 =	sld [smem:$0x3FFD];
	_ =	sdelay $0x3  }
0x96: {  	_ =	strace s2  }
0x97: {  	_ =	strace $0x8FFFFFFF  }
0x98: {  	s18 =	sld [smem:$0x3FDB];
	_ =	sdelay $0x1  }
0x99: {  	s19 =	simm.s32 $_scs_section_size  }
0x9a: {  	s4 =	simm.s32 $_size__tile_overlayer_lowered;
	s5 =	simm.s32 $_tile_overlayer_lowered  }
0x9b: {  	s22 =	simm.s32 $0x1BFF;
	s21 =	sshll.u32 s5, $0x1;
	s2 =	sadd.s32 s19, s18  }
0x9c: {  	s6 =	simm.s32 $0x0;
	s20 =	sshll.u32 s4, $0x1;
	s4 =	sadd.s32 s21, s2  }
0x9d: {  	[timem:s6], [sflag:s22] =	dma.local [hbm:s4], s20  }
0x9e: {  	_ =	swait.ge [sflag:s22], s20  }
0x9f: {  	s3 =	ssub.s32 $0x0, s20;
	[sflag:s22] =	ssyncset.done $0x0  }
0xa0: {  	[sflag:s22] =	ssyncadd.s32 s3;
	_ =	sdelay $0x1  }
0xa1: {  	s23 =	simm.s32 $0x1B8B  }
0xa2: {  	_ =	swait.ge [sflag:s23], $0x1  }
0xa3: {  	[sflag:s23] =	ssyncset.done $0x0  }
0xa4: {  	s25 =	simm.s32 $0x1B8E;
	s24 =	sld [smem:$0x3FFE];
	[sflag:s23] =	ssyncadd.s32 $0xFFFFFFFF  }
0xa5: {  	s26 =	simm.s32 $execute0_lowered;
	[smem:$0x3FD2] =	sst s25  }
0xa6: {  	s4 =	sshll.u32 s26, $0x1;
	_ =	strace $0x80000046;
	[dreg:$0x1] =	wrdreg $0xFFFFFFFF  }
0xa7: {  	s28 =	simm.s32 $_size_execute0_lowered;
	s2 =	sadd.s32 s2, s4;
	[dreg:$0x0] =	wrdreg $0x0  }
0xa8: {  	s4 =	sshll.u32 s28, $0x1;
	[dreg:$0x2] =	wrdreg s2  }
0xa9: {  	[dreg:$0x3] =	wrdreg s4  }
0xaa: {  	[dreg:$0x4] =	wrdreg $0xC0  }
0xab: {  	_ =	task [dreg:s6], $0x5FFFF  }
0xac: {  	[dreg:$0x1] =	wrdreg $0xFFFFFFFF  }
0xad: {  	[dreg:$0x0] =	wrdreg $0x60  }
0xae: {  	[dreg:$0x2] =	wrdreg s24  }
0xaf: {  	[dreg:$0x3] =	wrdreg $0x0  }
0xb0: {  	[dreg:$0x4] =	wrdreg $0xA  }
0xb1: {  	_ =	task.clear_ibuf [dreg:s6], $0x5FFFF;
	_ =	strace $0x90000046  }
0xb2: {  	s29 =	simm.s32 $0xA;
	_ =	strace $0x80000048  }
0xb3: {  	_ =	swait.ge [sflag:s29], $0x1  }
0xb4: {  	[sflag:s29] =	ssyncadd.s32 $0xFFFFFFFF  }
0xb5: {  	_ =	strace $0x90000048  }
0xb6: {  	_ =	sfence  }
0xb7: {  	s30 =	sld [smem:$0x0];
	_ =	sdelay $0x2  }
0xb8: {  	s31 =	sshll.u32 s1, $0xD;
	s1 =	sshrl.u32 s1, $0x2  }
0xb9: {  	s3 =	sand.u32 $0x4000, s31;
	s1 =	sadd.s32 s1, s30  }
0xba: {  	s0 =	sor.u32 s3, s0;
	s1 =	sshll.u32 s1, $0x11  }
0xbb: {  	s0 =	sor.u32 s1, s0  }
0xbc: {  	s0 =	sadd.s32 $0x8F2B, s0  }
0xbd: {  	[sflag:s0] =	ssyncadd.remote.s32 $0x1  }
0xbe: {  	_ =	sfence.sel $0xFFFF  }
0xbf: {  	[dreg:$0x0] =	wrdreg $0xFFFFFFFF;
	(pc) =	sbr.abs _section_cstart, $3  }
0xc0: {  	[dreg:$0x1] =	wrdreg $0xFFFFFFFF  }
0xc1: {  	_ =	task.clear_ibuf [dreg:s6], $0x2FFFF;
	_ =	strace $0x9FFFFFFF  }
0xc2: {  	(tm) =	ssettm $0x7FFFFFFF  }
0xc3: {  	_ =	shalt  }
tec
execute0_lowered:
.L_overlay_start_1:
0x0: {  	(tag) =	ssettag $0x1  }
0x1: {  	s0 =	rddreg [dreg:$0x0]  }
0x2: {  	s2 =	rddreg [dreg:$0x1]  }
0x3: {  	s1 =	srdreg.scid;
	s13 =	stileid.u32  }
0x4: {  	s3 =	simm.s32 $0x0;
	s28 =	simm.s32 $0x19140;
	s5 =	smul.u32 $0x280, s13  }
0x5: {  	s29 =	simm.s32 $0x50;
	s30 =	simm.s32 $0x190A0;
	s15 =	smul.u32 $0x64000, s13  }
0x6: {  	s31 =	simm.s32 $0x191E0;
	s1 =	sand.u32 $0x1, s1;
	s22 =	smul.u32 $0x2710, s13  }
0x7: {  	[smem:$0x7FF] =	sst s3;
	s8 =	sadd.s32 $0xA9800, s0;
	s6 =	smul.u32 $0x2710, s1  }
0x8: {  	p0 =	seq.s32 s13, $0xF;
	s4 =	sshll.u32 s1, $0x4;
	s20 =	smul.u32 $0x27100, s1  }
0x9: {  	_ =	strace $0x80000047;
	s9 =	ssub.s32 $0x2, s1;
	s1 =	smul.u32 $0x4E20, s1  }
0xa: {  	s7 =	sor.u32 s13, s4;
	s4 =	sadd.s32 $0x78A00, s0;
	s10 =	sshrl.u32 s9, $0x1  }
0xb: {  	s19 =	sshrl.u32 s15, $0x2;
	s5 =	sadd.s32 s5, s6;
	s26 =	smul.u32 $0x2710, s7  }
0xc: {  	s7 =	smul.u32 $0x4E2, s7;
	s10 =	ssub.s32 s9, s10;
	s12 =	sadd.s32 s19, s2  }
0xd: {  	s1 =	sadd.s32 s1, s8;
	s5 =	smul.u32 $0x14, s5;
	s21 =	sadd.s32 $0x3200, s12  }
0xe: {  	s23 =	sadd.s32 $0x6400, s12;
	s24 =	sadd.s32 $0x9600, s12;
	[dreg:$0xa] =	wrdreg s21  }
0xf: {  	s25 =	sadd.s32 $0xC800, s12;
	s19 =	sadd.s32 $0x12C00, s12;
	[dreg:$0xb] =	wrdreg s23  }
0x10: {  	s6 =	sshrl.u32 s26, $0x3;
	s7 =	sadd.s32 s8, s7;
	[dreg:$0xc] =	wrdreg s24  }
0x11: {  	[dreg:$0xd] =	wrdreg s25;
	s26 =	smul.u32 $0x4E2, s13;
	s23 =	simm.s32 $0x19280  }
0x12: {  	s24 =	simm.s32 $0x4;
	s0 =	sadd.s32 s5, s0;
	s6 =	sadd.s32 s8, s6  }
0x13: {  	[dreg:$0x3] =	wrdreg s7;
	s5 =	smax.u32 s10, $0x1;
	s7 =	simm.s32 $0x0  }
0x14: {  	s14 =	sadd.s32 $0x9C40, s6;
	s16 =	sadd.s32 $0x14, s6;
	[dreg:$0x9] =	wrdreg s5  }
0x15: {  	s17 =	sadd.s32 $0x9C54, s6;
	s18 =	sadd.s32 $0x4D8, s6;
	[dreg:$0x4] =	wrdreg s14  }
0x16: {  	s6 =	sadd.s32 $0xA118, s6;
	s11 =	sadd.s32 $0xBD200, s0;
	[dreg:$0x5] =	wrdreg s16  }
0x17: {  	s0 =	sadd.s32 $0x177000, s2;
	s5 =	sadd.s32 s22, s20;
	[dreg:$0x6] =	wrdreg s17  }
0x18: {  	s1 =	sadd.s32 s26, s1;
	s20 =	sadd.s32 $0x15E00, s12;
	[dreg:$0x7] =	wrdreg s18  }
0x19: {  	s26 =	simm.s32 $0x19000;
	[dreg:$0x8] =	wrdreg s6;
	s18 =	sadd.s32 $0xFA00, s12  }
0x1a: {  	s5 =	sadd.s32 $0x4E340, s5;
	s21 =	sadd.s32 $0x28, s1;
	s25 =	sshrl.u32 @p0 s0, $0x3  }
0x1b: {  	s0 =	simm.s32 $0x1C480;
	s1 =	simm.s32 $0x1;
	s5 =	sshrl.u32 s5, $0x3  }
0x1c: {  	v0 =	vimm.f32 $0.0e+00;
	s6 =	simm.s32 $0x2;
	s15 =	sadd.s32 s5, s8;
	s5 =	simm.s32 $0x3  }
.LBB2_1:
0x1d: {  	s8 =	simm.s32 $0x90;
	s9 =	simm.s32 $0x4C0  }
.LBB2_2:
0x1e: {  	p1 =	sne.s32 s9, $0xC7C0;
	[tilespmem:s8+$0x19280] =	vst v0  }
0x1f: {  	[tilespmem:s8+$0x191F0] =	vst v0  }
0x20: {  	[tilespmem:s8+$0x19200] =	vst v0  }
0x21: {  	[tilespmem:s8+$0x19210] =	vst v0  }
0x22: {  	[tilespmem:s8+$0x19220] =	vst v0  }
.Ltmp0:
0x23: {  	[tilespmem:s8+$0x19230] =	vst v0;
	(pc) =	sbr.rel @p1 .LBB2_2-.Ltmp0, $4  }
0x24: {  	[tilespmem:s8+$0x19240] =	vst v0  }
0x25: {  	[tilespmem:s8+$0x19250] =	vst v0  }
0x26: {  	[tilespmem:s8+$0x19260] =	vst v0  }
0x27: {  	[tilespmem:s8+$0x19270] =	vst v0;
	s8 =	sshra.s32 s9, $0x2;
	s9 =	sadd.s32 $0x280, s9  }
0x28: {  	[tilespmem:s8+$0x19280] =	vst v0  }
0x29: {  	[tilespmem:s8+$0x191F0] =	vst v0  }
0x2a: {  	[tilespmem:s8+$0x19200] =	vst v0  }
0x2b: {  	[tilespmem:s8+$0x19210] =	vst v0  }
0x2c: {  	[tilespmem:s8+$0x19220] =	vst v0  }
0x2d: {  	[tilespmem:s8+$0x19230] =	vst v0  }
0x2e: {  	[tilespmem:s8+$0x19240] =	vst v0  }
0x2f: {  	[tilespmem:s8+$0x19250] =	vst v0  }
0x30: {  	[tilespmem:s8+$0x19260] =	vst v0  }
0x31: {  	[tilespmem:s8+$0x19270] =	vst v0  }
0x32: {  	[spmem:s12] =	stream.linear.scatter [tilespmem:s23], [sflag:$0x4], $0x3200, $0x38;
	[tilespmem:$0x1F680] =	vst v63  }
0x33: {  	_ =	swait.ge [sflag:s24], $0x3200  }
0x34: {  	[sflag:s24] =	ssyncset.done $0x0  }
0x35: {  	s22 =	rddreg [dreg:$0xa];
	[sflag:s24] =	ssyncadd.s32 $0xFFFFCE00  }
0x36: {  	[spmem:s22] =	stream.linear.scatter [tilespmem:s23], [sflag:$0x4], $0x3200, $0x38;
	[tilespmem:$0x1F680] =	vst v63  }
0x37: {  	_ =	swait.ge [sflag:s24], $0x3200  }
0x38: {  	[sflag:s24] =	ssyncset.done $0x0  }
0x39: {  	s9 =	rddreg [dreg:$0xb];
	[sflag:s24] =	ssyncadd.s32 $0xFFFFCE00  }
0x3a: {  	[spmem:s9] =	stream.linear.scatter [tilespmem:s23], [sflag:$0x4], $0x3200, $0x38;
	[tilespmem:$0x1F680] =	vst v63  }
0x3b: {  	_ =	swait.ge [sflag:s24], $0x3200  }
0x3c: {  	[sflag:s24] =	ssyncset.done $0x0  }
0x3d: {  	s10 =	rddreg [dreg:$0xc];
	[sflag:s24] =	ssyncadd.s32 $0xFFFFCE00  }
0x3e: {  	[spmem:s10] =	stream.linear.scatter [tilespmem:s23], [sflag:$0x4], $0x3200, $0x38;
	[tilespmem:$0x1F680] =	vst v63  }
0x3f: {  	_ =	swait.ge [sflag:s24], $0x3200  }
0x40: {  	[sflag:s24] =	ssyncset.done $0x0  }
0x41: {  	s13 =	rddreg [dreg:$0xd];
	[sflag:s24] =	ssyncadd.s32 $0xFFFFCE00  }
0x42: {  	[spmem:s13] =	stream.linear.scatter [tilespmem:s23], [sflag:$0x4], $0x3200, $0x38;
	[tilespmem:$0x1F680] =	vst v63  }
0x43: {  	_ =	swait.ge [sflag:s24], $0x3200  }
0x44: {  	[sflag:s24] =	ssyncset.done $0x0  }
0x45: {  	[sflag:s24] =	ssyncadd.s32 $0xFFFFCE00  }
0x46: {  	[spmem:s18] =	stream.linear.scatter [tilespmem:s23], [sflag:$0x4], $0x3200, $0x38;
	[tilespmem:$0x1F680] =	vst v63  }
0x47: {  	_ =	swait.ge [sflag:s24], $0x3200  }
0x48: {  	[sflag:s24] =	ssyncset.done $0x0  }
0x49: {  	[sflag:s24] =	ssyncadd.s32 $0xFFFFCE00  }
0x4a: {  	[spmem:s19] =	stream.linear.scatter [tilespmem:s23], [sflag:$0x4], $0x3200, $0x38;
	[tilespmem:$0x1F680] =	vst v63  }
0x4b: {  	_ =	swait.ge [sflag:s24], $0x3200  }
0x4c: {  	[sflag:s24] =	ssyncset.done $0x0  }
0x4d: {  	[sflag:s24] =	ssyncadd.s32 $0xFFFFCE00  }
0x4e: {  	[spmem:s20] =	stream.linear.scatter [tilespmem:s23], [sflag:$0x4], $0x3200, $0x38;
	[tilespmem:$0x1F680] =	vst v63  }
0x4f: {  	_ =	swait.ge [sflag:s24], $0x3200  }
0x50: {  	[sflag:s24] =	ssyncset.done $0x0  }
0x51: {  	[sflag:s24] =	ssyncadd.s32 $0xFFFFCE00  }
0x52: {  	[bflag:$0x0] =	sbarrier.arrive $0xFFFF  }
0x53: {  	s14 =	simm.s32 $0x0;
	s9 =	rddreg [dreg:$0x3]  }
0x54: {  	[tilespmem:s26], [sflag:$0x4] =	stream.linear.gather [hbm4b:s9+s14], $0xA0, $0x38;
	[tilespmem:$0x1F680] =	vst v63  }
0x55: {  	_ =	swait.ge [sflag:s24], $0xA0  }
0x56: {  	[sflag:s24] =	ssyncset.done $0x0  }
0x57: {  	s16 =	rddreg [dreg:$0x4];
	[sflag:s24] =	ssyncadd.s32 $0xFFFFFF60  }
0x58: {  	[tilespmem:s28], [sflag:$0x4] =	stream.linear.gather [hbm4b:s16+s14], $0xA0, $0x38;
	[tilespmem:$0x1F680] =	vst v63  }
0x59: {  	_ =	swait.ge [sflag:s24], $0xA0  }
0x5a: {  	[sflag:s24] =	ssyncset.done $0x0  }
0x5b: {  	[sflag:s24] =	ssyncadd.s32 $0xFFFFFF60  }
0x5c: {  	[tilespmem:s23], [sflag:$0x1] =	stream.indirect.gather [hbm4b:s4+s29], $0xA0, s26, s29, $0xb8;
	[tilespmem:$0x1F680] =	vst v63  }
0x5d: {  	s22 =	sand.u32 $0x1, s14;
	s17 =	rddreg [dreg:$0x5]  }
0x5e: {  	[tilespmem:s30], [sflag:$0x3] =	stream.linear.gather [hbm4b:s17+s14], $0xA0, $0x38;
	[tilespmem:$0x1F680] =	vst v63  }
0x5f: {  	s10 =	smul.u32 $0xA0, s22;
	s13 =	rddreg [dreg:$0x6]  }
0x60: {  	[tilespmem:s31], [sflag:$0x3] =	stream.linear.gather [hbm4b:s13+s14], $0xA0, $0x38;
	[tilespmem:$0x1F680] =	vst v63  }
0x61: {  	s13 =	sadd.s32 $0x19050, s10  }
0x62: {  	[tilespmem:s0], [sflag:$0x2] =	stream.indirect.gather [hbm4b:s4+s29], $0xA0, s13, s29, $0xb8;
	[tilespmem:$0x1F680] =	vst v63  }
0x63: {  	_ =	swait.ge [sflag:s1], $0x3200  }
0x64: {  	[sflag:s1] =	ssyncset.done $0x0  }
0x65: {  	s13 =	sadd.s32 $0x19140, s10;
	[sflag:s1] =	ssyncadd.s32 $0xFFFFCE00  }
0x66: {  	[spmem:s2] =	stream.indirect.scatter.add.f32 [tilespmem:s23], [sflag:$0x4], $0xA0, s13, s29, $0xb8;
	[tilespmem:$0x1F680] =	vst v63  }
0x67: {  	_ =	swait.ge [sflag:s24], $0x3200  }
0x68: {  	[sflag:s24] =	ssyncset.done $0x0  }
0x69: {  	[sflag:s24] =	ssyncadd.s32 $0xFFFFCE00  }
0x6a: {  	s14 =	sshll.u32 s22, $0x1;
	_ =	swait.ge [sflag:s5], $0xA0  }
0x6b: {  	s8 =	sxor.u32 $0x2, s14;
	[sflag:s5] =	ssyncset.done $0x0  }
0x6c: {  	s8 =	smul.u32 $0x140, s8;
	[sflag:s5] =	ssyncadd.s32 $0xFFFFFF60  }
0x6d: {  	_ =	swait.ge [sflag:s5], $0xA0  }
0x6e: {  	s8 =	sshrl.u32 s8, $0x2;
	[sflag:s5] =	ssyncset.done $0x0  }
0x6f: {  	s8 =	sor.u32 $0x19000, s8;
	[sflag:s5] =	ssyncadd.s32 $0xFFFFFF60  }
0x70: {  	[tilespmem:s23], [sflag:$0x1] =	stream.indirect.gather [hbm4b:s4+s29], $0xA0, s8, s29, $0xb8;
	[tilespmem:$0x1F680] =	vst v63  }
0x71: {  	_ =	swait.ge [sflag:s6], $0x3200  }
0x72: {  	[sflag:s6] =	ssyncset.done $0x0  }
0x73: {  	s16 =	sadd.s32 $0x19190, s10;
	s17 =	simm.s32 $0x1;
	[sflag:s6] =	ssyncadd.s32 $0xFFFFCE00  }
0x74: {  	[spmem:s2] =	stream.indirect.scatter.add.f32 [tilespmem:s0], [sflag:$0x4], $0xA0, s16, s29, $0xb8;
	[tilespmem:$0x1F680] =	vst v63  }
0x75: {  	s9 =	sand.u32 $0x1, s17;
	_ =	swait.ge [sflag:s24], $0x3200  }
0x76: {  	s22 =	sor.u32 $0x19000, s10;
	s14 =	simm.s32 $0x2;
	[sflag:s24] =	ssyncset.done $0x0  }
0x77: {  	s10 =	smul.u32 $0xA0, s9;
	s8 =	sadd.s32 $0x14, s15;
	[sflag:s24] =	ssyncadd.s32 $0xFFFFCE00  }
0x78: {  	[tilespmem:s22], [sflag:$0x3] =	stream.linear.gather [hbm4b:s21+s3], $0xA0, $0x38;
	[tilespmem:$0x1F680] =	vst v63  }
0x79: {  	s16 =	sshll.u32 s9, $0x1;
	s9 =	sadd.s32 $0x14, s21;
	s22 =	smov.u32 s15  }
.LBB2_4:
0x7a: {  	[tilespmem:s13], [sflag:$0x3] =	stream.linear.gather [hbm4b:s22+s3], $0xA0, $0x38;
	[tilespmem:$0x1F680] =	vst v63  }
0x7b: {  	s17 =	smov.u32 s14;
	s22 =	smov.u32 s8  }
0x7c: {  	p1 =	sne.s32 s14, $0x3B;
	s14 =	sadd.s32 $0x1, s14;
	s13 =	sadd.s32 $0x19050, s10  }
0x7d: {  	[tilespmem:s0], [sflag:$0x2] =	stream.indirect.gather [hbm4b:s4+s29], $0xA0, s13, s29, $0xb8;
	[tilespmem:$0x1F680] =	vst v63  }
0x7e: {  	_ =	swait.ge [sflag:s1], $0x3200  }
0x7f: {  	[sflag:s1] =	ssyncset.done $0x0  }
0x80: {  	s13 =	sadd.s32 $0x19140, s10;
	[sflag:s1] =	ssyncadd.s32 $0xFFFFCE00  }
0x81: {  	[spmem:s2] =	stream.indirect.scatter.add.f32 [tilespmem:s23], [sflag:$0x4], $0xA0, s13, s29, $0xb8;
	[tilespmem:$0x1F680] =	vst v63  }
0x82: {  	_ =	swait.ge [sflag:s24], $0x3200  }
0x83: {  	[sflag:s24] =	ssyncset.done $0x0  }
0x84: {  	[sflag:s24] =	ssyncadd.s32 $0xFFFFCE00  }
0x85: {  	_ =	swait.ge [sflag:s5], $0xA0  }
0x86: {  	s16 =	sxor.u32 $0x2, s16;
	[sflag:s5] =	ssyncset.done $0x0  }
0x87: {  	s16 =	smul.u32 $0x140, s16;
	[sflag:s5] =	ssyncadd.s32 $0xFFFFFF60  }
0x88: {  	_ =	swait.ge [sflag:s5], $0xA0  }
0x89: {  	s16 =	sshrl.u32 s16, $0x2;
	[sflag:s5] =	ssyncset.done $0x0  }
0x8a: {  	s16 =	sor.u32 $0x19000, s16;
	[sflag:s5] =	ssyncadd.s32 $0xFFFFFF60  }
0x8b: {  	[tilespmem:s23], [sflag:$0x1] =	stream.indirect.gather [hbm4b:s4+s29], $0xA0, s16, s29, $0xb8;
	[tilespmem:$0x1F680] =	vst v63  }
0x8c: {  	_ =	swait.ge [sflag:s6], $0x3200  }
0x8d: {  	[sflag:s6] =	ssyncset.done $0x0  }
0x8e: {  	s16 =	sadd.s32 $0x19190, s10;
	[sflag:s6] =	ssyncadd.s32 $0xFFFFCE00  }
0x8f: {  	[spmem:s2] =	stream.indirect.scatter.add.f32 [tilespmem:s0], [sflag:$0x4], $0xA0, s16, s29, $0xb8;
	[tilespmem:$0x1F680] =	vst v63  }
.Ltmp1:
0x90: {  	_ =	swait.ge [sflag:s24], $0x3200;
	(pc) =	sbr.rel @p1 .LBB2_4-.Ltmp1, $4  }
0x91: {  	s8 =	sadd.s32 $0x14, s8;
	[sflag:s24] =	ssyncset.done $0x0  }
0x92: {  	s10 =	sor.u32 $0x19000, s10;
	s16 =	sand.u32 $0x1, s17;
	[sflag:s24] =	ssyncadd.s32 $0xFFFFCE00  }
0x93: {  	[tilespmem:s10], [sflag:$0x3] =	stream.linear.gather [hbm4b:s9+s3], $0xA0, $0x38;
	[tilespmem:$0x1F680] =	vst v63  }
0x94: {  	s10 =	smul.u32 $0xA0, s16;
	s16 =	sshll.u32 s16, $0x1;
	s9 =	sadd.s32 $0x14, s9  }
0x95: {  	[tilespmem:s13], [sflag:$0x3] =	stream.linear.gather [hbm4b:s22+s3], $0xA0, $0x38;
	[tilespmem:$0x1F680] =	vst v63  }
0x96: {  	s14 =	sadd.s32 $0x19050, s10  }
0x97: {  	[tilespmem:s0], [sflag:$0x2] =	stream.indirect.gather [hbm4b:s4+s29], $0xA0, s14, s29, $0xb8;
	[tilespmem:$0x1F680] =	vst v63  }
0x98: {  	_ =	swait.ge [sflag:s1], $0x3200  }
0x99: {  	[sflag:s1] =	ssyncset.done $0x0  }
0x9a: {  	s13 =	sadd.s32 $0x19140, s10;
	[sflag:s1] =	ssyncadd.s32 $0xFFFFCE00  }
0x9b: {  	[spmem:s2] =	stream.indirect.scatter.add.f32 [tilespmem:s23], [sflag:$0x4], $0xA0, s13, s29, $0xb8;
	[tilespmem:$0x1F680] =	vst v63  }
0x9c: {  	_ =	swait.ge [sflag:s24], $0x3200  }
0x9d: {  	[sflag:s24] =	ssyncset.done $0x0  }
0x9e: {  	[sflag:s24] =	ssyncadd.s32 $0xFFFFCE00  }
0x9f: {  	_ =	swait.ge [sflag:s5], $0xA0  }
0xa0: {  	s14 =	sxor.u32 $0x2, s16;
	[sflag:s5] =	ssyncset.done $0x0  }
0xa1: {  	s14 =	smul.u32 $0x140, s14;
	[sflag:s5] =	ssyncadd.s32 $0xFFFFFF60  }
0xa2: {  	_ =	swait.ge [sflag:s5], $0xA0  }
0xa3: {  	s14 =	sshrl.u32 s14, $0x2;
	[sflag:s5] =	ssyncset.done $0x0  }
0xa4: {  	s14 =	sor.u32 $0x19000, s14;
	[sflag:s5] =	ssyncadd.s32 $0xFFFFFF60  }
0xa5: {  	[tilespmem:s23], [sflag:$0x1] =	stream.indirect.gather [hbm4b:s4+s29], $0xA0, s14, s29, $0xb8;
	[tilespmem:$0x1F680] =	vst v63  }
0xa6: {  	_ =	swait.ge [sflag:s6], $0x3200  }
0xa7: {  	[sflag:s6] =	ssyncset.done $0x0  }
0xa8: {  	s17 =	sadd.s32 $0x19190, s10;
	[sflag:s6] =	ssyncadd.s32 $0xFFFFCE00  }
0xa9: {  	[spmem:s2] =	stream.indirect.scatter.add.f32 [tilespmem:s0], [sflag:$0x4], $0xA0, s17, s29, $0xb8;
	[tilespmem:$0x1F680] =	vst v63  }
0xaa: {  	_ =	swait.ge [sflag:s24], $0x3200  }
0xab: {  	[sflag:s24] =	ssyncset.done $0x0  }
0xac: {  	s22 =	sor.u32 $0x19000, s10;
	[sflag:s24] =	ssyncadd.s32 $0xFFFFCE00  }
0xad: {  	[tilespmem:s22], [sflag:$0x3] =	stream.linear.gather [hbm4b:s9+s3], $0xA0, $0x38;
	[tilespmem:$0x1F680] =	vst v63  }
0xae: {  	_ = 	snop  }
0xaf: {  	[tilespmem:s13], [sflag:$0x3] =	stream.linear.gather [hbm4b:s8+s3], $0xA0, $0x38;
	[tilespmem:$0x1F680] =	vst v63  }
0xb0: {  	s9 =	simm.s32 $0x19050  }
0xb1: {  	[tilespmem:s0], [sflag:$0x2] =	stream.indirect.gather [hbm4b:s4+s29], $0xA0, s9, s29, $0xb8;
	[tilespmem:$0x1F680] =	vst v63  }
0xb2: {  	_ =	swait.ge [sflag:s1], $0x3200  }
0xb3: {  	[sflag:s1] =	ssyncset.done $0x0  }
0xb4: {  	[sflag:s1] =	ssyncadd.s32 $0xFFFFCE00  }
0xb5: {  	[spmem:s2] =	stream.indirect.scatter.add.f32 [tilespmem:s23], [sflag:$0x4], $0xA0, s28, s29, $0xb8;
	[tilespmem:$0x1F680] =	vst v63  }
0xb6: {  	_ =	swait.ge [sflag:s24], $0x3200  }
0xb7: {  	[sflag:s24] =	ssyncset.done $0x0  }
0xb8: {  	[sflag:s24] =	ssyncadd.s32 $0xFFFFCE00  }
0xb9: {  	_ =	swait.ge [sflag:s5], $0xA0  }
0xba: {  	[sflag:s5] =	ssyncset.done $0x0  }
0xbb: {  	[sflag:s5] =	ssyncadd.s32 $0xFFFFFF60  }
0xbc: {  	_ =	swait.ge [sflag:s5], $0xA0  }
0xbd: {  	[sflag:s5] =	ssyncset.done $0x0  }
0xbe: {  	[sflag:s5] =	ssyncadd.s32 $0xFFFFFF60  }
0xbf: {  	[tilespmem:s23], [sflag:$0x1] =	stream.indirect.gather [hbm4b:s4+s29], $0xA0, s30, s29, $0xb8;
	[tilespmem:$0x1F680] =	vst v63  }
0xc0: {  	_ =	swait.ge [sflag:s6], $0x3200  }
0xc1: {  	[sflag:s6] =	ssyncset.done $0x0  }
0xc2: {  	s10 =	simm.s32 $0x19190;
	[sflag:s6] =	ssyncadd.s32 $0xFFFFCE00  }
0xc3: {  	[spmem:s2] =	stream.indirect.scatter.add.f32 [tilespmem:s0], [sflag:$0x4], $0xA0, s10, s29, $0xb8;
	[tilespmem:$0x1F680] =	vst v63  }
0xc4: {  	_ =	swait.ge [sflag:s24], $0x3200  }
0xc5: {  	[sflag:s24] =	ssyncset.done $0x0  }
0xc6: {  	s13 =	simm.s32 $0x190F0;
	[sflag:s24] =	ssyncadd.s32 $0xFFFFCE00  }
0xc7: {  	[tilespmem:s0], [sflag:$0x2] =	stream.indirect.gather [hbm4b:s4+s29], $0xA0, s13, s29, $0xb8;
	[tilespmem:$0x1F680] =	vst v63  }
0xc8: {  	_ =	swait.ge [sflag:s1], $0x3200  }
0xc9: {  	[sflag:s1] =	ssyncset.done $0x0  }
0xca: {  	[sflag:s1] =	ssyncadd.s32 $0xFFFFCE00  }
0xcb: {  	[spmem:s2] =	stream.indirect.scatter.add.f32 [tilespmem:s23], [sflag:$0x4], $0xA0, s31, s29, $0xb8;
	[tilespmem:$0x1F680] =	vst v63  }
0xcc: {  	_ =	swait.ge [sflag:s24], $0x3200  }
0xcd: {  	[sflag:s24] =	ssyncset.done $0x0  }
0xce: {  	[sflag:s24] =	ssyncadd.s32 $0xFFFFCE00  }
0xcf: {  	_ =	swait.ge [sflag:s6], $0x3200  }
0xd0: {  	[sflag:s6] =	ssyncset.done $0x0  }
0xd1: {  	s14 =	simm.s32 $0x19230;
	[sflag:s6] =	ssyncadd.s32 $0xFFFFCE00  }
0xd2: {  	[spmem:s2] =	stream.indirect.scatter.add.f32 [tilespmem:s0], [sflag:$0x4], $0xA0, s14, s29, $0xb8;
	[tilespmem:$0x1F680] =	vst v63  }
0xd3: {  	_ =	swait.ge [sflag:s24], $0x3200  }
0xd4: {  	[sflag:s24] =	ssyncset.done $0x0  }
0xd5: {  	s16 =	rddreg [dreg:$0x7];
	[sflag:s24] =	ssyncadd.s32 $0xFFFFCE00  }
0xd6: {  	[tilespmem:s26], [sflag:$0x4] =	stream.linear.gather [hbm4b:s16+s3], $0x50, $0x38;
	[tilespmem:$0x1F680] =	vst v63  }
0xd7: {  	_ =	swait.ge [sflag:s24], $0x50  }
0xd8: {  	[sflag:s24] =	ssyncset.done $0x0  }
0xd9: {  	s17 =	rddreg [dreg:$0x8];
	[sflag:s24] =	ssyncadd.s32 $0xFFFFFFB0  }
0xda: {  	[tilespmem:s28], [sflag:$0x4] =	stream.linear.gather [hbm4b:s17+s3], $0x50, $0x38;
	[tilespmem:$0x1F680] =	vst v63  }
0xdb: {  	_ =	swait.ge [sflag:s24], $0x50  }
0xdc: {  	[sflag:s24] =	ssyncset.done $0x0  }
0xdd: {  	[sflag:s24] =	ssyncadd.s32 $0xFFFFFFB0  }
0xde: {  	[tilespmem:s23], [sflag:$0x1] =	stream.indirect.gather [hbm4b:s4+s29], $0xA0, s26, s29, $0xb8;
	[tilespmem:$0x1F680] =	vst v63  }
0xdf: {  	_ =	swait.ge [sflag:s1], $0x3200  }
0xe0: {  	[sflag:s1] =	ssyncset.done $0x0  }
0xe1: {  	[sflag:s1] =	ssyncadd.s32 $0xFFFFCE00  }
0xe2: {  	[spmem:s2] =	stream.indirect.scatter.add.f32 [tilespmem:s23], [sflag:$0x4], $0xA0, s28, s29, $0xb8;
	[tilespmem:$0x1F680] =	vst v63  }
0xe3: {  	_ =	swait.ge [sflag:s24], $0x3200  }
0xe4: {  	[sflag:s24] =	ssyncset.done $0x0  }
0xe5: {  	[sflag:s24] =	ssyncadd.s32 $0xFFFFCE00  }
0xe6: {  	s8 =	simm.s32 @p0 $0x1FC4;
	[bflag:$0x0] =	sbarrier.arrive $0xFFFF  }
0xe7: {  	[hbm:s11], [sflag:s8] =	dma.local @p0 [spmem:s25], $0x1F40  }
0xe8: {  	s8 =	simm.s32 @p0 $0x4  }
0xe9: {  	s9 =	stileid.u32;
	_ =	swait.ge @p0 [sflag:s8], $0x1F40  }
0xea: {  	s9 =	sshll.u32 @!p0 s9, $0x6;
	[sflag:s8] =	ssyncset.done @p0 $0x0  }
0xeb: {  	[sflag:s8] =	ssyncadd.s32 @p0 $0xFFFFE0C0;
	s8 =	sor.u32 @!p0 $0x1C04, s9;
	s9 =	sshrl.u32 @!p0 s12, $0x3  }
0xec: {  	[hbm:s11], [sflag:s8] =	dma.local @!p0 [spmem:s9], $0x3200  }
0xed: {  	s8 =	simm.s32 @!p0 $0x4  }
0xee: {  	_ =	swait.ge @!p0 [sflag:s8], $0x3200  }
0xef: {  	s7 =	sadd.s32 $0x1, s7;
	s22 =	rddreg [dreg:$0x9]  }
0xf0: {  	p1 =	sne.s32 s7, s22  }
.Ltmp2:
0xf1: {  	_ = 	snop;
	(pc) =	sbr.rel @p1 .LBB2_1-.Ltmp2, $3  }
0xf2: {  	_ =	sdelay $0x1  }
0xf3: {  	[sflag:s8] =	ssyncset.done @!p0 $0x0  }
0xf4: {  	[sflag:s8] =	ssyncadd.s32 @!p0 $0xFFFFCE00  }
0xf5: {  	_ =	sfence.sel $0x180000  }
0xf6: {  	[bflag:$0x0] =	sbarrier.arrive $0xFFFF  }
0xf7: {  	_ =	strace $0x90000047  }
0xf8: {  	s0 =	stileid.u32;
	[bflag:$0x2] =	sbarrier.arrive $0xFFFF  }
0xf9: {  	p0 =	sne.s32 s0, $0x0;
	s0 =	rddreg [dreg:$0x2]  }
0xfa: {  	s0 =	sadd.s32 @!p0 $0x100000, s0  }
0xfb: {  	[sflag:s0] =	ssyncadd.tile.s32 @!p0 $0x1;
	_ =	shalt  }
.Lfunc_end2:
_tile_overlayer_lowered:
.L_overlay_start_2:
0xfc: {  	(tag) =	ssettag $0x2  }
0xfd: {  	s0 =	rddreg [dreg:$0x0];
	s2 =	stileid.u32  }
0xfe: {  	s1 =	rddreg [dreg:$0x1];
	p0 =	sne.s32 s2, $0x0  }
0xff: {  	s3 =	rddreg [dreg:$0x2];
	[bflag:$0x3] =	sbarrier.arrive $0xFFFF;
	s2 =	simm.s32 @!p0 $0x1C04  }
0x100: {  	[timem:s3], [sflag:s2] =	dma.local @!p0 [hbm:s0], s1  }
0x101: {  	s0 =	simm.s32 @!p0 $0x4  }
0x102: {  	_ =	swait.ge @!p0 [sflag:s0], s1  }
0x103: {  	s1 =	ssub.s32 @!p0 $0x0, s1;
	[sflag:s0] =	ssyncset.done @!p0 $0x0  }
0x104: {  	[sflag:s0] =	ssyncadd.s32 @!p0 s1  }
0x105: {  	[bflag:$0x3] =	sbarrier.arrive $0xFFFF  }
0x106: {  	_ =	shalt  }

// kernel: _run.15.cloned.1.call-start
scs
__scs_entry_jumppad:
0x0: {  	(pc) =	sbr.rel $0x88, $3  }
0x1: {  	(tag) =	ssettag $0x0;
	lr =	simm.s32 $0x1  }
0x2: {  	[smem:$0x3F93] =	sst lr;
	_ =	strace $0xD0000000  }
0x3: {  	_ = 	snop  }
0x4: {  	_ = 	snop  }
0x5: {  	_ = 	snop  }
0x6: {  	_ = 	snop  }
0x7: {  	_ = 	snop  }
__scs_overlays_trampoline_lowered:
0x8: {  	[smem:$0x3FA2] =	sst s0  }
0x9: {  	[smem:$0x3FA3] =	sst s1  }
0xa: {  	[smem:$0x3FA4] =	sst s2  }
0xb: {  	[smem:$0x3FA5] =	sst s3  }
0xc: {  	[smem:$0x3FA6] =	sst s4  }
0xd: {  	[smem:$0x3FA7] =	sst s5  }
0xe: {  	[smem:$0x3FA8] =	sst s6  }
0xf: {  	[smem:$0x3FA9] =	sst s7  }
0x10: {  	[smem:$0x3FAA] =	sst s8  }
0x11: {  	[smem:$0x3FAB] =	sst s9;
	s0 =	simm.s32 @!p0 $0x0  }
0x12: {  	s1 =	sld [smem:$0x3F91];
	s0 =	simm.s32 @p0 $0x1  }
0x13: {  	[smem:$0x3FAC] =	sst s0;
	s0 =	simm.s32 @!p1 $0x0  }
0x14: {  	s2 =	sld [smem:$0x3F90];
	s0 =	simm.s32 @p1 $0x1  }
0x15: {  	[smem:$0x3FAD] =	sst s0;
	s0 =	simm.s32 @!p2 $0x0  }
0x16: {  	s3 =	sld [smem:$0x3FDB];
	s0 =	simm.s32 @p2 $0x1  }
0x17: {  	s4 =	simm.s32 $0x1BF5;
	[smem:$0x3FAF] =	sst s0  }
0x18: {  	s0 =	sld [smem:$0x3F92];
	_ =	swait.ge [sflag:s4], $0x0  }
0x19: {  	s7 =	sld [smem:$0x3F93]  }
0x1a: {  	s8 =	sadd.s32 $0xFFFFE003, lr  }
0x1b: {  	s9 =	sadd.s32 $0xFFFFFEF7, lr;
	s5 =	simm.s32 $0xFFFFFFFF;
	p2 =	slt.u32 s8, $0xFFFFF086  }
0x1c: {  	p1 =	slt.u32 s9, $0xF7A;
	s5 =	simm.s32 @!p2 $0x0  }
0x1d: {  	s5 =	simm.s32 @p1 $0x1;
	p0 =	seq.s32 s7, s2  }
0x1e: {  	s7 =	smul.u32 @!p0 $0xF7A, s2;
	p2 =	seq.s32 @!p0 s5, $0x0  }
0x1f: {  	s9 =	smul.u32 $0xF7A, s1;
	s8 =	simm.s32 @!p0 $0x1BF5;
	p2 =	por !p2, p0  }
0x20: {  	[sflag:s8] =	ssyncset.s32 @!p0 $0xFFFFF086;
	s6 =	sadd.s32 @!p0 s3, s7;
	s7 =	simm.s32 @!p0 $0x108  }
0x21: {  	s3 =	sadd.s32 s3, s9;
	s6 =	sadd.s32 @!p0 $0x88, s6;
	s7 =	simm.s32 @p2 $0x1082  }
0x22: {  	[simem:s7], [sflag:s8] =	dma.local @!p0 [hbm:s6], $0xF7A  }
0x23: {  	s9 =	sor.u32 $0xD0000000, s2;
	s6 =	simm.s32 $0x108;
	_ =	swait.ge @!p0 [sflag:s8], $0x0  }
0x24: {  	s3 =	sadd.s32 $0x88, s3;
	s6 =	simm.s32 @!p1 $0x1082;
	[sflag:s4] =	ssyncset.s32 $0xFFFFF086  }
0x25: {  	[simem:s6], [sflag:s4] =	dma.local [hbm:s3], $0xF7A  }
0x26: {  	[smem:$0x3F93] =	sst s1;
	(tag) =	ssettag s2;
	_ =	strace s9  }
0x27: {  	s1 =	sld [smem:$0x3FA3]  }
0x28: {  	s2 =	sld [smem:$0x3FA4]  }
0x29: {  	s4 =	sld [smem:$0x3FA6]  }
0x2a: {  	p0 =	seq.s32 s5, $0x0;
	s5 =	sld [smem:$0x3FA7]  }
0x2b: {  	s6 =	sld [smem:$0x3FA8]  }
0x2c: {  	s7 =	sld [smem:$0x3FA9]  }
0x2d: {  	s3 =	simm.s32 $0x108;
	s8 =	sld [smem:$0x3FAA]  }
0x2e: {  	s3 =	simm.s32 @!p0 $0x1082;
	s9 =	sld [smem:$0x3FAB]  }
0x2f: {  	lr =	sadd.s32 s0, s3;
	s0 =	sld [smem:$0x3FA2]  }
0x30: {  	s3 =	sld [smem:$0x3FA5]  }
0x31: {  	[smem:$0x3FAE] =	sst s10  }
0x32: {  	s10 =	sld [smem:$0x3FAC];
	_ =	sdelay $0x3  }
0x33: {  	p0 =	seq.s32 s10, $0x1;
	s10 =	sld [smem:$0x3FAE];
	_ =	sdelay $0x3  }
0x34: {  	[smem:$0x3FAE] =	sst s10  }
0x35: {  	s10 =	sld [smem:$0x3FAD];
	_ =	sdelay $0x3  }
0x36: {  	p1 =	seq.s32 s10, $0x1;
	s10 =	sld [smem:$0x3FAE];
	_ =	sdelay $0x3  }
0x37: {  	[smem:$0x3FAE] =	sst s10  }
0x38: {  	s10 =	sld [smem:$0x3FAF]  }
0x39: {  	_ = 	snop;
	(pc) =	sbr.ind lr, $3  }
0x3a: {  	_ = 	snop  }
0x3b: {  	_ = 	snop  }
0x3c: {  	p2 =	seq.s32 s10, $0x1;
	s10 =	sld [smem:$0x3FAE]  }
0x3d: {  	_ =	shalt  }
0x3e: {  	_ =	shalt  }
0x3f: {  	_ =	shalt  }
0x40: {  	_ =	shalt  }
0x41: {  	_ =	shalt  }
0x42: {  	_ =	shalt  }
0x43: {  	_ =	shalt  }
0x44: {  	_ =	shalt  }
0x45: {  	_ =	shalt  }
0x46: {  	_ =	shalt  }
0x47: {  	_ =	shalt  }
0x48: {  	_ =	shalt  }
0x49: {  	_ =	shalt  }
0x4a: {  	_ =	shalt  }
0x4b: {  	_ =	shalt  }
0x4c: {  	_ =	shalt  }
0x4d: {  	_ =	shalt  }
0x4e: {  	_ =	shalt  }
0x4f: {  	_ =	shalt  }
0x50: {  	_ =	shalt  }
0x51: {  	_ =	shalt  }
0x52: {  	_ =	shalt  }
0x53: {  	_ =	shalt  }
0x54: {  	_ =	shalt  }
0x55: {  	_ =	shalt  }
0x56: {  	_ =	shalt  }
0x57: {  	_ =	shalt  }
0x58: {  	_ =	shalt  }
0x59: {  	_ =	shalt  }
0x5a: {  	_ =	shalt  }
0x5b: {  	_ =	shalt  }
0x5c: {  	_ =	shalt  }
0x5d: {  	_ =	shalt  }
0x5e: {  	_ =	shalt  }
0x5f: {  	_ =	shalt  }
0x60: {  	_ =	shalt  }
0x61: {  	_ =	shalt  }
0x62: {  	_ =	shalt  }
0x63: {  	_ =	shalt  }
0x64: {  	_ =	shalt  }
0x65: {  	_ =	shalt  }
0x66: {  	_ =	shalt  }
0x67: {  	_ =	shalt  }
0x68: {  	_ =	shalt  }
0x69: {  	_ =	shalt  }
0x6a: {  	_ =	shalt  }
0x6b: {  	_ =	shalt  }
0x6c: {  	_ =	shalt  }
0x6d: {  	_ =	shalt  }
0x6e: {  	_ =	shalt  }
0x6f: {  	_ =	shalt  }
0x70: {  	_ =	shalt  }
0x71: {  	_ =	shalt  }
0x72: {  	_ =	shalt  }
0x73: {  	_ =	shalt  }
0x74: {  	_ =	shalt  }
0x75: {  	_ =	shalt  }
0x76: {  	_ =	shalt  }
0x77: {  	_ =	shalt  }
0x78: {  	_ =	shalt  }
0x79: {  	_ =	shalt  }
0x7a: {  	_ =	shalt  }
0x7b: {  	_ =	shalt  }
0x7c: {  	_ =	shalt  }
0x7d: {  	_ =	shalt  }
0x7e: {  	_ =	shalt  }
0x7f: {  	_ =	shalt  }
0x80: {  	_ =	shalt  }
0x81: {  	_ =	shalt  }
0x82: {  	_ =	shalt  }
0x83: {  	_ =	shalt  }
0x84: {  	_ =	shalt  }
0x85: {  	_ =	shalt  }
0x86: {  	_ =	shalt  }
0x87: {  	_ =	shalt  }
.Lfunc_end0:
.L_simem_size_0:
called_computation.2_lowered:
.L_overlay_start_0:
0x88: {  	s2 =	sld [smem:$0x3FD9]  }
0x89: {  	s3 =	sld [smem:$0x3FFE];
	_ =	sdelay $0x1  }
0x8a: {  	s1 =	srdreg.scid  }
0x8b: {  	s0 =	sand.u32 $0x1, s1  }
0x8c: {  	s16 =	sshll.u32 s0, $0xA;
	s2 =	sadd.s32 s3, s2  }
0x8d: {  	s2 =	sadd.s32 s2, s16  }
0x8e: {  	[smem:$0x3FBA] =	sst s2  }
0x8f: {  	_ = 	snop  }
0x90: {  	(tm) =	ssettm $0x1  }
0x91: {  	s17 =	sld [smem:$0x3FFB];
	_ =	sdelay $0x3  }
0x92: {  	_ =	strace s17  }
0x93: {  	s2 =	sld [smem:$0x3FFC];
	_ =	sdelay $0x3  }
0x94: {  	_ =	strace s2  }
0x95: {  	s2 =	sld [smem:$0x3FFD];
	_ =	sdelay $0x3  }
0x96: {  	_ =	strace s2  }
0x97: {  	_ =	strace $0x8FFFFFFF  }
0x98: {  	s18 =	sld [smem:$0x3FDB];
	_ =	sdelay $0x1  }
0x99: {  	s19 =	simm.s32 $_scs_section_size  }
0x9a: {  	s4 =	simm.s32 $_size__tile_overlayer_lowered;
	s5 =	simm.s32 $_tile_overlayer_lowered  }
0x9b: {  	s22 =	simm.s32 $0x1BFF;
	s21 =	sshll.u32 s5, $0x1;
	s2 =	sadd.s32 s19, s18  }
0x9c: {  	s6 =	simm.s32 $0x0;
	s20 =	sshll.u32 s4, $0x1;
	s4 =	sadd.s32 s21, s2  }
0x9d: {  	[timem:s6], [sflag:s22] =	dma.local [hbm:s4], s20  }
0x9e: {  	_ =	swait.ge [sflag:s22], s20  }
0x9f: {  	s3 =	ssub.s32 $0x0, s20;
	[sflag:s22] =	ssyncset.done $0x0  }
0xa0: {  	[sflag:s22] =	ssyncadd.s32 s3;
	_ =	sdelay $0x1  }
0xa1: {  	s23 =	simm.s32 $0x1B8B  }
0xa2: {  	_ =	swait.ge [sflag:s23], $0x1  }
0xa3: {  	[sflag:s23] =	ssyncset.done $0x0  }
0xa4: {  	s25 =	simm.s32 $0x1B8E;
	s24 =	sld [smem:$0x3FFE];
	[sflag:s23] =	ssyncadd.s32 $0xFFFFFFFF  }
0xa5: {  	s26 =	simm.s32 $execute0_lowered;
	[smem:$0x3FD2] =	sst s25  }
0xa6: {  	s4 =	sshll.u32 s26, $0x1;
	_ =	strace $0x8000004C;
	[dreg:$0x1] =	wrdreg $0xFFFFFFFF  }
0xa7: {  	s28 =	simm.s32 $_size_execute0_lowered;
	s2 =	sadd.s32 s2, s4;
	[dreg:$0x0] =	wrdreg $0x0  }
0xa8: {  	s4 =	sshll.u32 s28, $0x1;
	[dreg:$0x2] =	wrdreg s2  }
0xa9: {  	[dreg:$0x3] =	wrdreg s4  }
0xaa: {  	[dreg:$0x4] =	wrdreg $0xC0  }
0xab: {  	_ =	task [dreg:s6], $0x5FFFF  }
0xac: {  	[dreg:$0x1] =	wrdreg $0xFFFFFFFF  }
0xad: {  	[dreg:$0x0] =	wrdreg $0x60  }
0xae: {  	[dreg:$0x2] =	wrdreg s24  }
0xaf: {  	[dreg:$0x3] =	wrdreg $0x0  }
0xb0: {  	[dreg:$0x4] =	wrdreg $0x9  }
0xb1: {  	_ =	task.clear_ibuf [dreg:s6], $0x5FFFF;
	_ =	strace $0x9000004C  }
0xb2: {  	s29 =	simm.s32 $0x9;
	_ =	strace $0x8000004E  }
0xb3: {  	_ =	swait.ge [sflag:s29], $0x1  }
0xb4: {  	[sflag:s29] =	ssyncadd.s32 $0xFFFFFFFF  }
0xb5: {  	_ =	strace $0x9000004E  }
0xb6: {  	_ =	sfence  }
0xb7: {  	s30 =	sld [smem:$0x0];
	_ =	sdelay $0x2  }
0xb8: {  	s31 =	sshll.u32 s1, $0xD;
	s1 =	sshrl.u32 s1, $0x2  }
0xb9: {  	s3 =	sand.u32 $0x4000, s31;
	s1 =	sadd.s32 s1, s30  }
0xba: {  	s0 =	sor.u32 s3, s0;
	s1 =	sshll.u32 s1, $0x11  }
0xbb: {  	s0 =	sor.u32 s1, s0  }
0xbc: {  	s0 =	sadd.s32 $0x8F2B, s0  }
0xbd: {  	[sflag:s0] =	ssyncadd.remote.s32 $0x1  }
0xbe: {  	_ =	sfence.sel $0xFFFF  }
0xbf: {  	[dreg:$0x0] =	wrdreg $0xFFFFFFFF;
	(pc) =	sbr.abs _section_cstart, $3  }
0xc0: {  	[dreg:$0x1] =	wrdreg $0xFFFFFFFF  }
0xc1: {  	_ =	task.clear_ibuf [dreg:s6], $0x2FFFF;
	_ =	strace $0x9FFFFFFF  }
0xc2: {  	(tm) =	ssettm $0x7FFFFFFF  }
0xc3: {  	_ =	shalt  }
tec
execute0_lowered:
.L_overlay_start_1:
0x0: {  	(tag) =	ssettag $0x1  }
0x1: {  	s0 =	srdreg.scid  }
0x2: {  	s12 =	stileid.u32;
	s1 =	rddreg [dreg:$0x0]  }
0x3: {  	s2 =	rddreg [dreg:$0x1];
	s3 =	simm.s32 $0x0;
	s4 =	smul.u32 $0x280, s12  }
0x4: {  	s29 =	simm.s32 $0x119E0;
	s30 =	simm.s32 $0x13D80;
	s7 =	smul.u32 $0x4E20, s12  }
0x5: {  	s31 =	simm.s32 $0x1;
	s28 =	simm.s32 $0x2;
	s10 =	smul.u32 $0x9C4, s12  }
0x6: {  	s0 =	sand.u32 $0x1, s0;
	[smem:$0x7FF] =	sst s3;
	s11 =	smul.u32 $0x46000, s12  }
0x7: {  	s8 =	sadd.s32 $0xA9800, s1;
	p1 =	seq.s32 s12, $0xF;
	s5 =	smul.u32 $0x2710, s0  }
0x8: {  	_ =	strace $0x8000004D;
	s18 =	ssub.s32 $0x2, s0;
	p0 =	seq.s32 s0, $0x1  }
0x9: {  	s0 =	sadd.s32 $0x106800, s2;
	s9 =	sshrl.u32 s18, $0x1;
	s7 =	sshrl.u32 s7, $0x3  }
0xa: {  	s22 =	sshrl.u32 s11, $0x2;
	s4 =	sadd.s32 s4, s5;
	s7 =	sadd.s32 s8, s7  }
0xb: {  	s5 =	sadd.s32 $0x2A800, s1;
	s9 =	ssub.s32 s18, s9;
	s19 =	sadd.s32 $0x9C40, s7  }
0xc: {  	s11 =	sadd.s32 s22, s2;
	s20 =	sadd.s32 $0x14, s7;
	[dreg:$0x3] =	wrdreg s19  }
0xd: {  	s22 =	simm.s32 $0x4;
	s21 =	sadd.s32 $0x9C54, s7;
	[dreg:$0x4] =	wrdreg s20  }
0xe: {  	s6 =	smul.u32 $0xE, s4;
	s23 =	smax.u32 s9, $0x1;
	[dreg:$0x5] =	wrdreg s21  }
0xf: {  	s4 =	sadd.s32 $0x4CC00, s1;
	s24 =	sadd.s32 $0x2300, s11;
	[dreg:$0x6] =	wrdreg s23  }
0x10: {  	s25 =	sadd.s32 $0x4600, s11;
	s26 =	sadd.s32 $0x6900, s11;
	[dreg:$0x7] =	wrdreg s24  }
0x11: {  	s16 =	sadd.s32 $0x8C00, s11;
	s17 =	sadd.s32 $0xAF00, s11;
	[dreg:$0x8] =	wrdreg s25  }
.Ltmp0:
0x12: {  	s18 =	sadd.s32 $0xD200, s11;
	[dreg:$0x9] =	wrdreg s26;
	(pc) =	sbr.rel .LBB2_1-.Ltmp0, $4  }
0x13: {  	s19 =	sadd.s32 $0xF500, s11;
	s21 =	simm.s32 $0x11A80;
	s23 =	simm.s32 $0x11800  }
0x14: {  	s24 =	simm.s32 $0x11940;
	s25 =	sshrl.u32 @p1 s0, $0x3;
	s26 =	simm.s32 $0x50  }
0x15: {  	s0 =	simm.s32 $0x0;
	s1 =	sadd.s32 s6, s1;
	s6 =	sadd.s32 s8, s10  }
0x16: {  	v0 =	vimm.f32 $0.0e+00;
	s10 =	sadd.s32 $0x10B400, s1;
	s13 =	sadd.s32 $0x9C68, s6;
	s1 =	simm.s32 $0x3  }
.LBB2_6:
0x17: {  	[tilespmem:s9], [sflag:$0x3] =	stream.linear.gather [hbm4b:s20+s3], $0xA0, $0x38;
	[tilespmem:$0x16080] =	vst v63  }
0x18: {  	s12 =	sadd.s32 $0x11850, s8  }
0x19: {  	[tilespmem:s30], [sflag:$0x2] =	stream.indirect.gather [hbm4b:s4+s26], $0x70, s12, s26, $0xb8;
	[tilespmem:$0x16080] =	vst v63  }
0x1a: {  	_ =	swait.ge [sflag:s31], $0x2300  }
0x1b: {  	[sflag:s31] =	ssyncset.done $0x0  }
0x1c: {  	s9 =	sadd.s32 $0x11940, s8;
	[sflag:s31] =	ssyncadd.s32 $0xFFFFDD00  }
0x1d: {  	[spmem:s2] =	stream.indirect.scatter.add.f32 [tilespmem:s21], [sflag:$0x4], $0x70, s9, s26, $0xb8;
	[tilespmem:$0x16080] =	vst v63  }
0x1e: {  	_ =	swait.ge [sflag:s22], $0x2300  }
0x1f: {  	[sflag:s22] =	ssyncset.done $0x0  }
0x20: {  	[sflag:s22] =	ssyncadd.s32 $0xFFFFDD00  }
0x21: {  	_ =	swait.ge [sflag:s1], $0xA0  }
0x22: {  	s12 =	sxor.u32 $0x2, s14;
	[sflag:s1] =	ssyncset.done $0x0  }
0x23: {  	s12 =	smul.u32 $0x140, s12;
	[sflag:s1] =	ssyncadd.s32 $0xFFFFFF60  }
0x24: {  	_ =	swait.ge [sflag:s1], $0xA0  }
0x25: {  	s12 =	sshrl.u32 s12, $0x2;
	[sflag:s1] =	ssyncset.done $0x0  }
0x26: {  	s12 =	sor.u32 $0x11800, s12;
	[sflag:s1] =	ssyncadd.s32 $0xFFFFFF60  }
0x27: {  	[tilespmem:s21], [sflag:$0x1] =	stream.indirect.gather [hbm4b:s4+s26], $0x70, s12, s26, $0xb8;
	[tilespmem:$0x16080] =	vst v63  }
0x28: {  	_ =	swait.ge [sflag:s28], $0x2300  }
0x29: {  	[sflag:s28] =	ssyncset.done $0x0  }
0x2a: {  	s14 =	sadd.s32 $0x11990, s8;
	[sflag:s28] =	ssyncadd.s32 $0xFFFFDD00  }
0x2b: {  	[spmem:s2] =	stream.indirect.scatter.add.f32 [tilespmem:s30], [sflag:$0x4], $0x70, s14, s26, $0xb8;
	[tilespmem:$0x16080] =	vst v63  }
0x2c: {  	_ =	swait.ge [sflag:s22], $0x2300  }
0x2d: {  	[sflag:s22] =	ssyncset.done $0x0  }
0x2e: {  	s15 =	sadd.s32 $0xFFFF63C0, s7;
	s20 =	sor.u32 $0x11800, s8;
	[sflag:s22] =	ssyncadd.s32 $0xFFFFDD00  }
0x2f: {  	[tilespmem:s20], [sflag:$0x3] =	stream.linear.gather [hbm4b:s15+s3], $0xA0, $0x38;
	[tilespmem:$0x16080] =	vst v63  }
0x30: {  	_ = 	snop  }
0x31: {  	[tilespmem:s9], [sflag:$0x3] =	stream.linear.gather [hbm4b:s7+s3], $0xA0, $0x38;
	[tilespmem:$0x16080] =	vst v63  }
0x32: {  	s14 =	simm.s32 $0x118F0  }
0x33: {  	[tilespmem:s30], [sflag:$0x2] =	stream.indirect.gather [hbm4b:s4+s26], $0x70, s14, s26, $0xb8;
	[tilespmem:$0x16080] =	vst v63  }
0x34: {  	_ =	swait.ge [sflag:s31], $0x2300  }
0x35: {  	[sflag:s31] =	ssyncset.done $0x0  }
0x36: {  	[sflag:s31] =	ssyncadd.s32 $0xFFFFDD00  }
0x37: {  	[spmem:s2] =	stream.indirect.scatter.add.f32 [tilespmem:s21], [sflag:$0x4], $0x70, s29, s26, $0xb8;
	[tilespmem:$0x16080] =	vst v63  }
0x38: {  	_ =	swait.ge [sflag:s22], $0x2300  }
0x39: {  	[sflag:s22] =	ssyncset.done $0x0  }
0x3a: {  	[sflag:s22] =	ssyncadd.s32 $0xFFFFDD00  }
0x3b: {  	_ =	swait.ge [sflag:s1], $0xA0  }
0x3c: {  	[sflag:s1] =	ssyncset.done $0x0  }
0x3d: {  	[sflag:s1] =	ssyncadd.s32 $0xFFFFFF60  }
0x3e: {  	_ =	swait.ge [sflag:s1], $0xA0  }
0x3f: {  	[sflag:s1] =	ssyncset.done $0x0  }
0x40: {  	[sflag:s1] =	ssyncadd.s32 $0xFFFFFF60  }
0x41: {  	[tilespmem:s21], [sflag:$0x1] =	stream.indirect.gather [hbm4b:s4+s26], $0x70, s23, s26, $0xb8;
	[tilespmem:$0x16080] =	vst v63  }
0x42: {  	_ =	swait.ge [sflag:s28], $0x2300  }
0x43: {  	[sflag:s28] =	ssyncset.done $0x0  }
0x44: {  	s15 =	simm.s32 $0x11A30;
	[sflag:s28] =	ssyncadd.s32 $0xFFFFDD00  }
0x45: {  	[spmem:s2] =	stream.indirect.scatter.add.f32 [tilespmem:s30], [sflag:$0x4], $0x70, s15, s26, $0xb8;
	[tilespmem:$0x16080] =	vst v63  }
0x46: {  	_ =	swait.ge [sflag:s22], $0x2300  }
0x47: {  	[sflag:s22] =	ssyncset.done $0x0  }
0x48: {  	s20 =	simm.s32 $0x11850;
	[sflag:s22] =	ssyncadd.s32 $0xFFFFDD00  }
0x49: {  	[tilespmem:s30], [sflag:$0x2] =	stream.indirect.gather [hbm4b:s4+s26], $0x70, s20, s26, $0xb8;
	[tilespmem:$0x16080] =	vst v63  }
.LBB2_10:
0x4a: {  	_ =	swait.ge [sflag:s31], $0x2300  }
0x4b: {  	[sflag:s31] =	ssyncset.done $0x0  }
0x4c: {  	[sflag:s31] =	ssyncadd.s32 $0xFFFFDD00  }
0x4d: {  	[spmem:s2] =	stream.indirect.scatter.add.f32 [tilespmem:s21], [sflag:$0x4], $0x70, s24, s26, $0xb8;
	[tilespmem:$0x16080] =	vst v63  }
0x4e: {  	_ =	swait.ge [sflag:s22], $0x2300  }
0x4f: {  	[sflag:s22] =	ssyncset.done $0x0  }
0x50: {  	[sflag:s22] =	ssyncadd.s32 $0xFFFFDD00  }
0x51: {  	_ =	swait.ge [sflag:s28], $0x2300  }
0x52: {  	[sflag:s28] =	ssyncset.done $0x0  }
0x53: {  	s7 =	simm.s32 $0x11990;
	[sflag:s28] =	ssyncadd.s32 $0xFFFFDD00  }
0x54: {  	[spmem:s2] =	stream.indirect.scatter.add.f32 [tilespmem:s30], [sflag:$0x4], $0x70, s7, s26, $0xb8;
	[tilespmem:$0x16080] =	vst v63  }
0x55: {  	_ =	swait.ge [sflag:s22], $0x2300  }
0x56: {  	[sflag:s22] =	ssyncset.done $0x0  }
0x57: {  	[sflag:s22] =	ssyncadd.s32 $0xFFFFDD00  }
0x58: {  	s7 =	simm.s32 @p1 $0x1FC4;
	[bflag:$0x0] =	sbarrier.arrive $0xFFFF  }
0x59: {  	[hbm:s10], [sflag:s7] =	dma.local @p1 [spmem:s25], $0x15E0  }
0x5a: {  	s7 =	simm.s32 @p1 $0x4  }
0x5b: {  	s8 =	stileid.u32;
	_ =	swait.ge @p1 [sflag:s7], $0x15E0  }
0x5c: {  	s8 =	sshll.u32 @!p1 s8, $0x6;
	[sflag:s7] =	ssyncset.done @p1 $0x0  }
0x5d: {  	[sflag:s7] =	ssyncadd.s32 @p1 $0xFFFFEA20;
	s7 =	sor.u32 @!p1 $0x1C04, s8;
	s8 =	sshrl.u32 @!p1 s11, $0x3  }
0x5e: {  	[hbm:s10], [sflag:s7] =	dma.local @!p1 [spmem:s8], $0x2300  }
0x5f: {  	s7 =	simm.s32 @!p1 $0x4  }
0x60: {  	_ =	swait.ge @!p1 [sflag:s7], $0x2300  }
0x61: {  	s0 =	sadd.s32 $0x1, s0;
	s20 =	rddreg [dreg:$0x6]  }
0x62: {  	p2 =	sne.s32 s0, s20  }
.Ltmp1:
0x63: {  	_ = 	snop;
	(pc) =	sbr.rel @!p2 .LBB2_11-.Ltmp1, $3  }
0x64: {  	_ =	sdelay $0x1  }
0x65: {  	[sflag:s7] =	ssyncset.done @!p1 $0x0  }
0x66: {  	[sflag:s7] =	ssyncadd.s32 @!p1 $0xFFFFDD00  }
.LBB2_1:
0x67: {  	s7 =	simm.s32 $0x60;
	s8 =	simm.s32 $0x340  }
.LBB2_2:
0x68: {  	p2 =	sne.s32 s8, $0x8BC0;
	[tilespmem:s7+$0x11A80] =	vst v0  }
0x69: {  	[tilespmem:s7+$0x11A20] =	vst v0  }
.Ltmp2:
0x6a: {  	[tilespmem:s7+$0x11A30] =	vst v0;
	(pc) =	sbr.rel @p2 .LBB2_2-.Ltmp2, $4  }
0x6b: {  	[tilespmem:s7+$0x11A40] =	vst v0  }
0x6c: {  	[tilespmem:s7+$0x11A50] =	vst v0  }
0x6d: {  	[tilespmem:s7+$0x11A60] =	vst v0  }
0x6e: {  	[tilespmem:s7+$0x11A70] =	vst v0;
	s7 =	sshra.s32 s8, $0x2;
	s8 =	sadd.s32 $0x1C0, s8  }
0x6f: {  	[tilespmem:s7+$0x11A80] =	vst v0  }
0x70: {  	[tilespmem:s7+$0x11A20] =	vst v0  }
0x71: {  	[tilespmem:s7+$0x11A30] =	vst v0  }
0x72: {  	[tilespmem:s7+$0x11A40] =	vst v0  }
0x73: {  	[tilespmem:s7+$0x11A50] =	vst v0  }
0x74: {  	[tilespmem:s7+$0x11A60] =	vst v0  }
0x75: {  	[tilespmem:s7+$0x11A70] =	vst v0  }
0x76: {  	[spmem:s11] =	stream.linear.scatter [tilespmem:s21], [sflag:$0x4], $0x2300, $0x38;
	[tilespmem:$0x16080] =	vst v63  }
0x77: {  	_ =	swait.ge [sflag:s22], $0x2300  }
0x78: {  	[sflag:s22] =	ssyncset.done $0x0  }
0x79: {  	s12 =	rddreg [dreg:$0x7];
	[sflag:s22] =	ssyncadd.s32 $0xFFFFDD00  }
0x7a: {  	[spmem:s12] =	stream.linear.scatter [tilespmem:s21], [sflag:$0x4], $0x2300, $0x38;
	[tilespmem:$0x16080] =	vst v63  }
0x7b: {  	_ =	swait.ge [sflag:s22], $0x2300  }
0x7c: {  	[sflag:s22] =	ssyncset.done $0x0  }
0x7d: {  	s14 =	rddreg [dreg:$0x8];
	[sflag:s22] =	ssyncadd.s32 $0xFFFFDD00  }
0x7e: {  	[spmem:s14] =	stream.linear.scatter [tilespmem:s21], [sflag:$0x4], $0x2300, $0x38;
	[tilespmem:$0x16080] =	vst v63  }
0x7f: {  	_ =	swait.ge [sflag:s22], $0x2300  }
0x80: {  	[sflag:s22] =	ssyncset.done $0x0  }
0x81: {  	s15 =	rddreg [dreg:$0x9];
	[sflag:s22] =	ssyncadd.s32 $0xFFFFDD00  }
0x82: {  	[spmem:s15] =	stream.linear.scatter [tilespmem:s21], [sflag:$0x4], $0x2300, $0x38;
	[tilespmem:$0x16080] =	vst v63  }
0x83: {  	_ =	swait.ge [sflag:s22], $0x2300  }
0x84: {  	[sflag:s22] =	ssyncset.done $0x0  }
0x85: {  	[sflag:s22] =	ssyncadd.s32 $0xFFFFDD00  }
0x86: {  	[spmem:s16] =	stream.linear.scatter [tilespmem:s21], [sflag:$0x4], $0x2300, $0x38;
	[tilespmem:$0x16080] =	vst v63  }
0x87: {  	_ =	swait.ge [sflag:s22], $0x2300  }
0x88: {  	[sflag:s22] =	ssyncset.done $0x0  }
0x89: {  	[sflag:s22] =	ssyncadd.s32 $0xFFFFDD00  }
0x8a: {  	[spmem:s17] =	stream.linear.scatter [tilespmem:s21], [sflag:$0x4], $0x2300, $0x38;
	[tilespmem:$0x16080] =	vst v63  }
0x8b: {  	_ =	swait.ge [sflag:s22], $0x2300  }
0x8c: {  	[sflag:s22] =	ssyncset.done $0x0  }
0x8d: {  	[sflag:s22] =	ssyncadd.s32 $0xFFFFDD00  }
0x8e: {  	[spmem:s18] =	stream.linear.scatter [tilespmem:s21], [sflag:$0x4], $0x2300, $0x38;
	[tilespmem:$0x16080] =	vst v63  }
0x8f: {  	_ =	swait.ge [sflag:s22], $0x2300  }
0x90: {  	[sflag:s22] =	ssyncset.done $0x0  }
0x91: {  	[sflag:s22] =	ssyncadd.s32 $0xFFFFDD00  }
0x92: {  	[spmem:s19] =	stream.linear.scatter [tilespmem:s21], [sflag:$0x4], $0x2300, $0x38;
	[tilespmem:$0x16080] =	vst v63  }
0x93: {  	_ =	swait.ge [sflag:s22], $0x2300  }
0x94: {  	[sflag:s22] =	ssyncset.done $0x0  }
0x95: {  	[sflag:s22] =	ssyncadd.s32 $0xFFFFDD00  }
0x96: {  	[bflag:$0x0] =	sbarrier.arrive $0xFFFF  }
0x97: {  	[tilespmem:s23], [sflag:$0x4] =	stream.linear.gather [hbm4b:s6+s3], $0xA0, $0x38;
	[tilespmem:$0x16080] =	vst v63  }
0x98: {  	_ =	swait.ge [sflag:s22], $0xA0  }
0x99: {  	[sflag:s22] =	ssyncset.done $0x0  }
.Ltmp3:
0x9a: {  	s20 =	rddreg [dreg:$0x3];
	[sflag:s22] =	ssyncadd.s32 $0xFFFFFF60;
	(pc) =	sbr.rel @!p0 .LBB2_4-.Ltmp3, $4  }
0x9b: {  	[tilespmem:s24], [sflag:$0x4] =	stream.linear.gather [hbm4b:s20+s3], $0xA0, $0x38;
	[tilespmem:$0x16080] =	vst v63  }
0x9c: {  	_ =	swait.ge [sflag:s22], $0xA0  }
0x9d: {  	[sflag:s22] =	ssyncset.done $0x0  }
0x9e: {  	[sflag:s22] =	ssyncadd.s32 $0xFFFFFF60  }
0x9f: {  	[tilespmem:s21], [sflag:$0x1] =	stream.indirect.gather [hbm4b:s5+s26], $0x70, s23, s26, $0xb8;
	[tilespmem:$0x16080] =	vst v63  }
0xa0: {  	s7 =	simm.s32 $0x0  }
0xa1: {  	s8 =	rddreg [dreg:$0x4];
	s9 =	simm.s32 $0x118A0;
	s14 =	sand.u32 $0x1, s7  }
0xa2: {  	[tilespmem:s9], [sflag:$0x3] =	stream.linear.gather [hbm4b:s8+s7], $0xA0, $0x38;
	[tilespmem:$0x16080] =	vst v63  }
0xa3: {  	s15 =	rddreg [dreg:$0x5];
	s12 =	smul.u32 $0xA0, s14  }
0xa4: {  	[tilespmem:s29], [sflag:$0x3] =	stream.linear.gather [hbm4b:s15+s7], $0xA0, $0x38;
	[tilespmem:$0x16080] =	vst v63  }
0xa5: {  	s20 =	sadd.s32 $0x11850, s12  }
0xa6: {  	[tilespmem:s30], [sflag:$0x2] =	stream.indirect.gather [hbm4b:s5+s26], $0x70, s20, s26, $0xb8;
	[tilespmem:$0x16080] =	vst v63  }
0xa7: {  	_ =	swait.ge [sflag:s31], $0x2300  }
0xa8: {  	[sflag:s31] =	ssyncset.done $0x0  }
0xa9: {  	s9 =	sadd.s32 $0x11940, s12;
	[sflag:s31] =	ssyncadd.s32 $0xFFFFDD00  }
0xaa: {  	[spmem:s2] =	stream.indirect.scatter.add.f32 [tilespmem:s21], [sflag:$0x4], $0x70, s9, s26, $0xb8;
	[tilespmem:$0x16080] =	vst v63  }
0xab: {  	_ =	swait.ge [sflag:s22], $0x2300  }
0xac: {  	[sflag:s22] =	ssyncset.done $0x0  }
0xad: {  	[sflag:s22] =	ssyncadd.s32 $0xFFFFDD00  }
0xae: {  	s8 =	sshll.u32 s14, $0x1;
	_ =	swait.ge [sflag:s1], $0xA0  }
0xaf: {  	s7 =	sxor.u32 $0x2, s8;
	[sflag:s1] =	ssyncset.done $0x0  }
0xb0: {  	s7 =	smul.u32 $0x140, s7;
	[sflag:s1] =	ssyncadd.s32 $0xFFFFFF60  }
0xb1: {  	_ =	swait.ge [sflag:s1], $0xA0  }
0xb2: {  	s7 =	sshrl.u32 s7, $0x2;
	[sflag:s1] =	ssyncset.done $0x0  }
0xb3: {  	s7 =	sor.u32 $0x11800, s7;
	[sflag:s1] =	ssyncadd.s32 $0xFFFFFF60  }
0xb4: {  	[tilespmem:s21], [sflag:$0x1] =	stream.indirect.gather [hbm4b:s5+s26], $0x70, s7, s26, $0xb8;
	[tilespmem:$0x16080] =	vst v63  }
0xb5: {  	_ =	swait.ge [sflag:s28], $0x2300  }
0xb6: {  	[sflag:s28] =	ssyncset.done $0x0  }
0xb7: {  	s14 =	sadd.s32 $0x11990, s12;
	[sflag:s28] =	ssyncadd.s32 $0xFFFFDD00  }
0xb8: {  	[spmem:s2] =	stream.indirect.scatter.add.f32 [tilespmem:s30], [sflag:$0x4], $0x70, s14, s26, $0xb8;
	[tilespmem:$0x16080] =	vst v63  }
0xb9: {  	s15 =	simm.s32 $0x1;
	s12 =	sor.u32 $0x11800, s12;
	_ =	swait.ge [sflag:s22], $0x2300  }
0xba: {  	s20 =	sadd.s32 $0xFFFF63C0, s13;
	s7 =	sand.u32 $0x1, s15;
	[sflag:s22] =	ssyncset.done $0x0  }
0xbb: {  	s8 =	smul.u32 $0xA0, s7;
	s14 =	sshll.u32 s7, $0x1;
	[sflag:s22] =	ssyncadd.s32 $0xFFFFDD00  }
0xbc: {  	[tilespmem:s12], [sflag:$0x3] =	stream.linear.gather [hbm4b:s20+s3], $0xA0, $0x38;
	[tilespmem:$0x16080] =	vst v63  }
0xbd: {  	s7 =	sadd.s32 $0x14, s13;
	s12 =	simm.s32 $0x2;
	s20 =	smov.u32 s13  }
.LBB2_8:
0xbe: {  	[tilespmem:s9], [sflag:$0x3] =	stream.linear.gather [hbm4b:s20+s3], $0xA0, $0x38;
	[tilespmem:$0x16080] =	vst v63  }
0xbf: {  	s15 =	smov.u32 s12;
	s20 =	smov.u32 s7  }
0xc0: {  	p2 =	sne.s32 s12, $0x7A;
	s12 =	sadd.s32 $0x1, s12;
	s9 =	sadd.s32 $0x11850, s8  }
0xc1: {  	[tilespmem:s30], [sflag:$0x2] =	stream.indirect.gather [hbm4b:s5+s26], $0x70, s9, s26, $0xb8;
	[tilespmem:$0x16080] =	vst v63  }
0xc2: {  	_ =	swait.ge [sflag:s31], $0x2300  }
0xc3: {  	[sflag:s31] =	ssyncset.done $0x0  }
0xc4: {  	s9 =	sadd.s32 $0x11940, s8;
	[sflag:s31] =	ssyncadd.s32 $0xFFFFDD00  }
0xc5: {  	[spmem:s2] =	stream.indirect.scatter.add.f32 [tilespmem:s21], [sflag:$0x4], $0x70, s9, s26, $0xb8;
	[tilespmem:$0x16080] =	vst v63  }
0xc6: {  	_ =	swait.ge [sflag:s22], $0x2300  }
0xc7: {  	[sflag:s22] =	ssyncset.done $0x0  }
0xc8: {  	[sflag:s22] =	ssyncadd.s32 $0xFFFFDD00  }
0xc9: {  	_ =	swait.ge [sflag:s1], $0xA0  }
0xca: {  	s14 =	sxor.u32 $0x2, s14;
	[sflag:s1] =	ssyncset.done $0x0  }
0xcb: {  	s14 =	smul.u32 $0x140, s14;
	[sflag:s1] =	ssyncadd.s32 $0xFFFFFF60  }
0xcc: {  	_ =	swait.ge [sflag:s1], $0xA0  }
0xcd: {  	s14 =	sshrl.u32 s14, $0x2;
	[sflag:s1] =	ssyncset.done $0x0  }
0xce: {  	s14 =	sor.u32 $0x11800, s14;
	[sflag:s1] =	ssyncadd.s32 $0xFFFFFF60  }
0xcf: {  	[tilespmem:s21], [sflag:$0x1] =	stream.indirect.gather [hbm4b:s5+s26], $0x70, s14, s26, $0xb8;
	[tilespmem:$0x16080] =	vst v63  }
0xd0: {  	_ =	swait.ge [sflag:s28], $0x2300  }
0xd1: {  	[sflag:s28] =	ssyncset.done $0x0  }
0xd2: {  	s14 =	sadd.s32 $0x11990, s8;
	[sflag:s28] =	ssyncadd.s32 $0xFFFFDD00  }
0xd3: {  	[spmem:s2] =	stream.indirect.scatter.add.f32 [tilespmem:s30], [sflag:$0x4], $0x70, s14, s26, $0xb8;
	[tilespmem:$0x16080] =	vst v63  }
.Ltmp4:
0xd4: {  	_ =	swait.ge [sflag:s22], $0x2300;
	(pc) =	sbr.rel @p2 .LBB2_8-.Ltmp4, $4  }
0xd5: {  	s14 =	sadd.s32 $0xFFFF63C0, s7;
	[sflag:s22] =	ssyncset.done $0x0  }
0xd6: {  	s15 =	sand.u32 $0x1, s15;
	s8 =	sor.u32 $0x11800, s8;
	[sflag:s22] =	ssyncadd.s32 $0xFFFFDD00  }
0xd7: {  	[tilespmem:s8], [sflag:$0x3] =	stream.linear.gather [hbm4b:s14+s3], $0xA0, $0x38;
	[tilespmem:$0x16080] =	vst v63  }
0xd8: {  	s7 =	sadd.s32 $0x14, s7;
	s8 =	smul.u32 $0xA0, s15;
	s14 =	sshll.u32 s15, $0x1  }
0xd9: {  	[tilespmem:s9], [sflag:$0x3] =	stream.linear.gather [hbm4b:s20+s3], $0xA0, $0x38;
	[tilespmem:$0x16080] =	vst v63  }
0xda: {  	s12 =	sadd.s32 $0x11850, s8  }
0xdb: {  	[tilespmem:s30], [sflag:$0x2] =	stream.indirect.gather [hbm4b:s5+s26], $0x70, s12, s26, $0xb8;
	[tilespmem:$0x16080] =	vst v63  }
0xdc: {  	_ =	swait.ge [sflag:s31], $0x2300  }
0xdd: {  	[sflag:s31] =	ssyncset.done $0x0  }
0xde: {  	s9 =	sadd.s32 $0x11940, s8;
	[sflag:s31] =	ssyncadd.s32 $0xFFFFDD00  }
0xdf: {  	[spmem:s2] =	stream.indirect.scatter.add.f32 [tilespmem:s21], [sflag:$0x4], $0x70, s9, s26, $0xb8;
	[tilespmem:$0x16080] =	vst v63  }
0xe0: {  	_ =	swait.ge [sflag:s22], $0x2300  }
0xe1: {  	[sflag:s22] =	ssyncset.done $0x0  }
0xe2: {  	[sflag:s22] =	ssyncadd.s32 $0xFFFFDD00  }
0xe3: {  	_ =	swait.ge [sflag:s1], $0xA0  }
0xe4: {  	s12 =	sxor.u32 $0x2, s14;
	[sflag:s1] =	ssyncset.done $0x0  }
0xe5: {  	s12 =	smul.u32 $0x140, s12;
	[sflag:s1] =	ssyncadd.s32 $0xFFFFFF60  }
0xe6: {  	_ =	swait.ge [sflag:s1], $0xA0  }
0xe7: {  	s12 =	sshrl.u32 s12, $0x2;
	[sflag:s1] =	ssyncset.done $0x0  }
0xe8: {  	s12 =	sor.u32 $0x11800, s12;
	[sflag:s1] =	ssyncadd.s32 $0xFFFFFF60  }
0xe9: {  	[tilespmem:s21], [sflag:$0x1] =	stream.indirect.gather [hbm4b:s5+s26], $0x70, s12, s26, $0xb8;
	[tilespmem:$0x16080] =	vst v63  }
0xea: {  	_ =	swait.ge [sflag:s28], $0x2300  }
0xeb: {  	[sflag:s28] =	ssyncset.done $0x0  }
0xec: {  	s14 =	sadd.s32 $0x11990, s8;
	[sflag:s28] =	ssyncadd.s32 $0xFFFFDD00  }
0xed: {  	[spmem:s2] =	stream.indirect.scatter.add.f32 [tilespmem:s30], [sflag:$0x4], $0x70, s14, s26, $0xb8;
	[tilespmem:$0x16080] =	vst v63  }
0xee: {  	_ =	swait.ge [sflag:s22], $0x2300  }
0xef: {  	[sflag:s22] =	ssyncset.done $0x0  }
0xf0: {  	s15 =	sadd.s32 $0xFFFF63C0, s7;
	s20 =	sor.u32 $0x11800, s8;
	[sflag:s22] =	ssyncadd.s32 $0xFFFFDD00  }
0xf1: {  	[tilespmem:s20], [sflag:$0x3] =	stream.linear.gather [hbm4b:s15+s3], $0xA0, $0x38;
	[tilespmem:$0x16080] =	vst v63  }
0xf2: {  	_ = 	snop  }
0xf3: {  	[tilespmem:s9], [sflag:$0x3] =	stream.linear.gather [hbm4b:s7+s3], $0xA0, $0x38;
	[tilespmem:$0x16080] =	vst v63  }
0xf4: {  	s14 =	simm.s32 $0x118F0  }
0xf5: {  	[tilespmem:s30], [sflag:$0x2] =	stream.indirect.gather [hbm4b:s5+s26], $0x70, s14, s26, $0xb8;
	[tilespmem:$0x16080] =	vst v63  }
0xf6: {  	_ =	swait.ge [sflag:s31], $0x2300  }
0xf7: {  	[sflag:s31] =	ssyncset.done $0x0  }
0xf8: {  	[sflag:s31] =	ssyncadd.s32 $0xFFFFDD00  }
0xf9: {  	[spmem:s2] =	stream.indirect.scatter.add.f32 [tilespmem:s21], [sflag:$0x4], $0x70, s29, s26, $0xb8;
	[tilespmem:$0x16080] =	vst v63  }
0xfa: {  	_ =	swait.ge [sflag:s22], $0x2300  }
0xfb: {  	[sflag:s22] =	ssyncset.done $0x0  }
0xfc: {  	[sflag:s22] =	ssyncadd.s32 $0xFFFFDD00  }
0xfd: {  	_ =	swait.ge [sflag:s1], $0xA0  }
0xfe: {  	[sflag:s1] =	ssyncset.done $0x0  }
0xff: {  	[sflag:s1] =	ssyncadd.s32 $0xFFFFFF60  }
0x100: {  	_ =	swait.ge [sflag:s1], $0xA0  }
0x101: {  	[sflag:s1] =	ssyncset.done $0x0  }
0x102: {  	[sflag:s1] =	ssyncadd.s32 $0xFFFFFF60  }
0x103: {  	[tilespmem:s21], [sflag:$0x1] =	stream.indirect.gather [hbm4b:s5+s26], $0x70, s23, s26, $0xb8;
	[tilespmem:$0x16080] =	vst v63  }
0x104: {  	_ =	swait.ge [sflag:s28], $0x2300  }
0x105: {  	[sflag:s28] =	ssyncset.done $0x0  }
0x106: {  	s15 =	simm.s32 $0x11A30;
	[sflag:s28] =	ssyncadd.s32 $0xFFFFDD00  }
0x107: {  	[spmem:s2] =	stream.indirect.scatter.add.f32 [tilespmem:s30], [sflag:$0x4], $0x70, s15, s26, $0xb8;
	[tilespmem:$0x16080] =	vst v63  }
.Ltmp5:
0x108: {  	_ = 	snop;
	(pc) =	sbr.rel .LBB2_10-.Ltmp5, $4  }
0x109: {  	_ =	swait.ge [sflag:s22], $0x2300  }
0x10a: {  	[sflag:s22] =	ssyncset.done $0x0  }
0x10b: {  	s20 =	simm.s32 $0x11850;
	[sflag:s22] =	ssyncadd.s32 $0xFFFFDD00  }
0x10c: {  	[tilespmem:s30], [sflag:$0x2] =	stream.indirect.gather [hbm4b:s5+s26], $0x70, s20, s26, $0xb8;
	[tilespmem:$0x16080] =	vst v63  }
.LBB2_4:
0x10d: {  	[tilespmem:s21], [sflag:$0x1] =	stream.indirect.gather [hbm4b:s4+s26], $0x70, s23, s26, $0xb8;
	[tilespmem:$0x16080] =	vst v63  }
0x10e: {  	s7 =	simm.s32 $0x0  }
0x10f: {  	s8 =	rddreg [dreg:$0x4];
	s9 =	simm.s32 $0x118A0;
	s14 =	sand.u32 $0x1, s7  }
0x110: {  	[tilespmem:s9], [sflag:$0x3] =	stream.linear.gather [hbm4b:s8+s7], $0xA0, $0x38;
	[tilespmem:$0x16080] =	vst v63  }
0x111: {  	s15 =	rddreg [dreg:$0x5];
	s12 =	smul.u32 $0xA0, s14  }
0x112: {  	[tilespmem:s29], [sflag:$0x3] =	stream.linear.gather [hbm4b:s15+s7], $0xA0, $0x38;
	[tilespmem:$0x16080] =	vst v63  }
0x113: {  	s20 =	sadd.s32 $0x11850, s12  }
0x114: {  	[tilespmem:s30], [sflag:$0x2] =	stream.indirect.gather [hbm4b:s4+s26], $0x70, s20, s26, $0xb8;
	[tilespmem:$0x16080] =	vst v63  }
0x115: {  	_ =	swait.ge [sflag:s31], $0x2300  }
0x116: {  	[sflag:s31] =	ssyncset.done $0x0  }
0x117: {  	s9 =	sadd.s32 $0x11940, s12;
	[sflag:s31] =	ssyncadd.s32 $0xFFFFDD00  }
0x118: {  	[spmem:s2] =	stream.indirect.scatter.add.f32 [tilespmem:s21], [sflag:$0x4], $0x70, s9, s26, $0xb8;
	[tilespmem:$0x16080] =	vst v63  }
0x119: {  	_ =	swait.ge [sflag:s22], $0x2300  }
0x11a: {  	[sflag:s22] =	ssyncset.done $0x0  }
0x11b: {  	[sflag:s22] =	ssyncadd.s32 $0xFFFFDD00  }
0x11c: {  	s8 =	sshll.u32 s14, $0x1;
	_ =	swait.ge [sflag:s1], $0xA0  }
0x11d: {  	s7 =	sxor.u32 $0x2, s8;
	[sflag:s1] =	ssyncset.done $0x0  }
0x11e: {  	s7 =	smul.u32 $0x140, s7;
	[sflag:s1] =	ssyncadd.s32 $0xFFFFFF60  }
0x11f: {  	_ =	swait.ge [sflag:s1], $0xA0  }
0x120: {  	s7 =	sshrl.u32 s7, $0x2;
	[sflag:s1] =	ssyncset.done $0x0  }
0x121: {  	s7 =	sor.u32 $0x11800, s7;
	[sflag:s1] =	ssyncadd.s32 $0xFFFFFF60  }
0x122: {  	[tilespmem:s21], [sflag:$0x1] =	stream.indirect.gather [hbm4b:s4+s26], $0x70, s7, s26, $0xb8;
	[tilespmem:$0x16080] =	vst v63  }
0x123: {  	_ =	swait.ge [sflag:s28], $0x2300  }
0x124: {  	[sflag:s28] =	ssyncset.done $0x0  }
0x125: {  	s14 =	sadd.s32 $0x11990, s12;
	[sflag:s28] =	ssyncadd.s32 $0xFFFFDD00  }
0x126: {  	[spmem:s2] =	stream.indirect.scatter.add.f32 [tilespmem:s30], [sflag:$0x4], $0x70, s14, s26, $0xb8;
	[tilespmem:$0x16080] =	vst v63  }
0x127: {  	s15 =	simm.s32 $0x1;
	s12 =	sor.u32 $0x11800, s12;
	_ =	swait.ge [sflag:s22], $0x2300  }
0x128: {  	s20 =	sadd.s32 $0xFFFF63C0, s13;
	s7 =	sand.u32 $0x1, s15;
	[sflag:s22] =	ssyncset.done $0x0  }
0x129: {  	s8 =	smul.u32 $0xA0, s7;
	s14 =	sshll.u32 s7, $0x1;
	[sflag:s22] =	ssyncadd.s32 $0xFFFFDD00  }
0x12a: {  	[tilespmem:s12], [sflag:$0x3] =	stream.linear.gather [hbm4b:s20+s3], $0xA0, $0x38;
	[tilespmem:$0x16080] =	vst v63  }
0x12b: {  	s7 =	sadd.s32 $0x14, s13;
	s12 =	simm.s32 $0x2;
	s20 =	smov.u32 s13  }
.LBB2_5:
0x12c: {  	[tilespmem:s9], [sflag:$0x3] =	stream.linear.gather [hbm4b:s20+s3], $0xA0, $0x38;
	[tilespmem:$0x16080] =	vst v63  }
0x12d: {  	s15 =	smov.u32 s12;
	s20 =	smov.u32 s7  }
0x12e: {  	p2 =	seq.s32 s12, $0x7A;
	s12 =	sadd.s32 $0x1, s12;
	s9 =	sadd.s32 $0x11850, s8  }
0x12f: {  	[tilespmem:s30], [sflag:$0x2] =	stream.indirect.gather [hbm4b:s4+s26], $0x70, s9, s26, $0xb8;
	[tilespmem:$0x16080] =	vst v63  }
0x130: {  	_ =	swait.ge [sflag:s31], $0x2300  }
0x131: {  	[sflag:s31] =	ssyncset.done $0x0  }
0x132: {  	s9 =	sadd.s32 $0x11940, s8;
	[sflag:s31] =	ssyncadd.s32 $0xFFFFDD00  }
0x133: {  	[spmem:s2] =	stream.indirect.scatter.add.f32 [tilespmem:s21], [sflag:$0x4], $0x70, s9, s26, $0xb8;
	[tilespmem:$0x16080] =	vst v63  }
0x134: {  	_ =	swait.ge [sflag:s22], $0x2300  }
0x135: {  	[sflag:s22] =	ssyncset.done $0x0  }
0x136: {  	[sflag:s22] =	ssyncadd.s32 $0xFFFFDD00  }
0x137: {  	_ =	swait.ge [sflag:s1], $0xA0  }
0x138: {  	s14 =	sxor.u32 $0x2, s14;
	[sflag:s1] =	ssyncset.done $0x0  }
0x139: {  	s14 =	smul.u32 $0x140, s14;
	[sflag:s1] =	ssyncadd.s32 $0xFFFFFF60  }
0x13a: {  	_ =	swait.ge [sflag:s1], $0xA0  }
0x13b: {  	s14 =	sshrl.u32 s14, $0x2;
	[sflag:s1] =	ssyncset.done $0x0  }
0x13c: {  	s14 =	sor.u32 $0x11800, s14;
	[sflag:s1] =	ssyncadd.s32 $0xFFFFFF60  }
0x13d: {  	[tilespmem:s21], [sflag:$0x1] =	stream.indirect.gather [hbm4b:s4+s26], $0x70, s14, s26, $0xb8;
	[tilespmem:$0x16080] =	vst v63  }
0x13e: {  	_ =	swait.ge [sflag:s28], $0x2300  }
0x13f: {  	[sflag:s28] =	ssyncset.done $0x0  }
0x140: {  	s14 =	sadd.s32 $0x11990, s8;
	[sflag:s28] =	ssyncadd.s32 $0xFFFFDD00  }
0x141: {  	[spmem:s2] =	stream.indirect.scatter.add.f32 [tilespmem:s30], [sflag:$0x4], $0x70, s14, s26, $0xb8;
	[tilespmem:$0x16080] =	vst v63  }
.Ltmp6:
0x142: {  	_ =	swait.ge [sflag:s22], $0x2300;
	(pc) =	sbr.rel @!p2 .LBB2_5-.Ltmp6, $4  }
0x143: {  	s14 =	sadd.s32 $0xFFFF63C0, s7;
	[sflag:s22] =	ssyncset.done $0x0  }
0x144: {  	s15 =	sand.u32 $0x1, s15;
	s8 =	sor.u32 $0x11800, s8;
	[sflag:s22] =	ssyncadd.s32 $0xFFFFDD00  }
0x145: {  	[tilespmem:s8], [sflag:$0x3] =	stream.linear.gather [hbm4b:s14+s3], $0xA0, $0x38;
	[tilespmem:$0x16080] =	vst v63  }
0x146: {  	s7 =	sadd.s32 $0x14, s7;
	s8 =	smul.u32 $0xA0, s15;
	s14 =	sshll.u32 s15, $0x1  }
.Ltmp7:
0x147: {  	_ = 	snop;
	(pc) =	sbr.rel .LBB2_6-.Ltmp7, $1  }
0x148: {  	_ =	sdelay $0x3  }
.LBB2_11:
0x149: {  	_ =	sfence.sel $0x180000  }
0x14a: {  	[bflag:$0x0] =	sbarrier.arrive $0xFFFF  }
0x14b: {  	_ =	strace $0x9000004D  }
0x14c: {  	s0 =	stileid.u32;
	[bflag:$0x2] =	sbarrier.arrive $0xFFFF  }
0x14d: {  	p0 =	sne.s32 s0, $0x0;
	s0 =	rddreg [dreg:$0x2]  }
0x14e: {  	s0 =	sadd.s32 @!p0 $0x100000, s0  }
0x14f: {  	[sflag:s0] =	ssyncadd.tile.s32 @!p0 $0x1;
	_ =	shalt  }
.Lfunc_end2:
_tile_overlayer_lowered:
.L_overlay_start_2:
0x150: {  	(tag) =	ssettag $0x2  }
0x151: {  	s0 =	rddreg [dreg:$0x0];
	s2 =	stileid.u32  }
0x152: {  	s1 =	rddreg [dreg:$0x1];
	p0 =	sne.s32 s2, $0x0  }
0x153: {  	s3 =	rddreg [dreg:$0x2];
	[bflag:$0x3] =	sbarrier.arrive $0xFFFF;
	s2 =	simm.s32 @!p0 $0x1C04  }
0x154: {  	[timem:s3], [sflag:s2] =	dma.local @!p0 [hbm:s0], s1  }
0x155: {  	s0 =	simm.s32 @!p0 $0x4  }
0x156: {  	_ =	swait.ge @!p0 [sflag:s0], s1  }
0x157: {  	s1 =	ssub.s32 @!p0 $0x0, s1;
	[sflag:s0] =	ssyncset.done @!p0 $0x0  }
0x158: {  	[sflag:s0] =	ssyncadd.s32 @!p0 s1  }
0x159: {  	[bflag:$0x3] =	sbarrier.arrive $0xFFFF  }
0x15a: {  	_ =	shalt  }

// kernel: _run.9.cloned.1.call-start
scs
__scs_entry_jumppad:
0x0: {  	(pc) =	sbr.rel $0x88, $3  }
0x1: {  	(tag) =	ssettag $0x0;
	lr =	simm.s32 $0x1  }
0x2: {  	[smem:$0x3F93] =	sst lr;
	_ =	strace $0xD0000000  }
0x3: {  	_ = 	snop  }
0x4: {  	_ = 	snop  }
0x5: {  	_ = 	snop  }
0x6: {  	_ = 	snop  }
0x7: {  	_ = 	snop  }
__scs_overlays_trampoline_lowered:
0x8: {  	[smem:$0x3FA2] =	sst s0  }
0x9: {  	[smem:$0x3FA3] =	sst s1  }
0xa: {  	[smem:$0x3FA4] =	sst s2  }
0xb: {  	[smem:$0x3FA5] =	sst s3  }
0xc: {  	[smem:$0x3FA6] =	sst s4  }
0xd: {  	[smem:$0x3FA7] =	sst s5  }
0xe: {  	[smem:$0x3FA8] =	sst s6  }
0xf: {  	[smem:$0x3FA9] =	sst s7  }
0x10: {  	[smem:$0x3FAA] =	sst s8  }
0x11: {  	[smem:$0x3FAB] =	sst s9;
	s0 =	simm.s32 @!p0 $0x0  }
0x12: {  	s1 =	sld [smem:$0x3F91];
	s0 =	simm.s32 @p0 $0x1  }
0x13: {  	[smem:$0x3FAC] =	sst s0;
	s0 =	simm.s32 @!p1 $0x0  }
0x14: {  	s2 =	sld [smem:$0x3F90];
	s0 =	simm.s32 @p1 $0x1  }
0x15: {  	[smem:$0x3FAD] =	sst s0;
	s0 =	simm.s32 @!p2 $0x0  }
0x16: {  	s3 =	sld [smem:$0x3FDB];
	s0 =	simm.s32 @p2 $0x1  }
0x17: {  	s4 =	simm.s32 $0x1BF5;
	[smem:$0x3FAF] =	sst s0  }
0x18: {  	s0 =	sld [smem:$0x3F92];
	_ =	swait.ge [sflag:s4], $0x0  }
0x19: {  	s7 =	sld [smem:$0x3F93]  }
0x1a: {  	s8 =	sadd.s32 $0xFFFFE003, lr  }
0x1b: {  	s9 =	sadd.s32 $0xFFFFFEF7, lr;
	s5 =	simm.s32 $0xFFFFFFFF;
	p2 =	slt.u32 s8, $0xFFFFF086  }
0x1c: {  	p1 =	slt.u32 s9, $0xF7A;
	s5 =	simm.s32 @!p2 $0x0  }
0x1d: {  	s5 =	simm.s32 @p1 $0x1;
	p0 =	seq.s32 s7, s2  }
0x1e: {  	s7 =	smul.u32 @!p0 $0xF7A, s2;
	p2 =	seq.s32 @!p0 s5, $0x0  }
0x1f: {  	s9 =	smul.u32 $0xF7A, s1;
	s8 =	simm.s32 @!p0 $0x1BF5;
	p2 =	por !p2, p0  }
0x20: {  	[sflag:s8] =	ssyncset.s32 @!p0 $0xFFFFF086;
	s6 =	sadd.s32 @!p0 s3, s7;
	s7 =	simm.s32 @!p0 $0x108  }
0x21: {  	s3 =	sadd.s32 s3, s9;
	s6 =	sadd.s32 @!p0 $0x88, s6;
	s7 =	simm.s32 @p2 $0x1082  }
0x22: {  	[simem:s7], [sflag:s8] =	dma.local @!p0 [hbm:s6], $0xF7A  }
0x23: {  	s9 =	sor.u32 $0xD0000000, s2;
	s6 =	simm.s32 $0x108;
	_ =	swait.ge @!p0 [sflag:s8], $0x0  }
0x24: {  	s3 =	sadd.s32 $0x88, s3;
	s6 =	simm.s32 @!p1 $0x1082;
	[sflag:s4] =	ssyncset.s32 $0xFFFFF086  }
0x25: {  	[simem:s6], [sflag:s4] =	dma.local [hbm:s3], $0xF7A  }
0x26: {  	[smem:$0x3F93] =	sst s1;
	(tag) =	ssettag s2;
	_ =	strace s9  }
0x27: {  	s1 =	sld [smem:$0x3FA3]  }
0x28: {  	s2 =	sld [smem:$0x3FA4]  }
0x29: {  	s4 =	sld [smem:$0x3FA6]  }
0x2a: {  	p0 =	seq.s32 s5, $0x0;
	s5 =	sld [smem:$0x3FA7]  }
0x2b: {  	s6 =	sld [smem:$0x3FA8]  }
0x2c: {  	s7 =	sld [smem:$0x3FA9]  }
0x2d: {  	s3 =	simm.s32 $0x108;
	s8 =	sld [smem:$0x3FAA]  }
0x2e: {  	s3 =	simm.s32 @!p0 $0x1082;
	s9 =	sld [smem:$0x3FAB]  }
0x2f: {  	lr =	sadd.s32 s0, s3;
	s0 =	sld [smem:$0x3FA2]  }
0x30: {  	s3 =	sld [smem:$0x3FA5]  }
0x31: {  	[smem:$0x3FAE] =	sst s10  }
0x32: {  	s10 =	sld [smem:$0x3FAC];
	_ =	sdelay $0x3  }
0x33: {  	p0 =	seq.s32 s10, $0x1;
	s10 =	sld [smem:$0x3FAE];
	_ =	sdelay $0x3  }
0x34: {  	[smem:$0x3FAE] =	sst s10  }
0x35: {  	s10 =	sld [smem:$0x3FAD];
	_ =	sdelay $0x3  }
0x36: {  	p1 =	seq.s32 s10, $0x1;
	s10 =	sld [smem:$0x3FAE];
	_ =	sdelay $0x3  }
0x37: {  	[smem:$0x3FAE] =	sst s10  }
0x38: {  	s10 =	sld [smem:$0x3FAF]  }
0x39: {  	_ = 	snop;
	(pc) =	sbr.ind lr, $3  }
0x3a: {  	_ = 	snop  }
0x3b: {  	_ = 	snop  }
0x3c: {  	p2 =	seq.s32 s10, $0x1;
	s10 =	sld [smem:$0x3FAE]  }
0x3d: {  	_ =	shalt  }
0x3e: {  	_ =	shalt  }
0x3f: {  	_ =	shalt  }
0x40: {  	_ =	shalt  }
0x41: {  	_ =	shalt  }
0x42: {  	_ =	shalt  }
0x43: {  	_ =	shalt  }
0x44: {  	_ =	shalt  }
0x45: {  	_ =	shalt  }
0x46: {  	_ =	shalt  }
0x47: {  	_ =	shalt  }
0x48: {  	_ =	shalt  }
0x49: {  	_ =	shalt  }
0x4a: {  	_ =	shalt  }
0x4b: {  	_ =	shalt  }
0x4c: {  	_ =	shalt  }
0x4d: {  	_ =	shalt  }
0x4e: {  	_ =	shalt  }
0x4f: {  	_ =	shalt  }
0x50: {  	_ =	shalt  }
0x51: {  	_ =	shalt  }
0x52: {  	_ =	shalt  }
0x53: {  	_ =	shalt  }
0x54: {  	_ =	shalt  }
0x55: {  	_ =	shalt  }
0x56: {  	_ =	shalt  }
0x57: {  	_ =	shalt  }
0x58: {  	_ =	shalt  }
0x59: {  	_ =	shalt  }
0x5a: {  	_ =	shalt  }
0x5b: {  	_ =	shalt  }
0x5c: {  	_ =	shalt  }
0x5d: {  	_ =	shalt  }
0x5e: {  	_ =	shalt  }
0x5f: {  	_ =	shalt  }
0x60: {  	_ =	shalt  }
0x61: {  	_ =	shalt  }
0x62: {  	_ =	shalt  }
0x63: {  	_ =	shalt  }
0x64: {  	_ =	shalt  }
0x65: {  	_ =	shalt  }
0x66: {  	_ =	shalt  }
0x67: {  	_ =	shalt  }
0x68: {  	_ =	shalt  }
0x69: {  	_ =	shalt  }
0x6a: {  	_ =	shalt  }
0x6b: {  	_ =	shalt  }
0x6c: {  	_ =	shalt  }
0x6d: {  	_ =	shalt  }
0x6e: {  	_ =	shalt  }
0x6f: {  	_ =	shalt  }
0x70: {  	_ =	shalt  }
0x71: {  	_ =	shalt  }
0x72: {  	_ =	shalt  }
0x73: {  	_ =	shalt  }
0x74: {  	_ =	shalt  }
0x75: {  	_ =	shalt  }
0x76: {  	_ =	shalt  }
0x77: {  	_ =	shalt  }
0x78: {  	_ =	shalt  }
0x79: {  	_ =	shalt  }
0x7a: {  	_ =	shalt  }
0x7b: {  	_ =	shalt  }
0x7c: {  	_ =	shalt  }
0x7d: {  	_ =	shalt  }
0x7e: {  	_ =	shalt  }
0x7f: {  	_ =	shalt  }
0x80: {  	_ =	shalt  }
0x81: {  	_ =	shalt  }
0x82: {  	_ =	shalt  }
0x83: {  	_ =	shalt  }
0x84: {  	_ =	shalt  }
0x85: {  	_ =	shalt  }
0x86: {  	_ =	shalt  }
0x87: {  	_ =	shalt  }
.Lfunc_end0:
.L_simem_size_0:
called_computation_lowered:
.L_overlay_start_0:
0x88: {  	s2 =	sld [smem:$0x3FD9]  }
0x89: {  	s3 =	sld [smem:$0x3FFE];
	_ =	sdelay $0x1  }
0x8a: {  	s1 =	srdreg.scid  }
0x8b: {  	s0 =	sand.u32 $0x1, s1  }
0x8c: {  	s17 =	sshll.u32 s0, $0xA;
	s2 =	sadd.s32 s3, s2  }
0x8d: {  	s2 =	sadd.s32 s2, s17  }
0x8e: {  	[smem:$0x3FBA] =	sst s2  }
0x8f: {  	_ = 	snop  }
0x90: {  	(tm) =	ssettm $0x1  }
0x91: {  	s18 =	sld [smem:$0x3FFB];
	_ =	sdelay $0x3  }
0x92: {  	_ =	strace s18  }
0x93: {  	s2 =	sld [smem:$0x3FFC];
	_ =	sdelay $0x3  }
0x94: {  	_ =	strace s2  }
0x95: {  	s2 =	sld [smem:$0x3FFD];
	_ =	sdelay $0x3  }
0x96: {  	_ =	strace s2  }
0x97: {  	_ =	strace $0x8FFFFFFF  }
0x98: {  	s19 =	sld [smem:$0x3FDB];
	_ =	sdelay $0x1  }
0x99: {  	s20 =	simm.s32 $_scs_section_size  }
0x9a: {  	s4 =	simm.s32 $_size__tile_overlayer_lowered;
	s5 =	simm.s32 $_tile_overlayer_lowered  }
0x9b: {  	s6 =	simm.s32 $0x1BFF;
	s21 =	sshll.u32 s5, $0x1;
	s3 =	sadd.s32 s20, s19  }
0x9c: {  	s22 =	simm.s32 $0x0;
	s4 =	sshll.u32 s4, $0x1;
	s5 =	sadd.s32 s21, s3  }
0x9d: {  	[timem:s22], [sflag:s6] =	dma.local [hbm:s5], s4  }
0x9e: {  	_ =	swait.ge [sflag:s6], s4  }
0x9f: {  	s4 =	ssub.s32 $0x0, s4;
	[sflag:s6] =	ssyncset.done $0x0  }
0xa0: {  	[sflag:s6] =	ssyncadd.s32 s4;
	_ =	sdelay $0x1  }
0xa1: {  	s23 =	simm.s32 $0x1B8B  }
0xa2: {  	_ =	swait.ge [sflag:s23], $0x1  }
0xa3: {  	[sflag:s23] =	ssyncset.done $0x0  }
0xa4: {  	[sflag:s23] =	ssyncadd.s32 $0xFFFFFFFF  }
0xa5: {  	s4 =	sld [smem:$0x0]  }
0xa6: {  	s5 =	sand.u32 $0xFFFFFFFE, s1  }
0xa7: {  	p0 =	sne.s32 s1, s5  }
0xa8: {  	s5 =	sshll.u32 @p0 s5, $0xE  }
0xa9: {  	s5 =	sadd.s32 @p0 $0x11B8D, s5;
	s6 =	sshll.u32 @p0 s4, $0x11  }
0xaa: {  	s5 =	sor.u32 @p0 s6, s5  }
0xab: {  	[sflag:s5] =	ssyncadd.remote.s32 @p0 $0x1;
	_ =	sdelay $0x1  }
0xac: {  	s5 =	simm.s32 @p0 $0x1B8D  }
0xad: {  	_ =	swait.eq @p0 [sflag:s5], $0x1  }
0xae: {  	[sflag:s5] =	ssyncadd.s32 @p0 $0xFFFFFFFF  }
0xaf: {  	s6 =	sshll.u32 @!p0 s1, $0xE  }
0xb0: {  	s6 =	sor.u32 @!p0 $0x4000, s6;
	s5 =	simm.s32 @!p0 $0x1B8D  }
0xb1: {  	s4 =	sshll.u32 @!p0 s4, $0x11;
	s6 =	sadd.s32 @!p0 $0x11B8D, s6;
	_ =	swait.eq @!p0 [sflag:s5], $0x1  }
0xb2: {  	s4 =	sor.u32 @!p0 s4, s6;
	[sflag:s5] =	ssyncadd.s32 @!p0 $0xFFFFFFFF  }
0xb3: {  	s25 =	simm.s32 $0x1B8E;
	s24 =	sld [smem:$0x3FFE];
	[sflag:s4] =	ssyncadd.remote.s32 @!p0 $0x1  }
0xb4: {  	s26 =	simm.s32 $execute0_lowered;
	[smem:$0x3FD2] =	sst s25  }
0xb5: {  	s5 =	sshll.u32 s26, $0x1;
	_ =	strace $0x80000049;
	[dreg:$0x1] =	wrdreg $0xFFFFFFFF  }
0xb6: {  	s28 =	simm.s32 $_size_execute0_lowered;
	s3 =	sadd.s32 s3, s5;
	[dreg:$0x0] =	wrdreg $0x0  }
0xb7: {  	s5 =	sshll.u32 s28, $0x1;
	[dreg:$0x2] =	wrdreg s3  }
0xb8: {  	[dreg:$0x3] =	wrdreg s5  }
0xb9: {  	[dreg:$0x4] =	wrdreg $0xC0  }
0xba: {  	_ =	task [dreg:s22], $0x5FFFF  }
0xbb: {  	[dreg:$0x1] =	wrdreg $0xFFFFFFFF  }
0xbc: {  	[dreg:$0x0] =	wrdreg $0x60  }
0xbd: {  	[dreg:$0x2] =	wrdreg s24  }
0xbe: {  	[dreg:$0x3] =	wrdreg $0x0  }
0xbf: {  	[dreg:$0x4] =	wrdreg $0x9  }
0xc0: {  	_ =	task.clear_ibuf [dreg:s22], $0x5FFFF;
	_ =	strace $0x90000049  }
0xc1: {  	s29 =	simm.s32 $0x9;
	_ =	strace $0x8000004B  }
0xc2: {  	_ =	swait.ge [sflag:s29], $0x1  }
0xc3: {  	[sflag:s29] =	ssyncadd.s32 $0xFFFFFFFF  }
0xc4: {  	_ =	strace $0x9000004B  }
0xc5: {  	_ =	sfence  }
0xc6: {  	s30 =	sld [smem:$0x0];
	_ =	sdelay $0x2  }
0xc7: {  	s31 =	sshll.u32 s1, $0xD;
	s1 =	sshrl.u32 s1, $0x2  }
0xc8: {  	s4 =	sand.u32 $0x4000, s31;
	s1 =	sadd.s32 s1, s30  }
0xc9: {  	s0 =	sor.u32 s4, s0;
	s1 =	sshll.u32 s1, $0x11  }
0xca: {  	s0 =	sor.u32 s1, s0  }
0xcb: {  	s0 =	sadd.s32 $0x8F2B, s0  }
0xcc: {  	[sflag:s0] =	ssyncadd.remote.s32 $0x1  }
0xcd: {  	_ =	sfence.sel $0xFFFF  }
0xce: {  	[dreg:$0x0] =	wrdreg $0xFFFFFFFF;
	(pc) =	sbr.abs _section_cstart, $3  }
0xcf: {  	[dreg:$0x1] =	wrdreg $0xFFFFFFFF  }
0xd0: {  	_ =	task.clear_ibuf [dreg:s22], $0x2FFFF;
	_ =	strace $0x9FFFFFFF  }
0xd1: {  	(tm) =	ssettm $0x7FFFFFFF  }
tec
execute0_lowered:
.L_overlay_start_1:
0x0: {  	(tag) =	ssettag $0x1  }
0x1: {  	s1 =	srdreg.scid;
	s4 =	rddreg [dreg:$0x0]  }
0x2: {  	s0 =	stileid.u32;
	s2 =	rddreg [dreg:$0x1]  }
0x3: {  	s3 =	simm.s32 $0x0;
	s15 =	simm.s32 $0x2D00;
	s16 =	simm.s32 $0x2  }
0x4: {  	s17 =	simm.s32 $0x3200;
	s18 =	simm.s32 $0x50;
	s19 =	simm.s32 $0x2800  }
0x5: {  	s5 =	sand.u32 $0x1, s1;
	s6 =	smul.u32 $0x280, s0;
	s1 =	rddreg [dreg:$0x2]  }
0x6: {  	s20 =	simm.s32 $0x1;
	[smem:$0x7FF] =	sst s3;
	s30 =	smul.u32 $0xA000, s0  }
0x7: {  	s21 =	sadd.s32 $0x25800, s2;
	p0 =	seq.s32 s0, $0xF;
	s7 =	smul.u32 $0x2710, s5  }
0x8: {  	s8 =	sshll.u32 s5, $0x4;
	_ =	strace $0x8000004A;
	s5 =	ssub.s32 $0x2, s5  }
0x9: {  	s22 =	sshll.u32 @!p0 s0, $0x6;
	s21 =	sshrl.u32 @p0 s21, $0x3;
	s8 =	sor.u32 s0, s8  }
0xa: {  	s9 =	sshrl.u32 s5, $0x1;
	s6 =	sadd.s32 s6, s7;
	s29 =	smul.u32 $0x2710, s8  }
0xb: {  	s22 =	sor.u32 @!p0 $0x1C02, s22;
	s31 =	ssub.s32 s5, s9;
	s6 =	sshll.u32 s6, $0x1  }
0xc: {  	s8 =	sshrl.u32 s30, $0x2;
	s7 =	sshrl.u32 s29, $0x3;
	s6 =	sadd.s32 s6, s4  }
0xd: {  	s4 =	sadd.s32 s4, s7;
	s5 =	sadd.s32 $0x11EE00, s6;
	s6 =	sadd.s32 s8, s2  }
0xe: {  	s7 =	smax.u32 s31, $0x1;
	s4 =	sadd.s32 $0xB3440, s4;
	s8 =	sadd.s32 $0x500, s6  }
0xf: {  	s9 =	sadd.s32 $0xA00, s6;
	s10 =	sadd.s32 $0xF00, s6;
	s11 =	sadd.s32 $0x1400, s6  }
0x10: {  	v0 =	vimm.f32 $1.000000000e+00;
	v1 =	vimm.f32 $0.0e+00;
	s12 =	sadd.s32 $0x1900, s6;
	s13 =	sadd.s32 $0x1E00, s6;
	s14 =	sadd.s32 $0x2300, s6  }
.LBB2_1:
0x11: {  	s23 =	simm.s32 $0x40;
	s24 =	simm.s32 $0x0  }
.LBB2_2:
0x12: {  	p1 =	sne.s32 s23, $0x13C0;
	[tilespmem:s24+$0x2800] =	vst v0;
	s25 =	smov.u32 s23;
	s23 =	sadd.s32 $0x40, s23  }
.Ltmp0:
0x13: {  	[tilespmem:s24+$0x2D00] =	vst v1;
	(pc) =	sbr.rel @p1 .LBB2_2-.Ltmp0, $2  }
0x14: {  	_ =	sdelay $0x2  }
0x15: {  	s24 =	sshra.s32 s25, $0x2  }
0x16: {  	[tilespmem:s24+$0x2800] =	vst v0  }
0x17: {  	[tilespmem:s24+$0x2D00] =	vst v1  }
0x18: {  	[spmem:s6] =	stream.linear.scatter [tilespmem:s15], [sflag:$0x2], $0x500, $0x38;
	[tilespmem:$0x5910] =	vst v63  }
0x19: {  	_ =	swait.ge [sflag:s16], $0x500  }
0x1a: {  	[sflag:s16] =	ssyncset.done $0x0  }
0x1b: {  	[sflag:s16] =	ssyncadd.s32 $0xFFFFFB00  }
0x1c: {  	[spmem:s8] =	stream.linear.scatter [tilespmem:s15], [sflag:$0x2], $0x500, $0x38;
	[tilespmem:$0x5910] =	vst v63  }
0x1d: {  	_ =	swait.ge [sflag:s16], $0x500  }
0x1e: {  	[sflag:s16] =	ssyncset.done $0x0  }
0x1f: {  	[sflag:s16] =	ssyncadd.s32 $0xFFFFFB00  }
0x20: {  	[spmem:s9] =	stream.linear.scatter [tilespmem:s15], [sflag:$0x2], $0x500, $0x38;
	[tilespmem:$0x5910] =	vst v63  }
0x21: {  	_ =	swait.ge [sflag:s16], $0x500  }
0x22: {  	[sflag:s16] =	ssyncset.done $0x0  }
0x23: {  	[sflag:s16] =	ssyncadd.s32 $0xFFFFFB00  }
0x24: {  	[spmem:s10] =	stream.linear.scatter [tilespmem:s15], [sflag:$0x2], $0x500, $0x38;
	[tilespmem:$0x5910] =	vst v63  }
0x25: {  	_ =	swait.ge [sflag:s16], $0x500  }
0x26: {  	[sflag:s16] =	ssyncset.done $0x0  }
0x27: {  	[sflag:s16] =	ssyncadd.s32 $0xFFFFFB00  }
0x28: {  	[spmem:s11] =	stream.linear.scatter [tilespmem:s15], [sflag:$0x2], $0x500, $0x38;
	[tilespmem:$0x5910] =	vst v63  }
0x29: {  	_ =	swait.ge [sflag:s16], $0x500  }
0x2a: {  	[sflag:s16] =	ssyncset.done $0x0  }
0x2b: {  	[sflag:s16] =	ssyncadd.s32 $0xFFFFFB00  }
0x2c: {  	[spmem:s12] =	stream.linear.scatter [tilespmem:s15], [sflag:$0x2], $0x500, $0x38;
	[tilespmem:$0x5910] =	vst v63  }
0x2d: {  	_ =	swait.ge [sflag:s16], $0x500  }
0x2e: {  	[sflag:s16] =	ssyncset.done $0x0  }
0x2f: {  	[sflag:s16] =	ssyncadd.s32 $0xFFFFFB00  }
0x30: {  	[spmem:s13] =	stream.linear.scatter [tilespmem:s15], [sflag:$0x2], $0x500, $0x38;
	[tilespmem:$0x5910] =	vst v63  }
0x31: {  	_ =	swait.ge [sflag:s16], $0x500  }
0x32: {  	[sflag:s16] =	ssyncset.done $0x0  }
0x33: {  	[sflag:s16] =	ssyncadd.s32 $0xFFFFFB00  }
0x34: {  	[spmem:s14] =	stream.linear.scatter [tilespmem:s15], [sflag:$0x2], $0x500, $0x38;
	[tilespmem:$0x5910] =	vst v63  }
0x35: {  	_ =	swait.ge [sflag:s16], $0x500  }
0x36: {  	[sflag:s16] =	ssyncset.done $0x0  }
0x37: {  	s23 =	simm.s32 $0x0;
	[sflag:s16] =	ssyncadd.s32 $0xFFFFFB00  }
0x38: {  	[tilespmem:s17], [sflag:$0x2] =	stream.linear.gather [hbm4b:s4+s23], $0x2710, $0x38;
	[tilespmem:$0x5910] =	vst v63  }
0x39: {  	_ =	swait.ge [sflag:s16], $0x2710  }
0x3a: {  	[sflag:s16] =	ssyncset.done $0x0  }
0x3b: {  	[sflag:s16] =	ssyncadd.s32 $0xFFFFD8F0  }
0x3c: {  	s26 =	simm.s32 $0x3200;
	[bflag:$0x0] =	sbarrier.arrive $0xFFFF  }
0x3d: {  	[spmem:s2] =	stream.indirect.scatter.add.f32 [tilespmem:s19], [sflag:$0x1], $0x10, s26, s18, $0xb8;
	[tilespmem:$0x5910] =	vst v63  }
0x3e: {  	s28 =	simm.s32 $0x3250  }
0x3f: {  	[spmem:s2] =	stream.indirect.scatter.add.f32 [tilespmem:s19], [sflag:$0x1], $0x10, s28, s18, $0xb8;
	[tilespmem:$0x5910] =	vst v63  }
0x40: {  	s29 =	simm.s32 $0x32A0  }
0x41: {  	[spmem:s2] =	stream.indirect.scatter.add.f32 [tilespmem:s19], [sflag:$0x1], $0x10, s29, s18, $0xb8;
	[tilespmem:$0x5910] =	vst v63  }
0x42: {  	s30 =	simm.s32 $0x32F0  }
0x43: {  	[spmem:s2] =	stream.indirect.scatter.add.f32 [tilespmem:s19], [sflag:$0x1], $0x10, s30, s18, $0xb8;
	[tilespmem:$0x5910] =	vst v63  }
0x44: {  	s31 =	simm.s32 $0x3340  }
0x45: {  	[spmem:s2] =	stream.indirect.scatter.add.f32 [tilespmem:s19], [sflag:$0x1], $0x10, s31, s18, $0xb8;
	[tilespmem:$0x5910] =	vst v63  }
0x46: {  	_ =	swait.ge [sflag:s20], $0x500  }
0x47: {  	[sflag:s20] =	ssyncset.done $0x0  }
0x48: {  	[sflag:s20] =	ssyncadd.s32 $0xFFFFFB00  }
0x49: {  	_ =	swait.ge [sflag:s20], $0x500  }
0x4a: {  	[sflag:s20] =	ssyncset.done $0x0  }
0x4b: {  	[sflag:s20] =	ssyncadd.s32 $0xFFFFFB00  }
0x4c: {  	_ =	swait.ge [sflag:s20], $0x500  }
0x4d: {  	[sflag:s20] =	ssyncset.done $0x0  }
0x4e: {  	[sflag:s20] =	ssyncadd.s32 $0xFFFFFB00  }
0x4f: {  	_ =	swait.ge [sflag:s20], $0x500  }
0x50: {  	[sflag:s20] =	ssyncset.done $0x0  }
0x51: {  	[sflag:s20] =	ssyncadd.s32 $0xFFFFFB00  }
0x52: {  	_ =	swait.ge [sflag:s20], $0x500  }
0x53: {  	s24 =	simm.s32 $0xC80;
	s23 =	simm.s32 $0x190;
	[sflag:s20] =	ssyncset.done $0x0  }
.LBB2_4:
0x54: {  	s25 =	sadd.s32 $0x3200, s23  }
0x55: {  	[sflag:s20] =	ssyncadd.s32 $0xFFFFFB00;
	s26 =	smov.u32 s24;
	s28 =	sadd.s32 $0x640, s24  }
0x56: {  	[spmem:s2] =	stream.indirect.scatter.add.f32 [tilespmem:s19], [sflag:$0x1], $0x10, s25, s18, $0xb8;
	[tilespmem:$0x5910] =	vst v63  }
0x57: {  	p1 =	sne.s32 s24, $0x9600;
	s24 =	sadd.s32 $0x3250, s23  }
0x58: {  	[spmem:s2] =	stream.indirect.scatter.add.f32 [tilespmem:s19], [sflag:$0x1], $0x10, s24, s18, $0xb8;
	[tilespmem:$0x5910] =	vst v63  }
0x59: {  	s24 =	sadd.s32 $0x32A0, s23  }
0x5a: {  	[spmem:s2] =	stream.indirect.scatter.add.f32 [tilespmem:s19], [sflag:$0x1], $0x10, s24, s18, $0xb8;
	[tilespmem:$0x5910] =	vst v63  }
0x5b: {  	s24 =	sadd.s32 $0x32F0, s23  }
0x5c: {  	[spmem:s2] =	stream.indirect.scatter.add.f32 [tilespmem:s19], [sflag:$0x1], $0x10, s24, s18, $0xb8;
	[tilespmem:$0x5910] =	vst v63  }
0x5d: {  	s23 =	sadd.s32 $0x3340, s23  }
0x5e: {  	[spmem:s2] =	stream.indirect.scatter.add.f32 [tilespmem:s19], [sflag:$0x1], $0x10, s23, s18, $0xb8;
	[tilespmem:$0x5910] =	vst v63  }
0x5f: {  	_ =	swait.ge [sflag:s20], $0x500  }
0x60: {  	[sflag:s20] =	ssyncset.done $0x0  }
0x61: {  	[sflag:s20] =	ssyncadd.s32 $0xFFFFFB00  }
0x62: {  	_ =	swait.ge [sflag:s20], $0x500  }
0x63: {  	[sflag:s20] =	ssyncset.done $0x0  }
0x64: {  	[sflag:s20] =	ssyncadd.s32 $0xFFFFFB00  }
0x65: {  	_ =	swait.ge [sflag:s20], $0x500  }
0x66: {  	[sflag:s20] =	ssyncset.done $0x0  }
0x67: {  	[sflag:s20] =	ssyncadd.s32 $0xFFFFFB00  }
.Ltmp1:
0x68: {  	_ =	swait.ge [sflag:s20], $0x500;
	(pc) =	sbr.rel @p1 .LBB2_4-.Ltmp1, $4  }
0x69: {  	[sflag:s20] =	ssyncset.done $0x0  }
0x6a: {  	[sflag:s20] =	ssyncadd.s32 $0xFFFFFB00  }
0x6b: {  	_ =	swait.ge [sflag:s20], $0x500  }
0x6c: {  	s24 =	smov.u32 s28;
	s23 =	sshra.s32 s26, $0x2;
	[sflag:s20] =	ssyncset.done $0x0  }
0x6d: {  	s24 =	sadd.s32 $0x3200, s23;
	[sflag:s20] =	ssyncadd.s32 $0xFFFFFB00  }
0x6e: {  	[spmem:s2] =	stream.indirect.scatter.add.f32 [tilespmem:s19], [sflag:$0x1], $0x10, s24, s18, $0xb8;
	[tilespmem:$0x5910] =	vst v63  }
0x6f: {  	s28 =	sadd.s32 $0x3250, s23  }
0x70: {  	[spmem:s2] =	stream.indirect.scatter.add.f32 [tilespmem:s19], [sflag:$0x1], $0x10, s28, s18, $0xb8;
	[tilespmem:$0x5910] =	vst v63  }
0x71: {  	s29 =	sadd.s32 $0x32A0, s23  }
0x72: {  	[spmem:s2] =	stream.indirect.scatter.add.f32 [tilespmem:s19], [sflag:$0x1], $0x10, s29, s18, $0xb8;
	[tilespmem:$0x5910] =	vst v63  }
0x73: {  	s30 =	sadd.s32 $0x32F0, s23  }
0x74: {  	[spmem:s2] =	stream.indirect.scatter.add.f32 [tilespmem:s19], [sflag:$0x1], $0x10, s30, s18, $0xb8;
	[tilespmem:$0x5910] =	vst v63  }
0x75: {  	s31 =	sadd.s32 $0x3340, s23  }
0x76: {  	[spmem:s2] =	stream.indirect.scatter.add.f32 [tilespmem:s19], [sflag:$0x1], $0x10, s31, s18, $0xb8;
	[tilespmem:$0x5910] =	vst v63  }
0x77: {  	_ =	swait.ge [sflag:s20], $0x500  }
0x78: {  	[sflag:s20] =	ssyncset.done $0x0  }
0x79: {  	[sflag:s20] =	ssyncadd.s32 $0xFFFFFB00  }
0x7a: {  	_ =	swait.ge [sflag:s20], $0x500  }
0x7b: {  	[sflag:s20] =	ssyncset.done $0x0  }
0x7c: {  	[sflag:s20] =	ssyncadd.s32 $0xFFFFFB00  }
0x7d: {  	_ =	swait.ge [sflag:s20], $0x500  }
0x7e: {  	[sflag:s20] =	ssyncset.done $0x0  }
0x7f: {  	[sflag:s20] =	ssyncadd.s32 $0xFFFFFB00  }
0x80: {  	_ =	swait.ge [sflag:s20], $0x500  }
0x81: {  	[sflag:s20] =	ssyncset.done $0x0  }
0x82: {  	[sflag:s20] =	ssyncadd.s32 $0xFFFFFB00  }
0x83: {  	_ =	swait.ge [sflag:s20], $0x500  }
0x84: {  	[sflag:s20] =	ssyncset.done $0x0  }
0x85: {  	[sflag:s20] =	ssyncadd.s32 $0xFFFFFB00  }
0x86: {  	s23 =	simm.s32 @p0 $0x1FC2;
	[bflag:$0x0] =	sbarrier.arrive $0xFFFF  }
0x87: {  	[hbm:s5], [sflag:s23] =	dma.local @p0 [spmem:s21], $0x320  }
0x88: {  	s23 =	simm.s32 @p0 $0x2  }
0x89: {  	_ =	swait.ge @p0 [sflag:s23], $0x320  }
0x8a: {  	s3 =	sadd.s32 $0x1, s3;
	[sflag:s23] =	ssyncset.done @p0 $0x0  }
0x8b: {  	p1 =	sne.s32 s3, s7;
	[sflag:s23] =	ssyncadd.s32 @p0 $0xFFFFFCE0;
	s23 =	sshrl.u32 @!p0 s6, $0x3  }
0x8c: {  	[hbm:s5], [sflag:s22] =	dma.local @!p0 [spmem:s23], $0x500  }
.Ltmp2:
0x8d: {  	_ = 	snop;
	(pc) =	sbr.rel @p1 .LBB2_1-.Ltmp2, $4  }
0x8e: {  	s23 =	simm.s32 @!p0 $0x2  }
0x8f: {  	_ =	swait.ge @!p0 [sflag:s23], $0x500  }
0x90: {  	[sflag:s23] =	ssyncset.done @!p0 $0x0  }
0x91: {  	[sflag:s23] =	ssyncadd.s32 @!p0 $0xFFFFFB00  }
0x92: {  	_ =	sfence.sel $0x180000  }
0x93: {  	[bflag:$0x0] =	sbarrier.arrive $0xFFFF  }
0x94: {  	p0 =	sne.s32 s0, $0x0;
	_ =	strace $0x9000004A  }
0x95: {  	s0 =	sadd.s32 @!p0 $0x100000, s1;
	[bflag:$0x2] =	sbarrier.arrive $0xFFFF  }
0x96: {  	[sflag:s0] =	ssyncadd.tile.s32 @!p0 $0x1;
	_ =	shalt  }
.Lfunc_end2:
_tile_overlayer_lowered:
.L_overlay_start_2:
0x97: {  	(tag) =	ssettag $0x2  }
0x98: {  	s0 =	rddreg [dreg:$0x0];
	s2 =	stileid.u32  }
0x99: {  	s1 =	rddreg [dreg:$0x1];
	p0 =	sne.s32 s2, $0x0  }
0x9a: {  	s3 =	rddreg [dreg:$0x2];
	[bflag:$0x3] =	sbarrier.arrive $0xFFFF;
	s2 =	simm.s32 @!p0 $0x1C02  }
0x9b: {  	[timem:s3], [sflag:s2] =	dma.local @!p0 [hbm:s0], s1  }
0x9c: {  	s0 =	simm.s32 @!p0 $0x2  }
0x9d: {  	_ =	swait.ge @!p0 [sflag:s0], s1  }
0x9e: {  	s1 =	ssub.s32 @!p0 $0x0, s1;
	[sflag:s0] =	ssyncset.done @!p0 $0x0  }
0x9f: {  	[sflag:s0] =	ssyncadd.s32 @!p0 s1  }
0xa0: {  	[bflag:$0x3] =	sbarrier.arrive $0xFFFF  }
0xa1: {  	_ =	shalt  }

</sc_bundles>
